<compile_context>
chip_gen: v7x
topology: tpu7x:2x2x1
jax: 0.10.2.dev20260603
libtpu: 0.0.44.dev20260713+nightly
codegen_flags: <defaults>
</compile_context>

<pallas_src>
import functools

import jax
import jax.numpy as jnp
from jax import lax
from jax.experimental import pallas as pl
from jax.experimental.pallas import tpu as pltpu, tpu_sc as plsc

GAMMA = 12.0
HIDDEN_DIM = 128
BATCH = 16384
NC, NS, L = 2, 16, 16
NW = NC * NS
PER_W = BATCH // NW
CHUNK = 64
NCHUNK = PER_W // CHUNK
SLOTS = 3


def _body(idx_hbm, ent_hbm, rel_hbm, out_hbm,
          idx_v, hh0, hh1, hh2, rr0, rr1, rr2, tt0, tt1, tt2, res,
          sem0, sem1, sem2):
    wid = lax.axis_index("s") * NC + lax.axis_index("c")
    base = wid * PER_W
    lane = lax.iota(jnp.int32, L)
    hh = (hh0, hh1, hh2)
    rr = (rr0, rr1, rr2)
    tt = (tt0, tt1, tt2)
    sems = (sem0, sem1, sem2)

    pltpu.sync_copy(idx_hbm.at[wid], idx_v)

    def fire(c):
        s = c % SLOTS
        return (pltpu.async_copy(ent_hbm.at[idx_v.at[0, c]], hh[s], sems[s]),
                pltpu.async_copy(rel_hbm.at[idx_v.at[1, c]], rr[s], sems[s]),
                pltpu.async_copy(ent_hbm.at[idx_v.at[2, c]], tt[s], sems[s]))

    DBLK = 8

    def compute(c):
        s = c % SLOTS
        rhh, rrr, rtt = hh[s], rr[s], tt[s]

        def group(g, _):
            row = g * L + lane

            def dblock(db, carry):
                acc0, acc1 = carry
                dbase = db * DBLK
                for u in range(DBLK):
                    col = (lane + dbase + u) & (HIDDEN_DIM - 1)
                    h = plsc.load_gather(rhh, [row, col])
                    r = plsc.load_gather(rrr, [row, col])
                    t = plsc.load_gather(rtt, [row, col])
                    v = jnp.abs(h + r - t)
                    if u % 2 == 0:
                        acc0 = acc0 + v
                    else:
                        acc1 = acc1 + v
                return acc0, acc1

            z = jnp.zeros((L,), jnp.float32)
            acc0, acc1 = lax.fori_loop(0, HIDDEN_DIM // DBLK, dblock, (z, z))
            res[pl.ds(c * CHUNK + g * L, L)] = GAMMA - (acc0 + acc1)
            return _

        lax.fori_loop(0, CHUNK // L, group, None)

    pend = {0: fire(0), 1: fire(1)}
    for c in range(NCHUNK):
        if c + 2 < NCHUNK:
            pend[c + 2] = fire(c + 2)
        for cp in pend.pop(c):
            cp.wait()
        compute(c)
    pltpu.sync_copy(res, out_hbm.at[pl.ds(base, PER_W)])


@jax.jit
def kernel(sample, entity_embedding, relation_embedding):
    idx = sample.astype(jnp.int32).T.reshape(3, NW, NCHUNK, CHUNK)
    idx = jnp.swapaxes(idx, 0, 1)
    mesh = plsc.VectorSubcoreMesh(core_axis_name="c", subcore_axis_name="s",
                                  num_cores=NC, num_subcores=NS)
    run = pl.kernel(
        _body,
        out_type=jax.ShapeDtypeStruct((BATCH,), jnp.float32),
        mesh=mesh,
        compiler_params=pltpu.CompilerParams(needs_layout_passes=False),
        scratch_types=[
            pltpu.VMEM((3, NCHUNK, CHUNK), jnp.int32),
            pltpu.VMEM((CHUNK, HIDDEN_DIM), jnp.float32),
            pltpu.VMEM((CHUNK, HIDDEN_DIM), jnp.float32),
            pltpu.VMEM((CHUNK, HIDDEN_DIM), jnp.float32),
            pltpu.VMEM((CHUNK, HIDDEN_DIM), jnp.float32),
            pltpu.VMEM((CHUNK, HIDDEN_DIM), jnp.float32),
            pltpu.VMEM((CHUNK, HIDDEN_DIM), jnp.float32),
            pltpu.VMEM((CHUNK, HIDDEN_DIM), jnp.float32),
            pltpu.VMEM((CHUNK, HIDDEN_DIM), jnp.float32),
            pltpu.VMEM((CHUNK, HIDDEN_DIM), jnp.float32),
            pltpu.VMEM((PER_W,), jnp.float32),
            pltpu.SemaphoreType.DMA,
            pltpu.SemaphoreType.DMA,
            pltpu.SemaphoreType.DMA,
        ],
    )
    score = run(idx, entity_embedding, relation_embedding)
    return score[:, None]

# --- scband reference (transcript-rebuilt; emitter-appended) ---
"""Pipeline reference for scband-kgemodel-36180804501964 (READ-ONLY COPY).

The authoritative reference and input builder live on the scoring server;
editing this copy changes nothing except your own understanding.
"""

import jax, jax.numpy as jnp
import numpy as np

NENTITY = 100000
NRELATION = 100000
HIDDEN_DIM = 128
GAMMA = 12.0
EPSILON = 2.0
EMBEDDING_RANGE = (GAMMA + EPSILON) / HIDDEN_DIM
BATCH = 16384


def setup_inputs(seed: int = 0) -> dict:
    key = jax.random.key(seed)
    k1, k2, k3 = jax.random.split(key, 3)
    sample = jax.random.randint(k1, (BATCH, 3), 0, NENTITY, dtype=jnp.int64 if jax.config.jax_enable_x64 else jnp.int32)
    entity_embedding = jax.random.uniform(k2, (NENTITY, HIDDEN_DIM), dtype=jnp.float32, minval=-EMBEDDING_RANGE, maxval=EMBEDDING_RANGE)
    relation_embedding = jax.random.uniform(k3, (NRELATION, HIDDEN_DIM), dtype=jnp.float32, minval=-EMBEDDING_RANGE, maxval=EMBEDDING_RANGE)
    return {"sample": sample, "entity_embedding": entity_embedding, "relation_embedding": relation_embedding}


def reference(sample, entity_embedding, relation_embedding):
    # mode == 'single' path of KGEModel.forward with model_name == 'TransE'
    head = jnp.take(entity_embedding, sample[:, 0], axis=0)[:, None, :]      # [B, 1, d]
    relation = jnp.take(relation_embedding, sample[:, 1], axis=0)[:, None, :]  # [B, 1, d]
    tail = jnp.take(entity_embedding, sample[:, 2], axis=0)[:, None, :]      # [B, 1, d]
    score = head + relation - tail
    score = GAMMA - jnp.sum(jnp.abs(score), axis=2)  # L1 norm over embedding dim -> [B, 1]
    return score

if __name__ == "__main__":
    import jax
    _d = setup_inputs()
    print(jax.jit(kernel)(*tuple(_d.values())))

</pallas_src>

<mosaic_0001>
#map = affine_map<(d0, d1) -> (0, 0, 0, 0)>
#map1 = affine_map<(d0, d1) -> (0, 0)>
#map2 = affine_map<(d0, d1) -> (0)>
module attributes {stable_mosaic.version = 14 : i64} {
  func.func @_body(%arg0: i32, %arg1: i32, %arg2: memref<32x3x8x64xi32, #tpu.memory_space<hbm>>, %arg3: memref<100000x128xf32, #tpu.memory_space<hbm>>, %arg4: memref<100000x128xf32, #tpu.memory_space<hbm>>, %arg5: memref<16384xf32, #tpu.memory_space<hbm>>, %arg6: memref<3x8x64xi32, #tpu.memory_space<vmem>>, %arg7: memref<64x128xf32, #tpu.memory_space<vmem>>, %arg8: memref<64x128xf32, #tpu.memory_space<vmem>>, %arg9: memref<64x128xf32, #tpu.memory_space<vmem>>, %arg10: memref<64x128xf32, #tpu.memory_space<vmem>>, %arg11: memref<64x128xf32, #tpu.memory_space<vmem>>, %arg12: memref<64x128xf32, #tpu.memory_space<vmem>>, %arg13: memref<64x128xf32, #tpu.memory_space<vmem>>, %arg14: memref<64x128xf32, #tpu.memory_space<vmem>>, %arg15: memref<64x128xf32, #tpu.memory_space<vmem>>, %arg16: memref<512xf32, #tpu.memory_space<vmem>>, %arg17: memref<!tpu.dma_semaphore, #tpu.memory_space<semaphore_mem>>, %arg18: memref<!tpu.dma_semaphore, #tpu.memory_space<semaphore_mem>>, %arg19: memref<!tpu.dma_semaphore, #tpu.memory_space<semaphore_mem>>) attributes {dimension_semantics = [#tpu.dimension_semantics<core_parallel>, #tpu.dimension_semantics<subcore_parallel>], iteration_bounds = array<i64: 2, 16>, scalar_prefetch = 0 : i64, scratch_operands = 14 : i64, tpu.core_type = #tpu.core_type<sc_vector_subcore>, window_params = [{transform_indices = #map}, {transform_indices = #map1}, {transform_indices = #map1}, {transform_indices = #map2}]} {
    %mul3A = arith.constant 2 : i32
    %mul3A_0 = arith.muli %arg1, %mul3A : i32
    %add3A = arith.addi %mul3A_0, %arg0 : i32
    %mul3A_1 = arith.constant 512 : i32
    %mul3A_2 = arith.muli %add3A, %mul3A_1 : i32
    %iota3A = tpu.iota {dimensions = array<i32: 0>} : vector<16xi32>
    "tpu.region"() ({
      %run_scoped3A = tpu.sem_alloc : memref<!tpu.dma_semaphore, #tpu.memory_space<semaphore_mem>>
      %dma_start3A_424 = arith.constant 0 : i32
      %dma_start3A_425 = arith.constant 0 : i32
      %dma_start3A_426 = arith.constant 0 : i32
      %dma_start3A_427 = tpu.memref_slice %arg2[%add3A, %dma_start3A_424, %dma_start3A_425, %dma_start3A_426] : memref<32x3x8x64xi32, #tpu.memory_space<hbm>> -> memref<1x3x8x64xi32, #tpu.memory_space<hbm>>
      %dma_start3A_428 = tpu.memref_squeeze %dma_start3A_427 : memref<1x3x8x64xi32, #tpu.memory_space<hbm>> -> memref<3x8x64xi32, #tpu.memory_space<hbm>>
      %dma_start3A_429 = arith.constant 0 : i32
      %dma_start3A_430 = arith.constant 0 : i32
      %dma_start3A_431 = arith.constant 0 : i32
      %dma_start3A_432 = tpu.memref_slice %arg2[%add3A, %dma_start3A_429, %dma_start3A_430, %dma_start3A_431] : memref<32x3x8x64xi32, #tpu.memory_space<hbm>> -> memref<1x3x8x64xi32, #tpu.memory_space<hbm>>
      %dma_start3A_433 = tpu.memref_squeeze %dma_start3A_432 : memref<1x3x8x64xi32, #tpu.memory_space<hbm>> -> memref<3x8x64xi32, #tpu.memory_space<hbm>>
      tpu.enqueue_dma source(%dma_start3A_433 : memref<3x8x64xi32, #tpu.memory_space<hbm>>) target(%arg6 : memref<3x8x64xi32, #tpu.memory_space<vmem>>) target_semaphore(%run_scoped3A : memref<!tpu.dma_semaphore, #tpu.memory_space<semaphore_mem>>)
      %dma_wait3A_434 = arith.constant 0 : i32
      %dma_wait3A_435 = arith.constant 0 : i32
      %dma_wait3A_436 = arith.constant 0 : i32
      %dma_wait3A_437 = tpu.memref_slice %arg2[%add3A, %dma_wait3A_434, %dma_wait3A_435, %dma_wait3A_436] : memref<32x3x8x64xi32, #tpu.memory_space<hbm>> -> memref<1x3x8x64xi32, #tpu.memory_space<hbm>>
      %dma_wait3A_438 = tpu.memref_squeeze %dma_wait3A_437 : memref<1x3x8x64xi32, #tpu.memory_space<hbm>> -> memref<3x8x64xi32, #tpu.memory_space<hbm>>
      %dma_wait3A_439 = arith.constant 0 : i32
      %dma_wait3A_440 = arith.constant 0 : i32
      %dma_wait3A_441 = arith.constant 0 : i32
      %dma_wait3A_442 = tpu.memref_slice %arg2[%add3A, %dma_wait3A_439, %dma_wait3A_440, %dma_wait3A_441] : memref<32x3x8x64xi32, #tpu.memory_space<hbm>> -> memref<1x3x8x64xi32, #tpu.memory_space<hbm>>
      %dma_wait3A_443 = tpu.memref_squeeze %dma_wait3A_442 : memref<1x3x8x64xi32, #tpu.memory_space<hbm>> -> memref<3x8x64xi32, #tpu.memory_space<hbm>>
      tpu.wait_dma2 semaphore(%run_scoped3A : memref<!tpu.dma_semaphore, #tpu.memory_space<semaphore_mem>>) src(%dma_wait3A_443 : memref<3x8x64xi32, #tpu.memory_space<hbm>>) dst(%arg6 : memref<3x8x64xi32, #tpu.memory_space<vmem>>)
      tpu.yield
    }) : () -> ()
    %dma_start3A = arith.constant 0 : i32
    %dma_start3A_3 = arith.constant 0 : i32
    %dma_start3A_4 = arith.constant 0 : i32
    %dma_start3A_5 = tpu.memref_slice %arg6[%dma_start3A, %dma_start3A_3, %dma_start3A_4] : memref<3x8x64xi32, #tpu.memory_space<vmem>> -> memref<1x1x64xi32, #tpu.memory_space<vmem>>
    %dma_start3A_6 = tpu.memref_squeeze %dma_start3A_5 : memref<1x1x64xi32, #tpu.memory_space<vmem>> -> memref<64xi32, #tpu.memory_space<vmem>>
    %dma_start3A_7 = arith.constant 0 : i32
    %dma_start3A_8 = arith.constant 0 : i32
    %dma_start3A_9 = tpu.memref_slice %arg3[%dma_start3A_7, %dma_start3A_8] : memref<100000x128xf32, #tpu.memory_space<hbm>> -> memref<100000x128xf32, #tpu.memory_space<hbm>>
    tpu.enqueue_indirect_dma source(%dma_start3A_9 : memref<100000x128xf32, #tpu.memory_space<hbm>>) target(%arg7 : memref<64x128xf32, #tpu.memory_space<vmem>>) offsets(%dma_start3A_6 : memref<64xi32, #tpu.memory_space<vmem>>) semaphore(%arg17 : memref<!tpu.dma_semaphore, #tpu.memory_space<semaphore_mem>>)
    %dma_start3A_10 = arith.constant 1 : i32
    %dma_start3A_11 = arith.constant 0 : i32
    %dma_start3A_12 = arith.constant 0 : i32
    %dma_start3A_13 = tpu.memref_slice %arg6[%dma_start3A_10, %dma_start3A_11, %dma_start3A_12] : memref<3x8x64xi32, #tpu.memory_space<vmem>> -> memref<1x1x64xi32, #tpu.memory_space<vmem>>
    %dma_start3A_14 = tpu.memref_squeeze %dma_start3A_13 : memref<1x1x64xi32, #tpu.memory_space<vmem>> -> memref<64xi32, #tpu.memory_space<vmem>>
    %dma_start3A_15 = arith.constant 0 : i32
    %dma_start3A_16 = arith.constant 0 : i32
    %dma_start3A_17 = tpu.memref_slice %arg4[%dma_start3A_15, %dma_start3A_16] : memref<100000x128xf32, #tpu.memory_space<hbm>> -> memref<100000x128xf32, #tpu.memory_space<hbm>>
    tpu.enqueue_indirect_dma source(%dma_start3A_17 : memref<100000x128xf32, #tpu.memory_space<hbm>>) target(%arg10 : memref<64x128xf32, #tpu.memory_space<vmem>>) offsets(%dma_start3A_14 : memref<64xi32, #tpu.memory_space<vmem>>) semaphore(%arg17 : memref<!tpu.dma_semaphore, #tpu.memory_space<semaphore_mem>>)
    %dma_start3A_18 = arith.constant 2 : i32
    %dma_start3A_19 = arith.constant 0 : i32
    %dma_start3A_20 = arith.constant 0 : i32
    %dma_start3A_21 = tpu.memref_slice %arg6[%dma_start3A_18, %dma_start3A_19, %dma_start3A_20] : memref<3x8x64xi32, #tpu.memory_space<vmem>> -> memref<1x1x64xi32, #tpu.memory_space<vmem>>
    %dma_start3A_22 = tpu.memref_squeeze %dma_start3A_21 : memref<1x1x64xi32, #tpu.memory_space<vmem>> -> memref<64xi32, #tpu.memory_space<vmem>>
    %dma_start3A_23 = arith.constant 0 : i32
    %dma_start3A_24 = arith.constant 0 : i32
    %dma_start3A_25 = tpu.memref_slice %arg3[%dma_start3A_23, %dma_start3A_24] : memref<100000x128xf32, #tpu.memory_space<hbm>> -> memref<100000x128xf32, #tpu.memory_space<hbm>>
    tpu.enqueue_indirect_dma source(%dma_start3A_25 : memref<100000x128xf32, #tpu.memory_space<hbm>>) target(%arg13 : memref<64x128xf32, #tpu.memory_space<vmem>>) offsets(%dma_start3A_22 : memref<64xi32, #tpu.memory_space<vmem>>) semaphore(%arg17 : memref<!tpu.dma_semaphore, #tpu.memory_space<semaphore_mem>>)
    %dma_start3A_26 = arith.constant 0 : i32
    %dma_start3A_27 = arith.constant 1 : i32
    %dma_start3A_28 = arith.constant 0 : i32
    %dma_start3A_29 = tpu.memref_slice %arg6[%dma_start3A_26, %dma_start3A_27, %dma_start3A_28] : memref<3x8x64xi32, #tpu.memory_space<vmem>> -> memref<1x1x64xi32, #tpu.memory_space<vmem>>
    %dma_start3A_30 = tpu.memref_squeeze %dma_start3A_29 : memref<1x1x64xi32, #tpu.memory_space<vmem>> -> memref<64xi32, #tpu.memory_space<vmem>>
    %dma_start3A_31 = arith.constant 0 : i32
    %dma_start3A_32 = arith.constant 0 : i32
    %dma_start3A_33 = tpu.memref_slice %arg3[%dma_start3A_31, %dma_start3A_32] : memref<100000x128xf32, #tpu.memory_space<hbm>> -> memref<100000x128xf32, #tpu.memory_space<hbm>>
    tpu.enqueue_indirect_dma source(%dma_start3A_33 : memref<100000x128xf32, #tpu.memory_space<hbm>>) target(%arg8 : memref<64x128xf32, #tpu.memory_space<vmem>>) offsets(%dma_start3A_30 : memref<64xi32, #tpu.memory_space<vmem>>) semaphore(%arg18 : memref<!tpu.dma_semaphore, #tpu.memory_space<semaphore_mem>>)
    %dma_start3A_34 = arith.constant 1 : i32
    %dma_start3A_35 = arith.constant 1 : i32
    %dma_start3A_36 = arith.constant 0 : i32
    %dma_start3A_37 = tpu.memref_slice %arg6[%dma_start3A_34, %dma_start3A_35, %dma_start3A_36] : memref<3x8x64xi32, #tpu.memory_space<vmem>> -> memref<1x1x64xi32, #tpu.memory_space<vmem>>
    %dma_start3A_38 = tpu.memref_squeeze %dma_start3A_37 : memref<1x1x64xi32, #tpu.memory_space<vmem>> -> memref<64xi32, #tpu.memory_space<vmem>>
    %dma_start3A_39 = arith.constant 0 : i32
    %dma_start3A_40 = arith.constant 0 : i32
    %dma_start3A_41 = tpu.memref_slice %arg4[%dma_start3A_39, %dma_start3A_40] : memref<100000x128xf32, #tpu.memory_space<hbm>> -> memref<100000x128xf32, #tpu.memory_space<hbm>>
    tpu.enqueue_indirect_dma source(%dma_start3A_41 : memref<100000x128xf32, #tpu.memory_space<hbm>>) target(%arg11 : memref<64x128xf32, #tpu.memory_space<vmem>>) offsets(%dma_start3A_38 : memref<64xi32, #tpu.memory_space<vmem>>) semaphore(%arg18 : memref<!tpu.dma_semaphore, #tpu.memory_space<semaphore_mem>>)
    %dma_start3A_42 = arith.constant 2 : i32
    %dma_start3A_43 = arith.constant 1 : i32
    %dma_start3A_44 = arith.constant 0 : i32
    %dma_start3A_45 = tpu.memref_slice %arg6[%dma_start3A_42, %dma_start3A_43, %dma_start3A_44] : memref<3x8x64xi32, #tpu.memory_space<vmem>> -> memref<1x1x64xi32, #tpu.memory_space<vmem>>
    %dma_start3A_46 = tpu.memref_squeeze %dma_start3A_45 : memref<1x1x64xi32, #tpu.memory_space<vmem>> -> memref<64xi32, #tpu.memory_space<vmem>>
    %dma_start3A_47 = arith.constant 0 : i32
    %dma_start3A_48 = arith.constant 0 : i32
    %dma_start3A_49 = tpu.memref_slice %arg3[%dma_start3A_47, %dma_start3A_48] : memref<100000x128xf32, #tpu.memory_space<hbm>> -> memref<100000x128xf32, #tpu.memory_space<hbm>>
    tpu.enqueue_indirect_dma source(%dma_start3A_49 : memref<100000x128xf32, #tpu.memory_space<hbm>>) target(%arg14 : memref<64x128xf32, #tpu.memory_space<vmem>>) offsets(%dma_start3A_46 : memref<64xi32, #tpu.memory_space<vmem>>) semaphore(%arg18 : memref<!tpu.dma_semaphore, #tpu.memory_space<semaphore_mem>>)
    %dma_start3A_50 = arith.constant 0 : i32
    %dma_start3A_51 = arith.constant 2 : i32
    %dma_start3A_52 = arith.constant 0 : i32
    %dma_start3A_53 = tpu.memref_slice %arg6[%dma_start3A_50, %dma_start3A_51, %dma_start3A_52] : memref<3x8x64xi32, #tpu.memory_space<vmem>> -> memref<1x1x64xi32, #tpu.memory_space<vmem>>
    %dma_start3A_54 = tpu.memref_squeeze %dma_start3A_53 : memref<1x1x64xi32, #tpu.memory_space<vmem>> -> memref<64xi32, #tpu.memory_space<vmem>>
    %dma_start3A_55 = arith.constant 0 : i32
    %dma_start3A_56 = arith.constant 0 : i32
    %dma_start3A_57 = tpu.memref_slice %arg3[%dma_start3A_55, %dma_start3A_56] : memref<100000x128xf32, #tpu.memory_space<hbm>> -> memref<100000x128xf32, #tpu.memory_space<hbm>>
    tpu.enqueue_indirect_dma source(%dma_start3A_57 : memref<100000x128xf32, #tpu.memory_space<hbm>>) target(%arg9 : memref<64x128xf32, #tpu.memory_space<vmem>>) offsets(%dma_start3A_54 : memref<64xi32, #tpu.memory_space<vmem>>) semaphore(%arg19 : memref<!tpu.dma_semaphore, #tpu.memory_space<semaphore_mem>>)
    %dma_start3A_58 = arith.constant 1 : i32
    %dma_start3A_59 = arith.constant 2 : i32
    %dma_start3A_60 = arith.constant 0 : i32
    %dma_start3A_61 = tpu.memref_slice %arg6[%dma_start3A_58, %dma_start3A_59, %dma_start3A_60] : memref<3x8x64xi32, #tpu.memory_space<vmem>> -> memref<1x1x64xi32, #tpu.memory_space<vmem>>
    %dma_start3A_62 = tpu.memref_squeeze %dma_start3A_61 : memref<1x1x64xi32, #tpu.memory_space<vmem>> -> memref<64xi32, #tpu.memory_space<vmem>>
    %dma_start3A_63 = arith.constant 0 : i32
    %dma_start3A_64 = arith.constant 0 : i32
    %dma_start3A_65 = tpu.memref_slice %arg4[%dma_start3A_63, %dma_start3A_64] : memref<100000x128xf32, #tpu.memory_space<hbm>> -> memref<100000x128xf32, #tpu.memory_space<hbm>>
    tpu.enqueue_indirect_dma source(%dma_start3A_65 : memref<100000x128xf32, #tpu.memory_space<hbm>>) target(%arg12 : memref<64x128xf32, #tpu.memory_space<vmem>>) offsets(%dma_start3A_62 : memref<64xi32, #tpu.memory_space<vmem>>) semaphore(%arg19 : memref<!tpu.dma_semaphore, #tpu.memory_space<semaphore_mem>>)
    %dma_start3A_66 = arith.constant 2 : i32
    %dma_start3A_67 = arith.constant 2 : i32
    %dma_start3A_68 = arith.constant 0 : i32
    %dma_start3A_69 = tpu.memref_slice %arg6[%dma_start3A_66, %dma_start3A_67, %dma_start3A_68] : memref<3x8x64xi32, #tpu.memory_space<vmem>> -> memref<1x1x64xi32, #tpu.memory_space<vmem>>
    %dma_start3A_70 = tpu.memref_squeeze %dma_start3A_69 : memref<1x1x64xi32, #tpu.memory_space<vmem>> -> memref<64xi32, #tpu.memory_space<vmem>>
    %dma_start3A_71 = arith.constant 0 : i32
    %dma_start3A_72 = arith.constant 0 : i32
    %dma_start3A_73 = tpu.memref_slice %arg3[%dma_start3A_71, %dma_start3A_72] : memref<100000x128xf32, #tpu.memory_space<hbm>> -> memref<100000x128xf32, #tpu.memory_space<hbm>>
    tpu.enqueue_indirect_dma source(%dma_start3A_73 : memref<100000x128xf32, #tpu.memory_space<hbm>>) target(%arg15 : memref<64x128xf32, #tpu.memory_space<vmem>>) offsets(%dma_start3A_70 : memref<64xi32, #tpu.memory_space<vmem>>) semaphore(%arg19 : memref<!tpu.dma_semaphore, #tpu.memory_space<semaphore_mem>>)
    %dma_wait3A = arith.constant 0 : i32
    %dma_wait3A_74 = arith.constant 0 : i32
    %dma_wait3A_75 = arith.constant 0 : i32
    %dma_wait3A_76 = tpu.memref_slice %arg6[%dma_wait3A, %dma_wait3A_74, %dma_wait3A_75] : memref<3x8x64xi32, #tpu.memory_space<vmem>> -> memref<1x1x64xi32, #tpu.memory_space<vmem>>
    %dma_wait3A_77 = tpu.memref_squeeze %dma_wait3A_76 : memref<1x1x64xi32, #tpu.memory_space<vmem>> -> memref<64xi32, #tpu.memory_space<vmem>>
    %dma_wait3A_78 = arith.constant 0 : i32
    %dma_wait3A_79 = arith.constant 0 : i32
    %dma_wait3A_80 = tpu.memref_slice %arg3[%dma_wait3A_78, %dma_wait3A_79] : memref<100000x128xf32, #tpu.memory_space<hbm>> -> memref<100000x128xf32, #tpu.memory_space<hbm>>
    tpu.wait_indirect_dma semaphore(%arg17 : memref<!tpu.dma_semaphore, #tpu.memory_space<semaphore_mem>>) src(%dma_wait3A_80 : memref<100000x128xf32, #tpu.memory_space<hbm>>) dst(%arg7 : memref<64x128xf32, #tpu.memory_space<vmem>>)
    %dma_wait3A_81 = arith.constant 1 : i32
    %dma_wait3A_82 = arith.constant 0 : i32
    %dma_wait3A_83 = arith.constant 0 : i32
    %dma_wait3A_84 = tpu.memref_slice %arg6[%dma_wait3A_81, %dma_wait3A_82, %dma_wait3A_83] : memref<3x8x64xi32, #tpu.memory_space<vmem>> -> memref<1x1x64xi32, #tpu.memory_space<vmem>>
    %dma_wait3A_85 = tpu.memref_squeeze %dma_wait3A_84 : memref<1x1x64xi32, #tpu.memory_space<vmem>> -> memref<64xi32, #tpu.memory_space<vmem>>
    %dma_wait3A_86 = arith.constant 0 : i32
    %dma_wait3A_87 = arith.constant 0 : i32
    %dma_wait3A_88 = tpu.memref_slice %arg4[%dma_wait3A_86, %dma_wait3A_87] : memref<100000x128xf32, #tpu.memory_space<hbm>> -> memref<100000x128xf32, #tpu.memory_space<hbm>>
    tpu.wait_indirect_dma semaphore(%arg17 : memref<!tpu.dma_semaphore, #tpu.memory_space<semaphore_mem>>) src(%dma_wait3A_88 : memref<100000x128xf32, #tpu.memory_space<hbm>>) dst(%arg10 : memref<64x128xf32, #tpu.memory_space<vmem>>)
    %dma_wait3A_89 = arith.constant 2 : i32
    %dma_wait3A_90 = arith.constant 0 : i32
    %dma_wait3A_91 = arith.constant 0 : i32
    %dma_wait3A_92 = tpu.memref_slice %arg6[%dma_wait3A_89, %dma_wait3A_90, %dma_wait3A_91] : memref<3x8x64xi32, #tpu.memory_space<vmem>> -> memref<1x1x64xi32, #tpu.memory_space<vmem>>
    %dma_wait3A_93 = tpu.memref_squeeze %dma_wait3A_92 : memref<1x1x64xi32, #tpu.memory_space<vmem>> -> memref<64xi32, #tpu.memory_space<vmem>>
    %dma_wait3A_94 = arith.constant 0 : i32
    %dma_wait3A_95 = arith.constant 0 : i32
    %dma_wait3A_96 = tpu.memref_slice %arg3[%dma_wait3A_94, %dma_wait3A_95] : memref<100000x128xf32, #tpu.memory_space<hbm>> -> memref<100000x128xf32, #tpu.memory_space<hbm>>
    tpu.wait_indirect_dma semaphore(%arg17 : memref<!tpu.dma_semaphore, #tpu.memory_space<semaphore_mem>>) src(%dma_wait3A_96 : memref<100000x128xf32, #tpu.memory_space<hbm>>) dst(%arg13 : memref<64x128xf32, #tpu.memory_space<vmem>>)
    %scan3A = arith.constant 0 : i32
    %scan3A_97 = arith.constant 4 : i32
    %scan3A_98 = arith.addi %scan3A, %scan3A_97 : i32
    %scan3A_99 = arith.constant 1 : i32
    scf.for %scan3A_424 = %scan3A to %scan3A_98 step %scan3A_99  : i32 {
      %mul3A_425 = arith.constant 16 : i32
      %mul3A_426 = arith.muli %scan3A_424, %mul3A_425 : i32
      %add3A_427 = vector.broadcast %mul3A_426 : i32 to vector<16xi32>
      %add3A_428 = arith.addi %add3A_427, %iota3A : vector<16xi32>
      %broadcast_in_dim3A = arith.constant 0.000000e+00 : f32
      %broadcast_in_dim3A_429 = vector.broadcast %broadcast_in_dim3A : f32 to vector<16xf32>
      %scan3A_430 = arith.constant 0 : i32
      %scan3A_431 = arith.constant 16 : i32
      %scan3A_432 = arith.addi %scan3A_430, %scan3A_431 : i32
      %scan3A_433 = arith.constant 1 : i32
      %scan3A_434:2 = scf.for %scan3A_444 = %scan3A_430 to %scan3A_432 step %scan3A_433 iter_args(%scan3A_445 = %broadcast_in_dim3A_429, %scan3A_446 = %broadcast_in_dim3A_429) -> (vector<16xf32>, vector<16xf32>)  : i32 {
        %mul3A_447 = arith.constant 8 : i32
        %mul3A_448 = arith.muli %scan3A_444, %mul3A_447 : i32
        %add3A_449 = vector.broadcast %mul3A_448 : i32 to vector<16xi32>
        %add3A_450 = arith.addi %iota3A, %add3A_449 : vector<16xi32>
        %add3A_451 = arith.constant 0 : i32
        %add3A_452 = vector.broadcast %add3A_451 : i32 to vector<16xi32>
        %add3A_453 = arith.addi %add3A_450, %add3A_452 : vector<16xi32>
        %and3A = arith.constant 127 : i32
        %and3A_454 = vector.broadcast %and3A : i32 to vector<16xi32>
        %and3A_455 = arith.andi %add3A_453, %and3A_454 : vector<16xi32>
        %gather3A = tpu.vector_load_idx %arg7[%add3A_428, %and3A_455] : memref<64x128xf32, #tpu.memory_space<vmem>>[vector<16xi32>, vector<16xi32>], vector<16xf32>,
        %gather3A_456 = tpu.vector_load_idx %arg10[%add3A_428, %and3A_455] : memref<64x128xf32, #tpu.memory_space<vmem>>[vector<16xi32>, vector<16xi32>], vector<16xf32>,
        %gather3A_457 = tpu.vector_load_idx %arg13[%add3A_428, %and3A_455] : memref<64x128xf32, #tpu.memory_space<vmem>>[vector<16xi32>, vector<16xi32>], vector<16xf32>,
        %add3A_458 = arith.addf %gather3A, %gather3A_456 : vector<16xf32>
        %sub3A_459 = arith.subf %add3A_458, %gather3A_457 : vector<16xf32>
        %abs3A = math.absf %sub3A_459 : vector<16xf32>
        %add3A_460 = arith.addf %scan3A_445, %abs3A : vector<16xf32>
        %add3A_461 = vector.broadcast %mul3A_448 : i32 to vector<16xi32>
        %add3A_462 = arith.addi %iota3A, %add3A_461 : vector<16xi32>
        %add3A_463 = arith.constant 1 : i32
        %add3A_464 = vector.broadcast %add3A_463 : i32 to vector<16xi32>
        %add3A_465 = arith.addi %add3A_462, %add3A_464 : vector<16xi32>
        %and3A_466 = arith.constant 127 : i32
        %and3A_467 = vector.broadcast %and3A_466 : i32 to vector<16xi32>
        %and3A_468 = arith.andi %add3A_465, %and3A_467 : vector<16xi32>
        %gather3A_469 = tpu.vector_load_idx %arg7[%add3A_428, %and3A_468] : memref<64x128xf32, #tpu.memory_space<vmem>>[vector<16xi32>, vector<16xi32>], vector<16xf32>,
        %gather3A_470 = tpu.vector_load_idx %arg10[%add3A_428, %and3A_468] : memref<64x128xf32, #tpu.memory_space<vmem>>[vector<16xi32>, vector<16xi32>], vector<16xf32>,
        %gather3A_471 = tpu.vector_load_idx %arg13[%add3A_428, %and3A_468] : memref<64x128xf32, #tpu.memory_space<vmem>>[vector<16xi32>, vector<16xi32>], vector<16xf32>,
        %add3A_472 = arith.addf %gather3A_469, %gather3A_470 : vector<16xf32>
        %sub3A_473 = arith.subf %add3A_472, %gather3A_471 : vector<16xf32>
        %abs3A_474 = math.absf %sub3A_473 : vector<16xf32>
        %add3A_475 = arith.addf %scan3A_446, %abs3A_474 : vector<16xf32>
        %add3A_476 = vector.broadcast %mul3A_448 : i32 to vector<16xi32>
        %add3A_477 = arith.addi %iota3A, %add3A_476 : vector<16xi32>
        %add3A_478 = arith.constant 2 : i32
        %add3A_479 = vector.broadcast %add3A_478 : i32 to vector<16xi32>
        %add3A_480 = arith.addi %add3A_477, %add3A_479 : vector<16xi32>
        %and3A_481 = arith.constant 127 : i32
        %and3A_482 = vector.broadcast %and3A_481 : i32 to vector<16xi32>
        %and3A_483 = arith.andi %add3A_480, %and3A_482 : vector<16xi32>
        %gather3A_484 = tpu.vector_load_idx %arg7[%add3A_428, %and3A_483] : memref<64x128xf32, #tpu.memory_space<vmem>>[vector<16xi32>, vector<16xi32>], vector<16xf32>,
        %gather3A_485 = tpu.vector_load_idx %arg10[%add3A_428, %and3A_483] : memref<64x128xf32, #tpu.memory_space<vmem>>[vector<16xi32>, vector<16xi32>], vector<16xf32>,
        %gather3A_486 = tpu.vector_load_idx %arg13[%add3A_428, %and3A_483] : memref<64x128xf32, #tpu.memory_space<vmem>>[vector<16xi32>, vector<16xi32>], vector<16xf32>,
        %add3A_487 = arith.addf %gather3A_484, %gather3A_485 : vector<16xf32>
        %sub3A_488 = arith.subf %add3A_487, %gather3A_486 : vector<16xf32>
        %abs3A_489 = math.absf %sub3A_488 : vector<16xf32>
        %add3A_490 = arith.addf %add3A_460, %abs3A_489 : vector<16xf32>
        %add3A_491 = vector.broadcast %mul3A_448 : i32 to vector<16xi32>
        %add3A_492 = arith.addi %iota3A, %add3A_491 : vector<16xi32>
        %add3A_493 = arith.constant 3 : i32
        %add3A_494 = vector.broadcast %add3A_493 : i32 to vector<16xi32>
        %add3A_495 = arith.addi %add3A_492, %add3A_494 : vector<16xi32>
        %and3A_496 = arith.constant 127 : i32
        %and3A_497 = vector.broadcast %and3A_496 : i32 to vector<16xi32>
        %and3A_498 = arith.andi %add3A_495, %and3A_497 : vector<16xi32>
        %gather3A_499 = tpu.vector_load_idx %arg7[%add3A_428, %and3A_498] : memref<64x128xf32, #tpu.memory_space<vmem>>[vector<16xi32>, vector<16xi32>], vector<16xf32>,
        %gather3A_500 = tpu.vector_load_idx %arg10[%add3A_428, %and3A_498] : memref<64x128xf32, #tpu.memory_space<vmem>>[vector<16xi32>, vector<16xi32>], vector<16xf32>,
        %gather3A_501 = tpu.vector_load_idx %arg13[%add3A_428, %and3A_498] : memref<64x128xf32, #tpu.memory_space<vmem>>[vector<16xi32>, vector<16xi32>], vector<16xf32>,
        %add3A_502 = arith.addf %gather3A_499, %gather3A_500 : vector<16xf32>
        %sub3A_503 = arith.subf %add3A_502, %gather3A_501 : vector<16xf32>
        %abs3A_504 = math.absf %sub3A_503 : vector<16xf32>
        %add3A_505 = arith.addf %add3A_475, %abs3A_504 : vector<16xf32>
        %add3A_506 = vector.broadcast %mul3A_448 : i32 to vector<16xi32>
        %add3A_507 = arith.addi %iota3A, %add3A_506 : vector<16xi32>
        %add3A_508 = arith.constant 4 : i32
        %add3A_509 = vector.broadcast %add3A_508 : i32 to vector<16xi32>
        %add3A_510 = arith.addi %add3A_507, %add3A_509 : vector<16xi32>
        %and3A_511 = arith.constant 127 : i32
        %and3A_512 = vector.broadcast %and3A_511 : i32 to vector<16xi32>
        %and3A_513 = arith.andi %add3A_510, %and3A_512 : vector<16xi32>
        %gather3A_514 = tpu.vector_load_idx %arg7[%add3A_428, %and3A_513] : memref<64x128xf32, #tpu.memory_space<vmem>>[vector<16xi32>, vector<16xi32>], vector<16xf32>,
        %gather3A_515 = tpu.vector_load_idx %arg10[%add3A_428, %and3A_513] : memref<64x128xf32, #tpu.memory_space<vmem>>[vector<16xi32>, vector<16xi32>], vector<16xf32>,
        %gather3A_516 = tpu.vector_load_idx %arg13[%add3A_428, %and3A_513] : memref<64x128xf32, #tpu.memory_space<vmem>>[vector<16xi32>, vector<16xi32>], vector<16xf32>,
        %add3A_517 = arith.addf %gather3A_514, %gather3A_515 : vector<16xf32>
        %sub3A_518 = arith.subf %add3A_517, %gather3A_516 : vector<16xf32>
        %abs3A_519 = math.absf %sub3A_518 : vector<16xf32>
        %add3A_520 = arith.addf %add3A_490, %abs3A_519 : vector<16xf32>
        %add3A_521 = vector.broadcast %mul3A_448 : i32 to vector<16xi32>
        %add3A_522 = arith.addi %iota3A, %add3A_521 : vector<16xi32>
        %add3A_523 = arith.constant 5 : i32
        %add3A_524 = vector.broadcast %add3A_523 : i32 to vector<16xi32>
        %add3A_525 = arith.addi %add3A_522, %add3A_524 : vector<16xi32>
        %and3A_526 = arith.constant 127 : i32
        %and3A_527 = vector.broadcast %and3A_526 : i32 to vector<16xi32>
        %and3A_528 = arith.andi %add3A_525, %and3A_527 : vector<16xi32>
        %gather3A_529 = tpu.vector_load_idx %arg7[%add3A_428, %and3A_528] : memref<64x128xf32, #tpu.memory_space<vmem>>[vector<16xi32>, vector<16xi32>], vector<16xf32>,
        %gather3A_530 = tpu.vector_load_idx %arg10[%add3A_428, %and3A_528] : memref<64x128xf32, #tpu.memory_space<vmem>>[vector<16xi32>, vector<16xi32>], vector<16xf32>,
        %gather3A_531 = tpu.vector_load_idx %arg13[%add3A_428, %and3A_528] : memref<64x128xf32, #tpu.memory_space<vmem>>[vector<16xi32>, vector<16xi32>], vector<16xf32>,
        %add3A_532 = arith.addf %gather3A_529, %gather3A_530 : vector<16xf32>
        %sub3A_533 = arith.subf %add3A_532, %gather3A_531 : vector<16xf32>
        %abs3A_534 = math.absf %sub3A_533 : vector<16xf32>
        %add3A_535 = arith.addf %add3A_505, %abs3A_534 : vector<16xf32>
        %add3A_536 = vector.broadcast %mul3A_448 : i32 to vector<16xi32>
        %add3A_537 = arith.addi %iota3A, %add3A_536 : vector<16xi32>
        %add3A_538 = arith.constant 6 : i32
        %add3A_539 = vector.broadcast %add3A_538 : i32 to vector<16xi32>
        %add3A_540 = arith.addi %add3A_537, %add3A_539 : vector<16xi32>
        %and3A_541 = arith.constant 127 : i32
        %and3A_542 = vector.broadcast %and3A_541 : i32 to vector<16xi32>
        %and3A_543 = arith.andi %add3A_540, %and3A_542 : vector<16xi32>
        %gather3A_544 = tpu.vector_load_idx %arg7[%add3A_428, %and3A_543] : memref<64x128xf32, #tpu.memory_space<vmem>>[vector<16xi32>, vector<16xi32>], vector<16xf32>,
        %gather3A_545 = tpu.vector_load_idx %arg10[%add3A_428, %and3A_543] : memref<64x128xf32, #tpu.memory_space<vmem>>[vector<16xi32>, vector<16xi32>], vector<16xf32>,
        %gather3A_546 = tpu.vector_load_idx %arg13[%add3A_428, %and3A_543] : memref<64x128xf32, #tpu.memory_space<vmem>>[vector<16xi32>, vector<16xi32>], vector<16xf32>,
        %add3A_547 = arith.addf %gather3A_544, %gather3A_545 : vector<16xf32>
        %sub3A_548 = arith.subf %add3A_547, %gather3A_546 : vector<16xf32>
        %abs3A_549 = math.absf %sub3A_548 : vector<16xf32>
        %add3A_550 = arith.addf %add3A_520, %abs3A_549 : vector<16xf32>
        %add3A_551 = vector.broadcast %mul3A_448 : i32 to vector<16xi32>
        %add3A_552 = arith.addi %iota3A, %add3A_551 : vector<16xi32>
        %add3A_553 = arith.constant 7 : i32
        %add3A_554 = vector.broadcast %add3A_553 : i32 to vector<16xi32>
        %add3A_555 = arith.addi %add3A_552, %add3A_554 : vector<16xi32>
        %and3A_556 = arith.constant 127 : i32
        %and3A_557 = vector.broadcast %and3A_556 : i32 to vector<16xi32>
        %and3A_558 = arith.andi %add3A_555, %and3A_557 : vector<16xi32>
        %gather3A_559 = tpu.vector_load_idx %arg7[%add3A_428, %and3A_558] : memref<64x128xf32, #tpu.memory_space<vmem>>[vector<16xi32>, vector<16xi32>], vector<16xf32>,
        %gather3A_560 = tpu.vector_load_idx %arg10[%add3A_428, %and3A_558] : memref<64x128xf32, #tpu.memory_space<vmem>>[vector<16xi32>, vector<16xi32>], vector<16xf32>,
        %gather3A_561 = tpu.vector_load_idx %arg13[%add3A_428, %and3A_558] : memref<64x128xf32, #tpu.memory_space<vmem>>[vector<16xi32>, vector<16xi32>], vector<16xf32>,
        %add3A_562 = arith.addf %gather3A_559, %gather3A_560 : vector<16xf32>
        %sub3A_563 = arith.subf %add3A_562, %gather3A_561 : vector<16xf32>
        %abs3A_564 = math.absf %sub3A_563 : vector<16xf32>
        %add3A_565 = arith.addf %add3A_535, %abs3A_564 : vector<16xf32>
        scf.yield %add3A_550, %add3A_565 : vector<16xf32>, vector<16xf32>
      }
      %scan3A_435 = arith.constant 16 : i32
      %add3A_436 = arith.addf %scan3A_434#0, %scan3A_434#1 : vector<16xf32>
      %sub3A = arith.constant 1.200000e+01 : f32
      %sub3A_437 = vector.broadcast %sub3A : f32 to vector<16xf32>
      %sub3A_438 = arith.subf %sub3A_437, %add3A_436 : vector<16xf32>
      %mul3A_439 = arith.constant 16 : i32
      %mul3A_440 = arith.muli %scan3A_424, %mul3A_439 : i32
      %add3A_441 = arith.constant 0 : i32
      %add3A_442 = arith.addi %add3A_441, %mul3A_440 : i32
      %swap3A = arith.index_cast %add3A_442 : i32 to index
      %swap3A_443 = tpu.vector_load %arg16[%swap3A] {strides = array<i32>} : memref<512xf32, #tpu.memory_space<vmem>>, vector<16xf32>,
      tpu.vector_store %arg16[%swap3A], %sub3A_438 {strides = array<i32>} : memref<512xf32, #tpu.memory_space<vmem>>, vector<16xf32>,
    }
    %scan3A_100 = arith.constant 4 : i32
    %dma_start3A_101 = arith.constant 0 : i32
    %dma_start3A_102 = arith.constant 3 : i32
    %dma_start3A_103 = arith.constant 0 : i32
    %dma_start3A_104 = tpu.memref_slice %arg6[%dma_start3A_101, %dma_start3A_102, %dma_start3A_103] : memref<3x8x64xi32, #tpu.memory_space<vmem>> -> memref<1x1x64xi32, #tpu.memory_space<vmem>>
    %dma_start3A_105 = tpu.memref_squeeze %dma_start3A_104 : memref<1x1x64xi32, #tpu.memory_space<vmem>> -> memref<64xi32, #tpu.memory_space<vmem>>
    %dma_start3A_106 = arith.constant 0 : i32
    %dma_start3A_107 = arith.constant 0 : i32
    %dma_start3A_108 = tpu.memref_slice %arg3[%dma_start3A_106, %dma_start3A_107] : memref<100000x128xf32, #tpu.memory_space<hbm>> -> memref<100000x128xf32, #tpu.memory_space<hbm>>
    tpu.enqueue_indirect_dma source(%dma_start3A_108 : memref<100000x128xf32, #tpu.memory_space<hbm>>) target(%arg7 : memref<64x128xf32, #tpu.memory_space<vmem>>) offsets(%dma_start3A_105 : memref<64xi32, #tpu.memory_space<vmem>>) semaphore(%arg17 : memref<!tpu.dma_semaphore, #tpu.memory_space<semaphore_mem>>)
    %dma_start3A_109 = arith.constant 1 : i32
    %dma_start3A_110 = arith.constant 3 : i32
    %dma_start3A_111 = arith.constant 0 : i32
    %dma_start3A_112 = tpu.memref_slice %arg6[%dma_start3A_109, %dma_start3A_110, %dma_start3A_111] : memref<3x8x64xi32, #tpu.memory_space<vmem>> -> memref<1x1x64xi32, #tpu.memory_space<vmem>>
    %dma_start3A_113 = tpu.memref_squeeze %dma_start3A_112 : memref<1x1x64xi32, #tpu.memory_space<vmem>> -> memref<64xi32, #tpu.memory_space<vmem>>
    %dma_start3A_114 = arith.constant 0 : i32
    %dma_start3A_115 = arith.constant 0 : i32
    %dma_start3A_116 = tpu.memref_slice %arg4[%dma_start3A_114, %dma_start3A_115] : memref<100000x128xf32, #tpu.memory_space<hbm>> -> memref<100000x128xf32, #tpu.memory_space<hbm>>
    tpu.enqueue_indirect_dma source(%dma_start3A_116 : memref<100000x128xf32, #tpu.memory_space<hbm>>) target(%arg10 : memref<64x128xf32, #tpu.memory_space<vmem>>) offsets(%dma_start3A_113 : memref<64xi32, #tpu.memory_space<vmem>>) semaphore(%arg17 : memref<!tpu.dma_semaphore, #tpu.memory_space<semaphore_mem>>)
    %dma_start3A_117 = arith.constant 2 : i32
    %dma_start3A_118 = arith.constant 3 : i32
    %dma_start3A_119 = arith.constant 0 : i32
    %dma_start3A_120 = tpu.memref_slice %arg6[%dma_start3A_117, %dma_start3A_118, %dma_start3A_119] : memref<3x8x64xi32, #tpu.memory_space<vmem>> -> memref<1x1x64xi32, #tpu.memory_space<vmem>>
    %dma_start3A_121 = tpu.memref_squeeze %dma_start3A_120 : memref<1x1x64xi32, #tpu.memory_space<vmem>> -> memref<64xi32, #tpu.memory_space<vmem>>
    %dma_start3A_122 = arith.constant 0 : i32
    %dma_start3A_123 = arith.constant 0 : i32
    %dma_start3A_124 = tpu.memref_slice %arg3[%dma_start3A_122, %dma_start3A_123] : memref<100000x128xf32, #tpu.memory_space<hbm>> -> memref<100000x128xf32, #tpu.memory_space<hbm>>
    tpu.enqueue_indirect_dma source(%dma_start3A_124 : memref<100000x128xf32, #tpu.memory_space<hbm>>) target(%arg13 : memref<64x128xf32, #tpu.memory_space<vmem>>) offsets(%dma_start3A_121 : memref<64xi32, #tpu.memory_space<vmem>>) semaphore(%arg17 : memref<!tpu.dma_semaphore, #tpu.memory_space<semaphore_mem>>)
    %dma_wait3A_125 = arith.constant 0 : i32
    %dma_wait3A_126 = arith.constant 1 : i32
    %dma_wait3A_127 = arith.constant 0 : i32
    %dma_wait3A_128 = tpu.memref_slice %arg6[%dma_wait3A_125, %dma_wait3A_126, %dma_wait3A_127] : memref<3x8x64xi32, #tpu.memory_space<vmem>> -> memref<1x1x64xi32, #tpu.memory_space<vmem>>
    %dma_wait3A_129 = tpu.memref_squeeze %dma_wait3A_128 : memref<1x1x64xi32, #tpu.memory_space<vmem>> -> memref<64xi32, #tpu.memory_space<vmem>>
    %dma_wait3A_130 = arith.constant 0 : i32
    %dma_wait3A_131 = arith.constant 0 : i32
    %dma_wait3A_132 = tpu.memref_slice %arg3[%dma_wait3A_130, %dma_wait3A_131] : memref<100000x128xf32, #tpu.memory_space<hbm>> -> memref<100000x128xf32, #tpu.memory_space<hbm>>
    tpu.wait_indirect_dma semaphore(%arg18 : memref<!tpu.dma_semaphore, #tpu.memory_space<semaphore_mem>>) src(%dma_wait3A_132 : memref<100000x128xf32, #tpu.memory_space<hbm>>) dst(%arg8 : memref<64x128xf32, #tpu.memory_space<vmem>>)
    %dma_wait3A_133 = arith.constant 1 : i32
    %dma_wait3A_134 = arith.constant 1 : i32
    %dma_wait3A_135 = arith.constant 0 : i32
    %dma_wait3A_136 = tpu.memref_slice %arg6[%dma_wait3A_133, %dma_wait3A_134, %dma_wait3A_135] : memref<3x8x64xi32, #tpu.memory_space<vmem>> -> memref<1x1x64xi32, #tpu.memory_space<vmem>>
    %dma_wait3A_137 = tpu.memref_squeeze %dma_wait3A_136 : memref<1x1x64xi32, #tpu.memory_space<vmem>> -> memref<64xi32, #tpu.memory_space<vmem>>
    %dma_wait3A_138 = arith.constant 0 : i32
    %dma_wait3A_139 = arith.constant 0 : i32
    %dma_wait3A_140 = tpu.memref_slice %arg4[%dma_wait3A_138, %dma_wait3A_139] : memref<100000x128xf32, #tpu.memory_space<hbm>> -> memref<100000x128xf32, #tpu.memory_space<hbm>>
    tpu.wait_indirect_dma semaphore(%arg18 : memref<!tpu.dma_semaphore, #tpu.memory_space<semaphore_mem>>) src(%dma_wait3A_140 : memref<100000x128xf32, #tpu.memory_space<hbm>>) dst(%arg11 : memref<64x128xf32, #tpu.memory_space<vmem>>)
    %dma_wait3A_141 = arith.constant 2 : i32
    %dma_wait3A_142 = arith.constant 1 : i32
    %dma_wait3A_143 = arith.constant 0 : i32
    %dma_wait3A_144 = tpu.memref_slice %arg6[%dma_wait3A_141, %dma_wait3A_142, %dma_wait3A_143] : memref<3x8x64xi32, #tpu.memory_space<vmem>> -> memref<1x1x64xi32, #tpu.memory_space<vmem>>
    %dma_wait3A_145 = tpu.memref_squeeze %dma_wait3A_144 : memref<1x1x64xi32, #tpu.memory_space<vmem>> -> memref<64xi32, #tpu.memory_space<vmem>>
    %dma_wait3A_146 = arith.constant 0 : i32
    %dma_wait3A_147 = arith.constant 0 : i32
    %dma_wait3A_148 = tpu.memref_slice %arg3[%dma_wait3A_146, %dma_wait3A_147] : memref<100000x128xf32, #tpu.memory_space<hbm>> -> memref<100000x128xf32, #tpu.memory_space<hbm>>
    tpu.wait_indirect_dma semaphore(%arg18 : memref<!tpu.dma_semaphore, #tpu.memory_space<semaphore_mem>>) src(%dma_wait3A_148 : memref<100000x128xf32, #tpu.memory_space<hbm>>) dst(%arg14 : memref<64x128xf32, #tpu.memory_space<vmem>>)
    %scan3A_149 = arith.constant 0 : i32
    %scan3A_150 = arith.constant 4 : i32
    %scan3A_151 = arith.addi %scan3A_149, %scan3A_150 : i32
    %scan3A_152 = arith.constant 1 : i32
    scf.for %scan3A_424 = %scan3A_149 to %scan3A_151 step %scan3A_152  : i32 {
      %mul3A_425 = arith.constant 16 : i32
      %mul3A_426 = arith.muli %scan3A_424, %mul3A_425 : i32
      %add3A_427 = vector.broadcast %mul3A_426 : i32 to vector<16xi32>
      %add3A_428 = arith.addi %add3A_427, %iota3A : vector<16xi32>
      %broadcast_in_dim3A = arith.constant 0.000000e+00 : f32
      %broadcast_in_dim3A_429 = vector.broadcast %broadcast_in_dim3A : f32 to vector<16xf32>
      %scan3A_430 = arith.constant 0 : i32
      %scan3A_431 = arith.constant 16 : i32
      %scan3A_432 = arith.addi %scan3A_430, %scan3A_431 : i32
      %scan3A_433 = arith.constant 1 : i32
      %scan3A_434:2 = scf.for %scan3A_444 = %scan3A_430 to %scan3A_432 step %scan3A_433 iter_args(%scan3A_445 = %broadcast_in_dim3A_429, %scan3A_446 = %broadcast_in_dim3A_429) -> (vector<16xf32>, vector<16xf32>)  : i32 {
        %mul3A_447 = arith.constant 8 : i32
        %mul3A_448 = arith.muli %scan3A_444, %mul3A_447 : i32
        %add3A_449 = vector.broadcast %mul3A_448 : i32 to vector<16xi32>
        %add3A_450 = arith.addi %iota3A, %add3A_449 : vector<16xi32>
        %add3A_451 = arith.constant 0 : i32
        %add3A_452 = vector.broadcast %add3A_451 : i32 to vector<16xi32>
        %add3A_453 = arith.addi %add3A_450, %add3A_452 : vector<16xi32>
        %and3A = arith.constant 127 : i32
        %and3A_454 = vector.broadcast %and3A : i32 to vector<16xi32>
        %and3A_455 = arith.andi %add3A_453, %and3A_454 : vector<16xi32>
        %gather3A = tpu.vector_load_idx %arg8[%add3A_428, %and3A_455] : memref<64x128xf32, #tpu.memory_space<vmem>>[vector<16xi32>, vector<16xi32>], vector<16xf32>,
        %gather3A_456 = tpu.vector_load_idx %arg11[%add3A_428, %and3A_455] : memref<64x128xf32, #tpu.memory_space<vmem>>[vector<16xi32>, vector<16xi32>], vector<16xf32>,
        %gather3A_457 = tpu.vector_load_idx %arg14[%add3A_428, %and3A_455] : memref<64x128xf32, #tpu.memory_space<vmem>>[vector<16xi32>, vector<16xi32>], vector<16xf32>,
        %add3A_458 = arith.addf %gather3A, %gather3A_456 : vector<16xf32>
        %sub3A_459 = arith.subf %add3A_458, %gather3A_457 : vector<16xf32>
        %abs3A = math.absf %sub3A_459 : vector<16xf32>
        %add3A_460 = arith.addf %scan3A_445, %abs3A : vector<16xf32>
        %add3A_461 = vector.broadcast %mul3A_448 : i32 to vector<16xi32>
        %add3A_462 = arith.addi %iota3A, %add3A_461 : vector<16xi32>
        %add3A_463 = arith.constant 1 : i32
        %add3A_464 = vector.broadcast %add3A_463 : i32 to vector<16xi32>
        %add3A_465 = arith.addi %add3A_462, %add3A_464 : vector<16xi32>
        %and3A_466 = arith.constant 127 : i32
        %and3A_467 = vector.broadcast %and3A_466 : i32 to vector<16xi32>
        %and3A_468 = arith.andi %add3A_465, %and3A_467 : vector<16xi32>
        %gather3A_469 = tpu.vector_load_idx %arg8[%add3A_428, %and3A_468] : memref<64x128xf32, #tpu.memory_space<vmem>>[vector<16xi32>, vector<16xi32>], vector<16xf32>,
        %gather3A_470 = tpu.vector_load_idx %arg11[%add3A_428, %and3A_468] : memref<64x128xf32, #tpu.memory_space<vmem>>[vector<16xi32>, vector<16xi32>], vector<16xf32>,
        %gather3A_471 = tpu.vector_load_idx %arg14[%add3A_428, %and3A_468] : memref<64x128xf32, #tpu.memory_space<vmem>>[vector<16xi32>, vector<16xi32>], vector<16xf32>,
        %add3A_472 = arith.addf %gather3A_469, %gather3A_470 : vector<16xf32>
        %sub3A_473 = arith.subf %add3A_472, %gather3A_471 : vector<16xf32>
        %abs3A_474 = math.absf %sub3A_473 : vector<16xf32>
        %add3A_475 = arith.addf %scan3A_446, %abs3A_474 : vector<16xf32>
        %add3A_476 = vector.broadcast %mul3A_448 : i32 to vector<16xi32>
        %add3A_477 = arith.addi %iota3A, %add3A_476 : vector<16xi32>
        %add3A_478 = arith.constant 2 : i32
        %add3A_479 = vector.broadcast %add3A_478 : i32 to vector<16xi32>
        %add3A_480 = arith.addi %add3A_477, %add3A_479 : vector<16xi32>
        %and3A_481 = arith.constant 127 : i32
        %and3A_482 = vector.broadcast %and3A_481 : i32 to vector<16xi32>
        %and3A_483 = arith.andi %add3A_480, %and3A_482 : vector<16xi32>
        %gather3A_484 = tpu.vector_load_idx %arg8[%add3A_428, %and3A_483] : memref<64x128xf32, #tpu.memory_space<vmem>>[vector<16xi32>, vector<16xi32>], vector<16xf32>,
        %gather3A_485 = tpu.vector_load_idx %arg11[%add3A_428, %and3A_483] : memref<64x128xf32, #tpu.memory_space<vmem>>[vector<16xi32>, vector<16xi32>], vector<16xf32>,
        %gather3A_486 = tpu.vector_load_idx %arg14[%add3A_428, %and3A_483] : memref<64x128xf32, #tpu.memory_space<vmem>>[vector<16xi32>, vector<16xi32>], vector<16xf32>,
        %add3A_487 = arith.addf %gather3A_484, %gather3A_485 : vector<16xf32>
        %sub3A_488 = arith.subf %add3A_487, %gather3A_486 : vector<16xf32>
        %abs3A_489 = math.absf %sub3A_488 : vector<16xf32>
        %add3A_490 = arith.addf %add3A_460, %abs3A_489 : vector<16xf32>
        %add3A_491 = vector.broadcast %mul3A_448 : i32 to vector<16xi32>
        %add3A_492 = arith.addi %iota3A, %add3A_491 : vector<16xi32>
        %add3A_493 = arith.constant 3 : i32
        %add3A_494 = vector.broadcast %add3A_493 : i32 to vector<16xi32>
        %add3A_495 = arith.addi %add3A_492, %add3A_494 : vector<16xi32>
        %and3A_496 = arith.constant 127 : i32
        %and3A_497 = vector.broadcast %and3A_496 : i32 to vector<16xi32>
        %and3A_498 = arith.andi %add3A_495, %and3A_497 : vector<16xi32>
        %gather3A_499 = tpu.vector_load_idx %arg8[%add3A_428, %and3A_498] : memref<64x128xf32, #tpu.memory_space<vmem>>[vector<16xi32>, vector<16xi32>], vector<16xf32>,
        %gather3A_500 = tpu.vector_load_idx %arg11[%add3A_428, %and3A_498] : memref<64x128xf32, #tpu.memory_space<vmem>>[vector<16xi32>, vector<16xi32>], vector<16xf32>,
        %gather3A_501 = tpu.vector_load_idx %arg14[%add3A_428, %and3A_498] : memref<64x128xf32, #tpu.memory_space<vmem>>[vector<16xi32>, vector<16xi32>], vector<16xf32>,
        %add3A_502 = arith.addf %gather3A_499, %gather3A_500 : vector<16xf32>
        %sub3A_503 = arith.subf %add3A_502, %gather3A_501 : vector<16xf32>
        %abs3A_504 = math.absf %sub3A_503 : vector<16xf32>
        %add3A_505 = arith.addf %add3A_475, %abs3A_504 : vector<16xf32>
        %add3A_506 = vector.broadcast %mul3A_448 : i32 to vector<16xi32>
        %add3A_507 = arith.addi %iota3A, %add3A_506 : vector<16xi32>
        %add3A_508 = arith.constant 4 : i32
        %add3A_509 = vector.broadcast %add3A_508 : i32 to vector<16xi32>
        %add3A_510 = arith.addi %add3A_507, %add3A_509 : vector<16xi32>
        %and3A_511 = arith.constant 127 : i32
        %and3A_512 = vector.broadcast %and3A_511 : i32 to vector<16xi32>
        %and3A_513 = arith.andi %add3A_510, %and3A_512 : vector<16xi32>
        %gather3A_514 = tpu.vector_load_idx %arg8[%add3A_428, %and3A_513] : memref<64x128xf32, #tpu.memory_space<vmem>>[vector<16xi32>, vector<16xi32>], vector<16xf32>,
        %gather3A_515 = tpu.vector_load_idx %arg11[%add3A_428, %and3A_513] : memref<64x128xf32, #tpu.memory_space<vmem>>[vector<16xi32>, vector<16xi32>], vector<16xf32>,
        %gather3A_516 = tpu.vector_load_idx %arg14[%add3A_428, %and3A_513] : memref<64x128xf32, #tpu.memory_space<vmem>>[vector<16xi32>, vector<16xi32>], vector<16xf32>,
        %add3A_517 = arith.addf %gather3A_514, %gather3A_515 : vector<16xf32>
        %sub3A_518 = arith.subf %add3A_517, %gather3A_516 : vector<16xf32>
        %abs3A_519 = math.absf %sub3A_518 : vector<16xf32>
        %add3A_520 = arith.addf %add3A_490, %abs3A_519 : vector<16xf32>
        %add3A_521 = vector.broadcast %mul3A_448 : i32 to vector<16xi32>
        %add3A_522 = arith.addi %iota3A, %add3A_521 : vector<16xi32>
        %add3A_523 = arith.constant 5 : i32
        %add3A_524 = vector.broadcast %add3A_523 : i32 to vector<16xi32>
        %add3A_525 = arith.addi %add3A_522, %add3A_524 : vector<16xi32>
        %and3A_526 = arith.constant 127 : i32
        %and3A_527 = vector.broadcast %and3A_526 : i32 to vector<16xi32>
        %and3A_528 = arith.andi %add3A_525, %and3A_527 : vector<16xi32>
        %gather3A_529 = tpu.vector_load_idx %arg8[%add3A_428, %and3A_528] : memref<64x128xf32, #tpu.memory_space<vmem>>[vector<16xi32>, vector<16xi32>], vector<16xf32>,
        %gather3A_530 = tpu.vector_load_idx %arg11[%add3A_428, %and3A_528] : memref<64x128xf32, #tpu.memory_space<vmem>>[vector<16xi32>, vector<16xi32>], vector<16xf32>,
        %gather3A_531 = tpu.vector_load_idx %arg14[%add3A_428, %and3A_528] : memref<64x128xf32, #tpu.memory_space<vmem>>[vector<16xi32>, vector<16xi32>], vector<16xf32>,
        %add3A_532 = arith.addf %gather3A_529, %gather3A_530 : vector<16xf32>
        %sub3A_533 = arith.subf %add3A_532, %gather3A_531 : vector<16xf32>
        %abs3A_534 = math.absf %sub3A_533 : vector<16xf32>
        %add3A_535 = arith.addf %add3A_505, %abs3A_534 : vector<16xf32>
        %add3A_536 = vector.broadcast %mul3A_448 : i32 to vector<16xi32>
        %add3A_537 = arith.addi %iota3A, %add3A_536 : vector<16xi32>
        %add3A_538 = arith.constant 6 : i32
        %add3A_539 = vector.broadcast %add3A_538 : i32 to vector<16xi32>
        %add3A_540 = arith.addi %add3A_537, %add3A_539 : vector<16xi32>
        %and3A_541 = arith.constant 127 : i32
        %and3A_542 = vector.broadcast %and3A_541 : i32 to vector<16xi32>
        %and3A_543 = arith.andi %add3A_540, %and3A_542 : vector<16xi32>
        %gather3A_544 = tpu.vector_load_idx %arg8[%add3A_428, %and3A_543] : memref<64x128xf32, #tpu.memory_space<vmem>>[vector<16xi32>, vector<16xi32>], vector<16xf32>,
        %gather3A_545 = tpu.vector_load_idx %arg11[%add3A_428, %and3A_543] : memref<64x128xf32, #tpu.memory_space<vmem>>[vector<16xi32>, vector<16xi32>], vector<16xf32>,
        %gather3A_546 = tpu.vector_load_idx %arg14[%add3A_428, %and3A_543] : memref<64x128xf32, #tpu.memory_space<vmem>>[vector<16xi32>, vector<16xi32>], vector<16xf32>,
        %add3A_547 = arith.addf %gather3A_544, %gather3A_545 : vector<16xf32>
        %sub3A_548 = arith.subf %add3A_547, %gather3A_546 : vector<16xf32>
        %abs3A_549 = math.absf %sub3A_548 : vector<16xf32>
        %add3A_550 = arith.addf %add3A_520, %abs3A_549 : vector<16xf32>
        %add3A_551 = vector.broadcast %mul3A_448 : i32 to vector<16xi32>
        %add3A_552 = arith.addi %iota3A, %add3A_551 : vector<16xi32>
        %add3A_553 = arith.constant 7 : i32
        %add3A_554 = vector.broadcast %add3A_553 : i32 to vector<16xi32>
        %add3A_555 = arith.addi %add3A_552, %add3A_554 : vector<16xi32>
        %and3A_556 = arith.constant 127 : i32
        %and3A_557 = vector.broadcast %and3A_556 : i32 to vector<16xi32>
        %and3A_558 = arith.andi %add3A_555, %and3A_557 : vector<16xi32>
        %gather3A_559 = tpu.vector_load_idx %arg8[%add3A_428, %and3A_558] : memref<64x128xf32, #tpu.memory_space<vmem>>[vector<16xi32>, vector<16xi32>], vector<16xf32>,
        %gather3A_560 = tpu.vector_load_idx %arg11[%add3A_428, %and3A_558] : memref<64x128xf32, #tpu.memory_space<vmem>>[vector<16xi32>, vector<16xi32>], vector<16xf32>,
        %gather3A_561 = tpu.vector_load_idx %arg14[%add3A_428, %and3A_558] : memref<64x128xf32, #tpu.memory_space<vmem>>[vector<16xi32>, vector<16xi32>], vector<16xf32>,
        %add3A_562 = arith.addf %gather3A_559, %gather3A_560 : vector<16xf32>
        %sub3A_563 = arith.subf %add3A_562, %gather3A_561 : vector<16xf32>
        %abs3A_564 = math.absf %sub3A_563 : vector<16xf32>
        %add3A_565 = arith.addf %add3A_535, %abs3A_564 : vector<16xf32>
        scf.yield %add3A_550, %add3A_565 : vector<16xf32>, vector<16xf32>
      }
      %scan3A_435 = arith.constant 16 : i32
      %add3A_436 = arith.addf %scan3A_434#0, %scan3A_434#1 : vector<16xf32>
      %sub3A = arith.constant 1.200000e+01 : f32
      %sub3A_437 = vector.broadcast %sub3A : f32 to vector<16xf32>
      %sub3A_438 = arith.subf %sub3A_437, %add3A_436 : vector<16xf32>
      %mul3A_439 = arith.constant 16 : i32
      %mul3A_440 = arith.muli %scan3A_424, %mul3A_439 : i32
      %add3A_441 = arith.constant 64 : i32
      %add3A_442 = arith.addi %add3A_441, %mul3A_440 : i32
      %swap3A = arith.index_cast %add3A_442 : i32 to index
      %swap3A_443 = tpu.vector_load %arg16[%swap3A] {strides = array<i32>} : memref<512xf32, #tpu.memory_space<vmem>>, vector<16xf32>,
      tpu.vector_store %arg16[%swap3A], %sub3A_438 {strides = array<i32>} : memref<512xf32, #tpu.memory_space<vmem>>, vector<16xf32>,
    }
    %scan3A_153 = arith.constant 4 : i32
    %dma_start3A_154 = arith.constant 0 : i32
    %dma_start3A_155 = arith.constant 4 : i32
    %dma_start3A_156 = arith.constant 0 : i32
    %dma_start3A_157 = tpu.memref_slice %arg6[%dma_start3A_154, %dma_start3A_155, %dma_start3A_156] : memref<3x8x64xi32, #tpu.memory_space<vmem>> -> memref<1x1x64xi32, #tpu.memory_space<vmem>>
    %dma_start3A_158 = tpu.memref_squeeze %dma_start3A_157 : memref<1x1x64xi32, #tpu.memory_space<vmem>> -> memref<64xi32, #tpu.memory_space<vmem>>
    %dma_start3A_159 = arith.constant 0 : i32
    %dma_start3A_160 = arith.constant 0 : i32
    %dma_start3A_161 = tpu.memref_slice %arg3[%dma_start3A_159, %dma_start3A_160] : memref<100000x128xf32, #tpu.memory_space<hbm>> -> memref<100000x128xf32, #tpu.memory_space<hbm>>
    tpu.enqueue_indirect_dma source(%dma_start3A_161 : memref<100000x128xf32, #tpu.memory_space<hbm>>) target(%arg8 : memref<64x128xf32, #tpu.memory_space<vmem>>) offsets(%dma_start3A_158 : memref<64xi32, #tpu.memory_space<vmem>>) semaphore(%arg18 : memref<!tpu.dma_semaphore, #tpu.memory_space<semaphore_mem>>)
    %dma_start3A_162 = arith.constant 1 : i32
    %dma_start3A_163 = arith.constant 4 : i32
    %dma_start3A_164 = arith.constant 0 : i32
    %dma_start3A_165 = tpu.memref_slice %arg6[%dma_start3A_162, %dma_start3A_163, %dma_start3A_164] : memref<3x8x64xi32, #tpu.memory_space<vmem>> -> memref<1x1x64xi32, #tpu.memory_space<vmem>>
    %dma_start3A_166 = tpu.memref_squeeze %dma_start3A_165 : memref<1x1x64xi32, #tpu.memory_space<vmem>> -> memref<64xi32, #tpu.memory_space<vmem>>
    %dma_start3A_167 = arith.constant 0 : i32
    %dma_start3A_168 = arith.constant 0 : i32
    %dma_start3A_169 = tpu.memref_slice %arg4[%dma_start3A_167, %dma_start3A_168] : memref<100000x128xf32, #tpu.memory_space<hbm>> -> memref<100000x128xf32, #tpu.memory_space<hbm>>
    tpu.enqueue_indirect_dma source(%dma_start3A_169 : memref<100000x128xf32, #tpu.memory_space<hbm>>) target(%arg11 : memref<64x128xf32, #tpu.memory_space<vmem>>) offsets(%dma_start3A_166 : memref<64xi32, #tpu.memory_space<vmem>>) semaphore(%arg18 : memref<!tpu.dma_semaphore, #tpu.memory_space<semaphore_mem>>)
    %dma_start3A_170 = arith.constant 2 : i32
    %dma_start3A_171 = arith.constant 4 : i32
    %dma_start3A_172 = arith.constant 0 : i32
    %dma_start3A_173 = tpu.memref_slice %arg6[%dma_start3A_170, %dma_start3A_171, %dma_start3A_172] : memref<3x8x64xi32, #tpu.memory_space<vmem>> -> memref<1x1x64xi32, #tpu.memory_space<vmem>>
    %dma_start3A_174 = tpu.memref_squeeze %dma_start3A_173 : memref<1x1x64xi32, #tpu.memory_space<vmem>> -> memref<64xi32, #tpu.memory_space<vmem>>
    %dma_start3A_175 = arith.constant 0 : i32
    %dma_start3A_176 = arith.constant 0 : i32
    %dma_start3A_177 = tpu.memref_slice %arg3[%dma_start3A_175, %dma_start3A_176] : memref<100000x128xf32, #tpu.memory_space<hbm>> -> memref<100000x128xf32, #tpu.memory_space<hbm>>
    tpu.enqueue_indirect_dma source(%dma_start3A_177 : memref<100000x128xf32, #tpu.memory_space<hbm>>) target(%arg14 : memref<64x128xf32, #tpu.memory_space<vmem>>) offsets(%dma_start3A_174 : memref<64xi32, #tpu.memory_space<vmem>>) semaphore(%arg18 : memref<!tpu.dma_semaphore, #tpu.memory_space<semaphore_mem>>)
    %dma_wait3A_178 = arith.constant 0 : i32
    %dma_wait3A_179 = arith.constant 2 : i32
    %dma_wait3A_180 = arith.constant 0 : i32
    %dma_wait3A_181 = tpu.memref_slice %arg6[%dma_wait3A_178, %dma_wait3A_179, %dma_wait3A_180] : memref<3x8x64xi32, #tpu.memory_space<vmem>> -> memref<1x1x64xi32, #tpu.memory_space<vmem>>
    %dma_wait3A_182 = tpu.memref_squeeze %dma_wait3A_181 : memref<1x1x64xi32, #tpu.memory_space<vmem>> -> memref<64xi32, #tpu.memory_space<vmem>>
    %dma_wait3A_183 = arith.constant 0 : i32
    %dma_wait3A_184 = arith.constant 0 : i32
    %dma_wait3A_185 = tpu.memref_slice %arg3[%dma_wait3A_183, %dma_wait3A_184] : memref<100000x128xf32, #tpu.memory_space<hbm>> -> memref<100000x128xf32, #tpu.memory_space<hbm>>
    tpu.wait_indirect_dma semaphore(%arg19 : memref<!tpu.dma_semaphore, #tpu.memory_space<semaphore_mem>>) src(%dma_wait3A_185 : memref<100000x128xf32, #tpu.memory_space<hbm>>) dst(%arg9 : memref<64x128xf32, #tpu.memory_space<vmem>>)
    %dma_wait3A_186 = arith.constant 1 : i32
    %dma_wait3A_187 = arith.constant 2 : i32
    %dma_wait3A_188 = arith.constant 0 : i32
    %dma_wait3A_189 = tpu.memref_slice %arg6[%dma_wait3A_186, %dma_wait3A_187, %dma_wait3A_188] : memref<3x8x64xi32, #tpu.memory_space<vmem>> -> memref<1x1x64xi32, #tpu.memory_space<vmem>>
    %dma_wait3A_190 = tpu.memref_squeeze %dma_wait3A_189 : memref<1x1x64xi32, #tpu.memory_space<vmem>> -> memref<64xi32, #tpu.memory_space<vmem>>
    %dma_wait3A_191 = arith.constant 0 : i32
    %dma_wait3A_192 = arith.constant 0 : i32
    %dma_wait3A_193 = tpu.memref_slice %arg4[%dma_wait3A_191, %dma_wait3A_192] : memref<100000x128xf32, #tpu.memory_space<hbm>> -> memref<100000x128xf32, #tpu.memory_space<hbm>>
    tpu.wait_indirect_dma semaphore(%arg19 : memref<!tpu.dma_semaphore, #tpu.memory_space<semaphore_mem>>) src(%dma_wait3A_193 : memref<100000x128xf32, #tpu.memory_space<hbm>>) dst(%arg12 : memref<64x128xf32, #tpu.memory_space<vmem>>)
    %dma_wait3A_194 = arith.constant 2 : i32
    %dma_wait3A_195 = arith.constant 2 : i32
    %dma_wait3A_196 = arith.constant 0 : i32
    %dma_wait3A_197 = tpu.memref_slice %arg6[%dma_wait3A_194, %dma_wait3A_195, %dma_wait3A_196] : memref<3x8x64xi32, #tpu.memory_space<vmem>> -> memref<1x1x64xi32, #tpu.memory_space<vmem>>
    %dma_wait3A_198 = tpu.memref_squeeze %dma_wait3A_197 : memref<1x1x64xi32, #tpu.memory_space<vmem>> -> memref<64xi32, #tpu.memory_space<vmem>>
    %dma_wait3A_199 = arith.constant 0 : i32
    %dma_wait3A_200 = arith.constant 0 : i32
    %dma_wait3A_201 = tpu.memref_slice %arg3[%dma_wait3A_199, %dma_wait3A_200] : memref<100000x128xf32, #tpu.memory_space<hbm>> -> memref<100000x128xf32, #tpu.memory_space<hbm>>
    tpu.wait_indirect_dma semaphore(%arg19 : memref<!tpu.dma_semaphore, #tpu.memory_space<semaphore_mem>>) src(%dma_wait3A_201 : memref<100000x128xf32, #tpu.memory_space<hbm>>) dst(%arg15 : memref<64x128xf32, #tpu.memory_space<vmem>>)
    %scan3A_202 = arith.constant 0 : i32
    %scan3A_203 = arith.constant 4 : i32
    %scan3A_204 = arith.addi %scan3A_202, %scan3A_203 : i32
    %scan3A_205 = arith.constant 1 : i32
    scf.for %scan3A_424 = %scan3A_202 to %scan3A_204 step %scan3A_205  : i32 {
      %mul3A_425 = arith.constant 16 : i32
      %mul3A_426 = arith.muli %scan3A_424, %mul3A_425 : i32
      %add3A_427 = vector.broadcast %mul3A_426 : i32 to vector<16xi32>
      %add3A_428 = arith.addi %add3A_427, %iota3A : vector<16xi32>
      %broadcast_in_dim3A = arith.constant 0.000000e+00 : f32
      %broadcast_in_dim3A_429 = vector.broadcast %broadcast_in_dim3A : f32 to vector<16xf32>
      %scan3A_430 = arith.constant 0 : i32
      %scan3A_431 = arith.constant 16 : i32
      %scan3A_432 = arith.addi %scan3A_430, %scan3A_431 : i32
      %scan3A_433 = arith.constant 1 : i32
      %scan3A_434:2 = scf.for %scan3A_444 = %scan3A_430 to %scan3A_432 step %scan3A_433 iter_args(%scan3A_445 = %broadcast_in_dim3A_429, %scan3A_446 = %broadcast_in_dim3A_429) -> (vector<16xf32>, vector<16xf32>)  : i32 {
        %mul3A_447 = arith.constant 8 : i32
        %mul3A_448 = arith.muli %scan3A_444, %mul3A_447 : i32
        %add3A_449 = vector.broadcast %mul3A_448 : i32 to vector<16xi32>
        %add3A_450 = arith.addi %iota3A, %add3A_449 : vector<16xi32>
        %add3A_451 = arith.constant 0 : i32
        %add3A_452 = vector.broadcast %add3A_451 : i32 to vector<16xi32>
        %add3A_453 = arith.addi %add3A_450, %add3A_452 : vector<16xi32>
        %and3A = arith.constant 127 : i32
        %and3A_454 = vector.broadcast %and3A : i32 to vector<16xi32>
        %and3A_455 = arith.andi %add3A_453, %and3A_454 : vector<16xi32>
        %gather3A = tpu.vector_load_idx %arg9[%add3A_428, %and3A_455] : memref<64x128xf32, #tpu.memory_space<vmem>>[vector<16xi32>, vector<16xi32>], vector<16xf32>,
        %gather3A_456 = tpu.vector_load_idx %arg12[%add3A_428, %and3A_455] : memref<64x128xf32, #tpu.memory_space<vmem>>[vector<16xi32>, vector<16xi32>], vector<16xf32>,
        %gather3A_457 = tpu.vector_load_idx %arg15[%add3A_428, %and3A_455] : memref<64x128xf32, #tpu.memory_space<vmem>>[vector<16xi32>, vector<16xi32>], vector<16xf32>,
        %add3A_458 = arith.addf %gather3A, %gather3A_456 : vector<16xf32>
        %sub3A_459 = arith.subf %add3A_458, %gather3A_457 : vector<16xf32>
        %abs3A = math.absf %sub3A_459 : vector<16xf32>
        %add3A_460 = arith.addf %scan3A_445, %abs3A : vector<16xf32>
        %add3A_461 = vector.broadcast %mul3A_448 : i32 to vector<16xi32>
        %add3A_462 = arith.addi %iota3A, %add3A_461 : vector<16xi32>
        %add3A_463 = arith.constant 1 : i32
        %add3A_464 = vector.broadcast %add3A_463 : i32 to vector<16xi32>
        %add3A_465 = arith.addi %add3A_462, %add3A_464 : vector<16xi32>
        %and3A_466 = arith.constant 127 : i32
        %and3A_467 = vector.broadcast %and3A_466 : i32 to vector<16xi32>
        %and3A_468 = arith.andi %add3A_465, %and3A_467 : vector<16xi32>
        %gather3A_469 = tpu.vector_load_idx %arg9[%add3A_428, %and3A_468] : memref<64x128xf32, #tpu.memory_space<vmem>>[vector<16xi32>, vector<16xi32>], vector<16xf32>,
        %gather3A_470 = tpu.vector_load_idx %arg12[%add3A_428, %and3A_468] : memref<64x128xf32, #tpu.memory_space<vmem>>[vector<16xi32>, vector<16xi32>], vector<16xf32>,
        %gather3A_471 = tpu.vector_load_idx %arg15[%add3A_428, %and3A_468] : memref<64x128xf32, #tpu.memory_space<vmem>>[vector<16xi32>, vector<16xi32>], vector<16xf32>,
        %add3A_472 = arith.addf %gather3A_469, %gather3A_470 : vector<16xf32>
        %sub3A_473 = arith.subf %add3A_472, %gather3A_471 : vector<16xf32>
        %abs3A_474 = math.absf %sub3A_473 : vector<16xf32>
        %add3A_475 = arith.addf %scan3A_446, %abs3A_474 : vector<16xf32>
        %add3A_476 = vector.broadcast %mul3A_448 : i32 to vector<16xi32>
        %add3A_477 = arith.addi %iota3A, %add3A_476 : vector<16xi32>
        %add3A_478 = arith.constant 2 : i32
        %add3A_479 = vector.broadcast %add3A_478 : i32 to vector<16xi32>
        %add3A_480 = arith.addi %add3A_477, %add3A_479 : vector<16xi32>
        %and3A_481 = arith.constant 127 : i32
        %and3A_482 = vector.broadcast %and3A_481 : i32 to vector<16xi32>
        %and3A_483 = arith.andi %add3A_480, %and3A_482 : vector<16xi32>
        %gather3A_484 = tpu.vector_load_idx %arg9[%add3A_428, %and3A_483] : memref<64x128xf32, #tpu.memory_space<vmem>>[vector<16xi32>, vector<16xi32>], vector<16xf32>,
        %gather3A_485 = tpu.vector_load_idx %arg12[%add3A_428, %and3A_483] : memref<64x128xf32, #tpu.memory_space<vmem>>[vector<16xi32>, vector<16xi32>], vector<16xf32>,
        %gather3A_486 = tpu.vector_load_idx %arg15[%add3A_428, %and3A_483] : memref<64x128xf32, #tpu.memory_space<vmem>>[vector<16xi32>, vector<16xi32>], vector<16xf32>,
        %add3A_487 = arith.addf %gather3A_484, %gather3A_485 : vector<16xf32>
        %sub3A_488 = arith.subf %add3A_487, %gather3A_486 : vector<16xf32>
        %abs3A_489 = math.absf %sub3A_488 : vector<16xf32>
        %add3A_490 = arith.addf %add3A_460, %abs3A_489 : vector<16xf32>
        %add3A_491 = vector.broadcast %mul3A_448 : i32 to vector<16xi32>
        %add3A_492 = arith.addi %iota3A, %add3A_491 : vector<16xi32>
        %add3A_493 = arith.constant 3 : i32
        %add3A_494 = vector.broadcast %add3A_493 : i32 to vector<16xi32>
        %add3A_495 = arith.addi %add3A_492, %add3A_494 : vector<16xi32>
        %and3A_496 = arith.constant 127 : i32
        %and3A_497 = vector.broadcast %and3A_496 : i32 to vector<16xi32>
        %and3A_498 = arith.andi %add3A_495, %and3A_497 : vector<16xi32>
        %gather3A_499 = tpu.vector_load_idx %arg9[%add3A_428, %and3A_498] : memref<64x128xf32, #tpu.memory_space<vmem>>[vector<16xi32>, vector<16xi32>], vector<16xf32>,
        %gather3A_500 = tpu.vector_load_idx %arg12[%add3A_428, %and3A_498] : memref<64x128xf32, #tpu.memory_space<vmem>>[vector<16xi32>, vector<16xi32>], vector<16xf32>,
        %gather3A_501 = tpu.vector_load_idx %arg15[%add3A_428, %and3A_498] : memref<64x128xf32, #tpu.memory_space<vmem>>[vector<16xi32>, vector<16xi32>], vector<16xf32>,
        %add3A_502 = arith.addf %gather3A_499, %gather3A_500 : vector<16xf32>
        %sub3A_503 = arith.subf %add3A_502, %gather3A_501 : vector<16xf32>
        %abs3A_504 = math.absf %sub3A_503 : vector<16xf32>
        %add3A_505 = arith.addf %add3A_475, %abs3A_504 : vector<16xf32>
        %add3A_506 = vector.broadcast %mul3A_448 : i32 to vector<16xi32>
        %add3A_507 = arith.addi %iota3A, %add3A_506 : vector<16xi32>
        %add3A_508 = arith.constant 4 : i32
        %add3A_509 = vector.broadcast %add3A_508 : i32 to vector<16xi32>
        %add3A_510 = arith.addi %add3A_507, %add3A_509 : vector<16xi32>
        %and3A_511 = arith.constant 127 : i32
        %and3A_512 = vector.broadcast %and3A_511 : i32 to vector<16xi32>
        %and3A_513 = arith.andi %add3A_510, %and3A_512 : vector<16xi32>
        %gather3A_514 = tpu.vector_load_idx %arg9[%add3A_428, %and3A_513] : memref<64x128xf32, #tpu.memory_space<vmem>>[vector<16xi32>, vector<16xi32>], vector<16xf32>,
        %gather3A_515 = tpu.vector_load_idx %arg12[%add3A_428, %and3A_513] : memref<64x128xf32, #tpu.memory_space<vmem>>[vector<16xi32>, vector<16xi32>], vector<16xf32>,
        %gather3A_516 = tpu.vector_load_idx %arg15[%add3A_428, %and3A_513] : memref<64x128xf32, #tpu.memory_space<vmem>>[vector<16xi32>, vector<16xi32>], vector<16xf32>,
        %add3A_517 = arith.addf %gather3A_514, %gather3A_515 : vector<16xf32>
        %sub3A_518 = arith.subf %add3A_517, %gather3A_516 : vector<16xf32>
        %abs3A_519 = math.absf %sub3A_518 : vector<16xf32>
        %add3A_520 = arith.addf %add3A_490, %abs3A_519 : vector<16xf32>
        %add3A_521 = vector.broadcast %mul3A_448 : i32 to vector<16xi32>
        %add3A_522 = arith.addi %iota3A, %add3A_521 : vector<16xi32>
        %add3A_523 = arith.constant 5 : i32
        %add3A_524 = vector.broadcast %add3A_523 : i32 to vector<16xi32>
        %add3A_525 = arith.addi %add3A_522, %add3A_524 : vector<16xi32>
        %and3A_526 = arith.constant 127 : i32
        %and3A_527 = vector.broadcast %and3A_526 : i32 to vector<16xi32>
        %and3A_528 = arith.andi %add3A_525, %and3A_527 : vector<16xi32>
        %gather3A_529 = tpu.vector_load_idx %arg9[%add3A_428, %and3A_528] : memref<64x128xf32, #tpu.memory_space<vmem>>[vector<16xi32>, vector<16xi32>], vector<16xf32>,
        %gather3A_530 = tpu.vector_load_idx %arg12[%add3A_428, %and3A_528] : memref<64x128xf32, #tpu.memory_space<vmem>>[vector<16xi32>, vector<16xi32>], vector<16xf32>,
        %gather3A_531 = tpu.vector_load_idx %arg15[%add3A_428, %and3A_528] : memref<64x128xf32, #tpu.memory_space<vmem>>[vector<16xi32>, vector<16xi32>], vector<16xf32>,
        %add3A_532 = arith.addf %gather3A_529, %gather3A_530 : vector<16xf32>
        %sub3A_533 = arith.subf %add3A_532, %gather3A_531 : vector<16xf32>
        %abs3A_534 = math.absf %sub3A_533 : vector<16xf32>
        %add3A_535 = arith.addf %add3A_505, %abs3A_534 : vector<16xf32>
        %add3A_536 = vector.broadcast %mul3A_448 : i32 to vector<16xi32>
        %add3A_537 = arith.addi %iota3A, %add3A_536 : vector<16xi32>
        %add3A_538 = arith.constant 6 : i32
        %add3A_539 = vector.broadcast %add3A_538 : i32 to vector<16xi32>
        %add3A_540 = arith.addi %add3A_537, %add3A_539 : vector<16xi32>
        %and3A_541 = arith.constant 127 : i32
        %and3A_542 = vector.broadcast %and3A_541 : i32 to vector<16xi32>
        %and3A_543 = arith.andi %add3A_540, %and3A_542 : vector<16xi32>
        %gather3A_544 = tpu.vector_load_idx %arg9[%add3A_428, %and3A_543] : memref<64x128xf32, #tpu.memory_space<vmem>>[vector<16xi32>, vector<16xi32>], vector<16xf32>,
        %gather3A_545 = tpu.vector_load_idx %arg12[%add3A_428, %and3A_543] : memref<64x128xf32, #tpu.memory_space<vmem>>[vector<16xi32>, vector<16xi32>], vector<16xf32>,
        %gather3A_546 = tpu.vector_load_idx %arg15[%add3A_428, %and3A_543] : memref<64x128xf32, #tpu.memory_space<vmem>>[vector<16xi32>, vector<16xi32>], vector<16xf32>,
        %add3A_547 = arith.addf %gather3A_544, %gather3A_545 : vector<16xf32>
        %sub3A_548 = arith.subf %add3A_547, %gather3A_546 : vector<16xf32>
        %abs3A_549 = math.absf %sub3A_548 : vector<16xf32>
        %add3A_550 = arith.addf %add3A_520, %abs3A_549 : vector<16xf32>
        %add3A_551 = vector.broadcast %mul3A_448 : i32 to vector<16xi32>
        %add3A_552 = arith.addi %iota3A, %add3A_551 : vector<16xi32>
        %add3A_553 = arith.constant 7 : i32
        %add3A_554 = vector.broadcast %add3A_553 : i32 to vector<16xi32>
        %add3A_555 = arith.addi %add3A_552, %add3A_554 : vector<16xi32>
        %and3A_556 = arith.constant 127 : i32
        %and3A_557 = vector.broadcast %and3A_556 : i32 to vector<16xi32>
        %and3A_558 = arith.andi %add3A_555, %and3A_557 : vector<16xi32>
        %gather3A_559 = tpu.vector_load_idx %arg9[%add3A_428, %and3A_558] : memref<64x128xf32, #tpu.memory_space<vmem>>[vector<16xi32>, vector<16xi32>], vector<16xf32>,
        %gather3A_560 = tpu.vector_load_idx %arg12[%add3A_428, %and3A_558] : memref<64x128xf32, #tpu.memory_space<vmem>>[vector<16xi32>, vector<16xi32>], vector<16xf32>,
        %gather3A_561 = tpu.vector_load_idx %arg15[%add3A_428, %and3A_558] : memref<64x128xf32, #tpu.memory_space<vmem>>[vector<16xi32>, vector<16xi32>], vector<16xf32>,
        %add3A_562 = arith.addf %gather3A_559, %gather3A_560 : vector<16xf32>
        %sub3A_563 = arith.subf %add3A_562, %gather3A_561 : vector<16xf32>
        %abs3A_564 = math.absf %sub3A_563 : vector<16xf32>
        %add3A_565 = arith.addf %add3A_535, %abs3A_564 : vector<16xf32>
        scf.yield %add3A_550, %add3A_565 : vector<16xf32>, vector<16xf32>
      }
      %scan3A_435 = arith.constant 16 : i32
      %add3A_436 = arith.addf %scan3A_434#0, %scan3A_434#1 : vector<16xf32>
      %sub3A = arith.constant 1.200000e+01 : f32
      %sub3A_437 = vector.broadcast %sub3A : f32 to vector<16xf32>
      %sub3A_438 = arith.subf %sub3A_437, %add3A_436 : vector<16xf32>
      %mul3A_439 = arith.constant 16 : i32
      %mul3A_440 = arith.muli %scan3A_424, %mul3A_439 : i32
      %add3A_441 = arith.constant 128 : i32
      %add3A_442 = arith.addi %add3A_441, %mul3A_440 : i32
      %swap3A = arith.index_cast %add3A_442 : i32 to index
      %swap3A_443 = tpu.vector_load %arg16[%swap3A] {strides = array<i32>} : memref<512xf32, #tpu.memory_space<vmem>>, vector<16xf32>,
      tpu.vector_store %arg16[%swap3A], %sub3A_438 {strides = array<i32>} : memref<512xf32, #tpu.memory_space<vmem>>, vector<16xf32>,
    }
    %scan3A_206 = arith.constant 4 : i32
    %dma_start3A_207 = arith.constant 0 : i32
    %dma_start3A_208 = arith.constant 5 : i32
    %dma_start3A_209 = arith.constant 0 : i32
    %dma_start3A_210 = tpu.memref_slice %arg6[%dma_start3A_207, %dma_start3A_208, %dma_start3A_209] : memref<3x8x64xi32, #tpu.memory_space<vmem>> -> memref<1x1x64xi32, #tpu.memory_space<vmem>>
    %dma_start3A_211 = tpu.memref_squeeze %dma_start3A_210 : memref<1x1x64xi32, #tpu.memory_space<vmem>> -> memref<64xi32, #tpu.memory_space<vmem>>
    %dma_start3A_212 = arith.constant 0 : i32
    %dma_start3A_213 = arith.constant 0 : i32
    %dma_start3A_214 = tpu.memref_slice %arg3[%dma_start3A_212, %dma_start3A_213] : memref<100000x128xf32, #tpu.memory_space<hbm>> -> memref<100000x128xf32, #tpu.memory_space<hbm>>
    tpu.enqueue_indirect_dma source(%dma_start3A_214 : memref<100000x128xf32, #tpu.memory_space<hbm>>) target(%arg9 : memref<64x128xf32, #tpu.memory_space<vmem>>) offsets(%dma_start3A_211 : memref<64xi32, #tpu.memory_space<vmem>>) semaphore(%arg19 : memref<!tpu.dma_semaphore, #tpu.memory_space<semaphore_mem>>)
    %dma_start3A_215 = arith.constant 1 : i32
    %dma_start3A_216 = arith.constant 5 : i32
    %dma_start3A_217 = arith.constant 0 : i32
    %dma_start3A_218 = tpu.memref_slice %arg6[%dma_start3A_215, %dma_start3A_216, %dma_start3A_217] : memref<3x8x64xi32, #tpu.memory_space<vmem>> -> memref<1x1x64xi32, #tpu.memory_space<vmem>>
    %dma_start3A_219 = tpu.memref_squeeze %dma_start3A_218 : memref<1x1x64xi32, #tpu.memory_space<vmem>> -> memref<64xi32, #tpu.memory_space<vmem>>
    %dma_start3A_220 = arith.constant 0 : i32
    %dma_start3A_221 = arith.constant 0 : i32
    %dma_start3A_222 = tpu.memref_slice %arg4[%dma_start3A_220, %dma_start3A_221] : memref<100000x128xf32, #tpu.memory_space<hbm>> -> memref<100000x128xf32, #tpu.memory_space<hbm>>
    tpu.enqueue_indirect_dma source(%dma_start3A_222 : memref<100000x128xf32, #tpu.memory_space<hbm>>) target(%arg12 : memref<64x128xf32, #tpu.memory_space<vmem>>) offsets(%dma_start3A_219 : memref<64xi32, #tpu.memory_space<vmem>>) semaphore(%arg19 : memref<!tpu.dma_semaphore, #tpu.memory_space<semaphore_mem>>)
    %dma_start3A_223 = arith.constant 2 : i32
    %dma_start3A_224 = arith.constant 5 : i32
    %dma_start3A_225 = arith.constant 0 : i32
    %dma_start3A_226 = tpu.memref_slice %arg6[%dma_start3A_223, %dma_start3A_224, %dma_start3A_225] : memref<3x8x64xi32, #tpu.memory_space<vmem>> -> memref<1x1x64xi32, #tpu.memory_space<vmem>>
    %dma_start3A_227 = tpu.memref_squeeze %dma_start3A_226 : memref<1x1x64xi32, #tpu.memory_space<vmem>> -> memref<64xi32, #tpu.memory_space<vmem>>
    %dma_start3A_228 = arith.constant 0 : i32
    %dma_start3A_229 = arith.constant 0 : i32
    %dma_start3A_230 = tpu.memref_slice %arg3[%dma_start3A_228, %dma_start3A_229] : memref<100000x128xf32, #tpu.memory_space<hbm>> -> memref<100000x128xf32, #tpu.memory_space<hbm>>
    tpu.enqueue_indirect_dma source(%dma_start3A_230 : memref<100000x128xf32, #tpu.memory_space<hbm>>) target(%arg15 : memref<64x128xf32, #tpu.memory_space<vmem>>) offsets(%dma_start3A_227 : memref<64xi32, #tpu.memory_space<vmem>>) semaphore(%arg19 : memref<!tpu.dma_semaphore, #tpu.memory_space<semaphore_mem>>)
    %dma_wait3A_231 = arith.constant 0 : i32
    %dma_wait3A_232 = arith.constant 3 : i32
    %dma_wait3A_233 = arith.constant 0 : i32
    %dma_wait3A_234 = tpu.memref_slice %arg6[%dma_wait3A_231, %dma_wait3A_232, %dma_wait3A_233] : memref<3x8x64xi32, #tpu.memory_space<vmem>> -> memref<1x1x64xi32, #tpu.memory_space<vmem>>
    %dma_wait3A_235 = tpu.memref_squeeze %dma_wait3A_234 : memref<1x1x64xi32, #tpu.memory_space<vmem>> -> memref<64xi32, #tpu.memory_space<vmem>>
    %dma_wait3A_236 = arith.constant 0 : i32
    %dma_wait3A_237 = arith.constant 0 : i32
    %dma_wait3A_238 = tpu.memref_slice %arg3[%dma_wait3A_236, %dma_wait3A_237] : memref<100000x128xf32, #tpu.memory_space<hbm>> -> memref<100000x128xf32, #tpu.memory_space<hbm>>
    tpu.wait_indirect_dma semaphore(%arg17 : memref<!tpu.dma_semaphore, #tpu.memory_space<semaphore_mem>>) src(%dma_wait3A_238 : memref<100000x128xf32, #tpu.memory_space<hbm>>) dst(%arg7 : memref<64x128xf32, #tpu.memory_space<vmem>>)
    %dma_wait3A_239 = arith.constant 1 : i32
    %dma_wait3A_240 = arith.constant 3 : i32
    %dma_wait3A_241 = arith.constant 0 : i32
    %dma_wait3A_242 = tpu.memref_slice %arg6[%dma_wait3A_239, %dma_wait3A_240, %dma_wait3A_241] : memref<3x8x64xi32, #tpu.memory_space<vmem>> -> memref<1x1x64xi32, #tpu.memory_space<vmem>>
    %dma_wait3A_243 = tpu.memref_squeeze %dma_wait3A_242 : memref<1x1x64xi32, #tpu.memory_space<vmem>> -> memref<64xi32, #tpu.memory_space<vmem>>
    %dma_wait3A_244 = arith.constant 0 : i32
    %dma_wait3A_245 = arith.constant 0 : i32
    %dma_wait3A_246 = tpu.memref_slice %arg4[%dma_wait3A_244, %dma_wait3A_245] : memref<100000x128xf32, #tpu.memory_space<hbm>> -> memref<100000x128xf32, #tpu.memory_space<hbm>>
    tpu.wait_indirect_dma semaphore(%arg17 : memref<!tpu.dma_semaphore, #tpu.memory_space<semaphore_mem>>) src(%dma_wait3A_246 : memref<100000x128xf32, #tpu.memory_space<hbm>>) dst(%arg10 : memref<64x128xf32, #tpu.memory_space<vmem>>)
    %dma_wait3A_247 = arith.constant 2 : i32
    %dma_wait3A_248 = arith.constant 3 : i32
    %dma_wait3A_249 = arith.constant 0 : i32
    %dma_wait3A_250 = tpu.memref_slice %arg6[%dma_wait3A_247, %dma_wait3A_248, %dma_wait3A_249] : memref<3x8x64xi32, #tpu.memory_space<vmem>> -> memref<1x1x64xi32, #tpu.memory_space<vmem>>
    %dma_wait3A_251 = tpu.memref_squeeze %dma_wait3A_250 : memref<1x1x64xi32, #tpu.memory_space<vmem>> -> memref<64xi32, #tpu.memory_space<vmem>>
    %dma_wait3A_252 = arith.constant 0 : i32
    %dma_wait3A_253 = arith.constant 0 : i32
    %dma_wait3A_254 = tpu.memref_slice %arg3[%dma_wait3A_252, %dma_wait3A_253] : memref<100000x128xf32, #tpu.memory_space<hbm>> -> memref<100000x128xf32, #tpu.memory_space<hbm>>
    tpu.wait_indirect_dma semaphore(%arg17 : memref<!tpu.dma_semaphore, #tpu.memory_space<semaphore_mem>>) src(%dma_wait3A_254 : memref<100000x128xf32, #tpu.memory_space<hbm>>) dst(%arg13 : memref<64x128xf32, #tpu.memory_space<vmem>>)
    %scan3A_255 = arith.constant 0 : i32
    %scan3A_256 = arith.constant 4 : i32
    %scan3A_257 = arith.addi %scan3A_255, %scan3A_256 : i32
    %scan3A_258 = arith.constant 1 : i32
    scf.for %scan3A_424 = %scan3A_255 to %scan3A_257 step %scan3A_258  : i32 {
      %mul3A_425 = arith.constant 16 : i32
      %mul3A_426 = arith.muli %scan3A_424, %mul3A_425 : i32
      %add3A_427 = vector.broadcast %mul3A_426 : i32 to vector<16xi32>
      %add3A_428 = arith.addi %add3A_427, %iota3A : vector<16xi32>
      %broadcast_in_dim3A = arith.constant 0.000000e+00 : f32
      %broadcast_in_dim3A_429 = vector.broadcast %broadcast_in_dim3A : f32 to vector<16xf32>
      %scan3A_430 = arith.constant 0 : i32
      %scan3A_431 = arith.constant 16 : i32
      %scan3A_432 = arith.addi %scan3A_430, %scan3A_431 : i32
      %scan3A_433 = arith.constant 1 : i32
      %scan3A_434:2 = scf.for %scan3A_444 = %scan3A_430 to %scan3A_432 step %scan3A_433 iter_args(%scan3A_445 = %broadcast_in_dim3A_429, %scan3A_446 = %broadcast_in_dim3A_429) -> (vector<16xf32>, vector<16xf32>)  : i32 {
        %mul3A_447 = arith.constant 8 : i32
        %mul3A_448 = arith.muli %scan3A_444, %mul3A_447 : i32
        %add3A_449 = vector.broadcast %mul3A_448 : i32 to vector<16xi32>
        %add3A_450 = arith.addi %iota3A, %add3A_449 : vector<16xi32>
        %add3A_451 = arith.constant 0 : i32
        %add3A_452 = vector.broadcast %add3A_451 : i32 to vector<16xi32>
        %add3A_453 = arith.addi %add3A_450, %add3A_452 : vector<16xi32>
        %and3A = arith.constant 127 : i32
        %and3A_454 = vector.broadcast %and3A : i32 to vector<16xi32>
        %and3A_455 = arith.andi %add3A_453, %and3A_454 : vector<16xi32>
        %gather3A = tpu.vector_load_idx %arg7[%add3A_428, %and3A_455] : memref<64x128xf32, #tpu.memory_space<vmem>>[vector<16xi32>, vector<16xi32>], vector<16xf32>,
        %gather3A_456 = tpu.vector_load_idx %arg10[%add3A_428, %and3A_455] : memref<64x128xf32, #tpu.memory_space<vmem>>[vector<16xi32>, vector<16xi32>], vector<16xf32>,
        %gather3A_457 = tpu.vector_load_idx %arg13[%add3A_428, %and3A_455] : memref<64x128xf32, #tpu.memory_space<vmem>>[vector<16xi32>, vector<16xi32>], vector<16xf32>,
        %add3A_458 = arith.addf %gather3A, %gather3A_456 : vector<16xf32>
        %sub3A_459 = arith.subf %add3A_458, %gather3A_457 : vector<16xf32>
        %abs3A = math.absf %sub3A_459 : vector<16xf32>
        %add3A_460 = arith.addf %scan3A_445, %abs3A : vector<16xf32>
        %add3A_461 = vector.broadcast %mul3A_448 : i32 to vector<16xi32>
        %add3A_462 = arith.addi %iota3A, %add3A_461 : vector<16xi32>
        %add3A_463 = arith.constant 1 : i32
        %add3A_464 = vector.broadcast %add3A_463 : i32 to vector<16xi32>
        %add3A_465 = arith.addi %add3A_462, %add3A_464 : vector<16xi32>
        %and3A_466 = arith.constant 127 : i32
        %and3A_467 = vector.broadcast %and3A_466 : i32 to vector<16xi32>
        %and3A_468 = arith.andi %add3A_465, %and3A_467 : vector<16xi32>
        %gather3A_469 = tpu.vector_load_idx %arg7[%add3A_428, %and3A_468] : memref<64x128xf32, #tpu.memory_space<vmem>>[vector<16xi32>, vector<16xi32>], vector<16xf32>,
        %gather3A_470 = tpu.vector_load_idx %arg10[%add3A_428, %and3A_468] : memref<64x128xf32, #tpu.memory_space<vmem>>[vector<16xi32>, vector<16xi32>], vector<16xf32>,
        %gather3A_471 = tpu.vector_load_idx %arg13[%add3A_428, %and3A_468] : memref<64x128xf32, #tpu.memory_space<vmem>>[vector<16xi32>, vector<16xi32>], vector<16xf32>,
        %add3A_472 = arith.addf %gather3A_469, %gather3A_470 : vector<16xf32>
        %sub3A_473 = arith.subf %add3A_472, %gather3A_471 : vector<16xf32>
        %abs3A_474 = math.absf %sub3A_473 : vector<16xf32>
        %add3A_475 = arith.addf %scan3A_446, %abs3A_474 : vector<16xf32>
        %add3A_476 = vector.broadcast %mul3A_448 : i32 to vector<16xi32>
        %add3A_477 = arith.addi %iota3A, %add3A_476 : vector<16xi32>
        %add3A_478 = arith.constant 2 : i32
        %add3A_479 = vector.broadcast %add3A_478 : i32 to vector<16xi32>
        %add3A_480 = arith.addi %add3A_477, %add3A_479 : vector<16xi32>
        %and3A_481 = arith.constant 127 : i32
        %and3A_482 = vector.broadcast %and3A_481 : i32 to vector<16xi32>
        %and3A_483 = arith.andi %add3A_480, %and3A_482 : vector<16xi32>
        %gather3A_484 = tpu.vector_load_idx %arg7[%add3A_428, %and3A_483] : memref<64x128xf32, #tpu.memory_space<vmem>>[vector<16xi32>, vector<16xi32>], vector<16xf32>,
        %gather3A_485 = tpu.vector_load_idx %arg10[%add3A_428, %and3A_483] : memref<64x128xf32, #tpu.memory_space<vmem>>[vector<16xi32>, vector<16xi32>], vector<16xf32>,
        %gather3A_486 = tpu.vector_load_idx %arg13[%add3A_428, %and3A_483] : memref<64x128xf32, #tpu.memory_space<vmem>>[vector<16xi32>, vector<16xi32>], vector<16xf32>,
        %add3A_487 = arith.addf %gather3A_484, %gather3A_485 : vector<16xf32>
        %sub3A_488 = arith.subf %add3A_487, %gather3A_486 : vector<16xf32>
        %abs3A_489 = math.absf %sub3A_488 : vector<16xf32>
        %add3A_490 = arith.addf %add3A_460, %abs3A_489 : vector<16xf32>
        %add3A_491 = vector.broadcast %mul3A_448 : i32 to vector<16xi32>
        %add3A_492 = arith.addi %iota3A, %add3A_491 : vector<16xi32>
        %add3A_493 = arith.constant 3 : i32
        %add3A_494 = vector.broadcast %add3A_493 : i32 to vector<16xi32>
        %add3A_495 = arith.addi %add3A_492, %add3A_494 : vector<16xi32>
        %and3A_496 = arith.constant 127 : i32
        %and3A_497 = vector.broadcast %and3A_496 : i32 to vector<16xi32>
        %and3A_498 = arith.andi %add3A_495, %and3A_497 : vector<16xi32>
        %gather3A_499 = tpu.vector_load_idx %arg7[%add3A_428, %and3A_498] : memref<64x128xf32, #tpu.memory_space<vmem>>[vector<16xi32>, vector<16xi32>], vector<16xf32>,
        %gather3A_500 = tpu.vector_load_idx %arg10[%add3A_428, %and3A_498] : memref<64x128xf32, #tpu.memory_space<vmem>>[vector<16xi32>, vector<16xi32>], vector<16xf32>,
        %gather3A_501 = tpu.vector_load_idx %arg13[%add3A_428, %and3A_498] : memref<64x128xf32, #tpu.memory_space<vmem>>[vector<16xi32>, vector<16xi32>], vector<16xf32>,
        %add3A_502 = arith.addf %gather3A_499, %gather3A_500 : vector<16xf32>
        %sub3A_503 = arith.subf %add3A_502, %gather3A_501 : vector<16xf32>
        %abs3A_504 = math.absf %sub3A_503 : vector<16xf32>
        %add3A_505 = arith.addf %add3A_475, %abs3A_504 : vector<16xf32>
        %add3A_506 = vector.broadcast %mul3A_448 : i32 to vector<16xi32>
        %add3A_507 = arith.addi %iota3A, %add3A_506 : vector<16xi32>
        %add3A_508 = arith.constant 4 : i32
        %add3A_509 = vector.broadcast %add3A_508 : i32 to vector<16xi32>
        %add3A_510 = arith.addi %add3A_507, %add3A_509 : vector<16xi32>
        %and3A_511 = arith.constant 127 : i32
        %and3A_512 = vector.broadcast %and3A_511 : i32 to vector<16xi32>
        %and3A_513 = arith.andi %add3A_510, %and3A_512 : vector<16xi32>
        %gather3A_514 = tpu.vector_load_idx %arg7[%add3A_428, %and3A_513] : memref<64x128xf32, #tpu.memory_space<vmem>>[vector<16xi32>, vector<16xi32>], vector<16xf32>,
        %gather3A_515 = tpu.vector_load_idx %arg10[%add3A_428, %and3A_513] : memref<64x128xf32, #tpu.memory_space<vmem>>[vector<16xi32>, vector<16xi32>], vector<16xf32>,
        %gather3A_516 = tpu.vector_load_idx %arg13[%add3A_428, %and3A_513] : memref<64x128xf32, #tpu.memory_space<vmem>>[vector<16xi32>, vector<16xi32>], vector<16xf32>,
        %add3A_517 = arith.addf %gather3A_514, %gather3A_515 : vector<16xf32>
        %sub3A_518 = arith.subf %add3A_517, %gather3A_516 : vector<16xf32>
        %abs3A_519 = math.absf %sub3A_518 : vector<16xf32>
        %add3A_520 = arith.addf %add3A_490, %abs3A_519 : vector<16xf32>
        %add3A_521 = vector.broadcast %mul3A_448 : i32 to vector<16xi32>
        %add3A_522 = arith.addi %iota3A, %add3A_521 : vector<16xi32>
        %add3A_523 = arith.constant 5 : i32
        %add3A_524 = vector.broadcast %add3A_523 : i32 to vector<16xi32>
        %add3A_525 = arith.addi %add3A_522, %add3A_524 : vector<16xi32>
        %and3A_526 = arith.constant 127 : i32
        %and3A_527 = vector.broadcast %and3A_526 : i32 to vector<16xi32>
        %and3A_528 = arith.andi %add3A_525, %and3A_527 : vector<16xi32>
        %gather3A_529 = tpu.vector_load_idx %arg7[%add3A_428, %and3A_528] : memref<64x128xf32, #tpu.memory_space<vmem>>[vector<16xi32>, vector<16xi32>], vector<16xf32>,
        %gather3A_530 = tpu.vector_load_idx %arg10[%add3A_428, %and3A_528] : memref<64x128xf32, #tpu.memory_space<vmem>>[vector<16xi32>, vector<16xi32>], vector<16xf32>,
        %gather3A_531 = tpu.vector_load_idx %arg13[%add3A_428, %and3A_528] : memref<64x128xf32, #tpu.memory_space<vmem>>[vector<16xi32>, vector<16xi32>], vector<16xf32>,
        %add3A_532 = arith.addf %gather3A_529, %gather3A_530 : vector<16xf32>
        %sub3A_533 = arith.subf %add3A_532, %gather3A_531 : vector<16xf32>
        %abs3A_534 = math.absf %sub3A_533 : vector<16xf32>
        %add3A_535 = arith.addf %add3A_505, %abs3A_534 : vector<16xf32>
        %add3A_536 = vector.broadcast %mul3A_448 : i32 to vector<16xi32>
        %add3A_537 = arith.addi %iota3A, %add3A_536 : vector<16xi32>
        %add3A_538 = arith.constant 6 : i32
        %add3A_539 = vector.broadcast %add3A_538 : i32 to vector<16xi32>
        %add3A_540 = arith.addi %add3A_537, %add3A_539 : vector<16xi32>
        %and3A_541 = arith.constant 127 : i32
        %and3A_542 = vector.broadcast %and3A_541 : i32 to vector<16xi32>
        %and3A_543 = arith.andi %add3A_540, %and3A_542 : vector<16xi32>
        %gather3A_544 = tpu.vector_load_idx %arg7[%add3A_428, %and3A_543] : memref<64x128xf32, #tpu.memory_space<vmem>>[vector<16xi32>, vector<16xi32>], vector<16xf32>,
        %gather3A_545 = tpu.vector_load_idx %arg10[%add3A_428, %and3A_543] : memref<64x128xf32, #tpu.memory_space<vmem>>[vector<16xi32>, vector<16xi32>], vector<16xf32>,
        %gather3A_546 = tpu.vector_load_idx %arg13[%add3A_428, %and3A_543] : memref<64x128xf32, #tpu.memory_space<vmem>>[vector<16xi32>, vector<16xi32>], vector<16xf32>,
        %add3A_547 = arith.addf %gather3A_544, %gather3A_545 : vector<16xf32>
        %sub3A_548 = arith.subf %add3A_547, %gather3A_546 : vector<16xf32>
        %abs3A_549 = math.absf %sub3A_548 : vector<16xf32>
        %add3A_550 = arith.addf %add3A_520, %abs3A_549 : vector<16xf32>
        %add3A_551 = vector.broadcast %mul3A_448 : i32 to vector<16xi32>
        %add3A_552 = arith.addi %iota3A, %add3A_551 : vector<16xi32>
        %add3A_553 = arith.constant 7 : i32
        %add3A_554 = vector.broadcast %add3A_553 : i32 to vector<16xi32>
        %add3A_555 = arith.addi %add3A_552, %add3A_554 : vector<16xi32>
        %and3A_556 = arith.constant 127 : i32
        %and3A_557 = vector.broadcast %and3A_556 : i32 to vector<16xi32>
        %and3A_558 = arith.andi %add3A_555, %and3A_557 : vector<16xi32>
        %gather3A_559 = tpu.vector_load_idx %arg7[%add3A_428, %and3A_558] : memref<64x128xf32, #tpu.memory_space<vmem>>[vector<16xi32>, vector<16xi32>], vector<16xf32>,
        %gather3A_560 = tpu.vector_load_idx %arg10[%add3A_428, %and3A_558] : memref<64x128xf32, #tpu.memory_space<vmem>>[vector<16xi32>, vector<16xi32>], vector<16xf32>,
        %gather3A_561 = tpu.vector_load_idx %arg13[%add3A_428, %and3A_558] : memref<64x128xf32, #tpu.memory_space<vmem>>[vector<16xi32>, vector<16xi32>], vector<16xf32>,
        %add3A_562 = arith.addf %gather3A_559, %gather3A_560 : vector<16xf32>
        %sub3A_563 = arith.subf %add3A_562, %gather3A_561 : vector<16xf32>
        %abs3A_564 = math.absf %sub3A_563 : vector<16xf32>
        %add3A_565 = arith.addf %add3A_535, %abs3A_564 : vector<16xf32>
        scf.yield %add3A_550, %add3A_565 : vector<16xf32>, vector<16xf32>
      }
      %scan3A_435 = arith.constant 16 : i32
      %add3A_436 = arith.addf %scan3A_434#0, %scan3A_434#1 : vector<16xf32>
      %sub3A = arith.constant 1.200000e+01 : f32
      %sub3A_437 = vector.broadcast %sub3A : f32 to vector<16xf32>
      %sub3A_438 = arith.subf %sub3A_437, %add3A_436 : vector<16xf32>
      %mul3A_439 = arith.constant 16 : i32
      %mul3A_440 = arith.muli %scan3A_424, %mul3A_439 : i32
      %add3A_441 = arith.constant 192 : i32
      %add3A_442 = arith.addi %add3A_441, %mul3A_440 : i32
      %swap3A = arith.index_cast %add3A_442 : i32 to index
      %swap3A_443 = tpu.vector_load %arg16[%swap3A] {strides = array<i32>} : memref<512xf32, #tpu.memory_space<vmem>>, vector<16xf32>,
      tpu.vector_store %arg16[%swap3A], %sub3A_438 {strides = array<i32>} : memref<512xf32, #tpu.memory_space<vmem>>, vector<16xf32>,
    }
    %scan3A_259 = arith.constant 4 : i32
    %dma_start3A_260 = arith.constant 0 : i32
    %dma_start3A_261 = arith.constant 6 : i32
    %dma_start3A_262 = arith.constant 0 : i32
    %dma_start3A_263 = tpu.memref_slice %arg6[%dma_start3A_260, %dma_start3A_261, %dma_start3A_262] : memref<3x8x64xi32, #tpu.memory_space<vmem>> -> memref<1x1x64xi32, #tpu.memory_space<vmem>>
    %dma_start3A_264 = tpu.memref_squeeze %dma_start3A_263 : memref<1x1x64xi32, #tpu.memory_space<vmem>> -> memref<64xi32, #tpu.memory_space<vmem>>
    %dma_start3A_265 = arith.constant 0 : i32
    %dma_start3A_266 = arith.constant 0 : i32
    %dma_start3A_267 = tpu.memref_slice %arg3[%dma_start3A_265, %dma_start3A_266] : memref<100000x128xf32, #tpu.memory_space<hbm>> -> memref<100000x128xf32, #tpu.memory_space<hbm>>
    tpu.enqueue_indirect_dma source(%dma_start3A_267 : memref<100000x128xf32, #tpu.memory_space<hbm>>) target(%arg7 : memref<64x128xf32, #tpu.memory_space<vmem>>) offsets(%dma_start3A_264 : memref<64xi32, #tpu.memory_space<vmem>>) semaphore(%arg17 : memref<!tpu.dma_semaphore, #tpu.memory_space<semaphore_mem>>)
    %dma_start3A_268 = arith.constant 1 : i32
    %dma_start3A_269 = arith.constant 6 : i32
    %dma_start3A_270 = arith.constant 0 : i32
    %dma_start3A_271 = tpu.memref_slice %arg6[%dma_start3A_268, %dma_start3A_269, %dma_start3A_270] : memref<3x8x64xi32, #tpu.memory_space<vmem>> -> memref<1x1x64xi32, #tpu.memory_space<vmem>>
    %dma_start3A_272 = tpu.memref_squeeze %dma_start3A_271 : memref<1x1x64xi32, #tpu.memory_space<vmem>> -> memref<64xi32, #tpu.memory_space<vmem>>
    %dma_start3A_273 = arith.constant 0 : i32
    %dma_start3A_274 = arith.constant 0 : i32
    %dma_start3A_275 = tpu.memref_slice %arg4[%dma_start3A_273, %dma_start3A_274] : memref<100000x128xf32, #tpu.memory_space<hbm>> -> memref<100000x128xf32, #tpu.memory_space<hbm>>
    tpu.enqueue_indirect_dma source(%dma_start3A_275 : memref<100000x128xf32, #tpu.memory_space<hbm>>) target(%arg10 : memref<64x128xf32, #tpu.memory_space<vmem>>) offsets(%dma_start3A_272 : memref<64xi32, #tpu.memory_space<vmem>>) semaphore(%arg17 : memref<!tpu.dma_semaphore, #tpu.memory_space<semaphore_mem>>)
    %dma_start3A_276 = arith.constant 2 : i32
    %dma_start3A_277 = arith.constant 6 : i32
    %dma_start3A_278 = arith.constant 0 : i32
    %dma_start3A_279 = tpu.memref_slice %arg6[%dma_start3A_276, %dma_start3A_277, %dma_start3A_278] : memref<3x8x64xi32, #tpu.memory_space<vmem>> -> memref<1x1x64xi32, #tpu.memory_space<vmem>>
    %dma_start3A_280 = tpu.memref_squeeze %dma_start3A_279 : memref<1x1x64xi32, #tpu.memory_space<vmem>> -> memref<64xi32, #tpu.memory_space<vmem>>
    %dma_start3A_281 = arith.constant 0 : i32
    %dma_start3A_282 = arith.constant 0 : i32
    %dma_start3A_283 = tpu.memref_slice %arg3[%dma_start3A_281, %dma_start3A_282] : memref<100000x128xf32, #tpu.memory_space<hbm>> -> memref<100000x128xf32, #tpu.memory_space<hbm>>
    tpu.enqueue_indirect_dma source(%dma_start3A_283 : memref<100000x128xf32, #tpu.memory_space<hbm>>) target(%arg13 : memref<64x128xf32, #tpu.memory_space<vmem>>) offsets(%dma_start3A_280 : memref<64xi32, #tpu.memory_space<vmem>>) semaphore(%arg17 : memref<!tpu.dma_semaphore, #tpu.memory_space<semaphore_mem>>)
    %dma_wait3A_284 = arith.constant 0 : i32
    %dma_wait3A_285 = arith.constant 4 : i32
    %dma_wait3A_286 = arith.constant 0 : i32
    %dma_wait3A_287 = tpu.memref_slice %arg6[%dma_wait3A_284, %dma_wait3A_285, %dma_wait3A_286] : memref<3x8x64xi32, #tpu.memory_space<vmem>> -> memref<1x1x64xi32, #tpu.memory_space<vmem>>
    %dma_wait3A_288 = tpu.memref_squeeze %dma_wait3A_287 : memref<1x1x64xi32, #tpu.memory_space<vmem>> -> memref<64xi32, #tpu.memory_space<vmem>>
    %dma_wait3A_289 = arith.constant 0 : i32
    %dma_wait3A_290 = arith.constant 0 : i32
    %dma_wait3A_291 = tpu.memref_slice %arg3[%dma_wait3A_289, %dma_wait3A_290] : memref<100000x128xf32, #tpu.memory_space<hbm>> -> memref<100000x128xf32, #tpu.memory_space<hbm>>
    tpu.wait_indirect_dma semaphore(%arg18 : memref<!tpu.dma_semaphore, #tpu.memory_space<semaphore_mem>>) src(%dma_wait3A_291 : memref<100000x128xf32, #tpu.memory_space<hbm>>) dst(%arg8 : memref<64x128xf32, #tpu.memory_space<vmem>>)
    %dma_wait3A_292 = arith.constant 1 : i32
    %dma_wait3A_293 = arith.constant 4 : i32
    %dma_wait3A_294 = arith.constant 0 : i32
    %dma_wait3A_295 = tpu.memref_slice %arg6[%dma_wait3A_292, %dma_wait3A_293, %dma_wait3A_294] : memref<3x8x64xi32, #tpu.memory_space<vmem>> -> memref<1x1x64xi32, #tpu.memory_space<vmem>>
    %dma_wait3A_296 = tpu.memref_squeeze %dma_wait3A_295 : memref<1x1x64xi32, #tpu.memory_space<vmem>> -> memref<64xi32, #tpu.memory_space<vmem>>
    %dma_wait3A_297 = arith.constant 0 : i32
    %dma_wait3A_298 = arith.constant 0 : i32
    %dma_wait3A_299 = tpu.memref_slice %arg4[%dma_wait3A_297, %dma_wait3A_298] : memref<100000x128xf32, #tpu.memory_space<hbm>> -> memref<100000x128xf32, #tpu.memory_space<hbm>>
    tpu.wait_indirect_dma semaphore(%arg18 : memref<!tpu.dma_semaphore, #tpu.memory_space<semaphore_mem>>) src(%dma_wait3A_299 : memref<100000x128xf32, #tpu.memory_space<hbm>>) dst(%arg11 : memref<64x128xf32, #tpu.memory_space<vmem>>)
    %dma_wait3A_300 = arith.constant 2 : i32
    %dma_wait3A_301 = arith.constant 4 : i32
    %dma_wait3A_302 = arith.constant 0 : i32
    %dma_wait3A_303 = tpu.memref_slice %arg6[%dma_wait3A_300, %dma_wait3A_301, %dma_wait3A_302] : memref<3x8x64xi32, #tpu.memory_space<vmem>> -> memref<1x1x64xi32, #tpu.memory_space<vmem>>
    %dma_wait3A_304 = tpu.memref_squeeze %dma_wait3A_303 : memref<1x1x64xi32, #tpu.memory_space<vmem>> -> memref<64xi32, #tpu.memory_space<vmem>>
    %dma_wait3A_305 = arith.constant 0 : i32
    %dma_wait3A_306 = arith.constant 0 : i32
    %dma_wait3A_307 = tpu.memref_slice %arg3[%dma_wait3A_305, %dma_wait3A_306] : memref<100000x128xf32, #tpu.memory_space<hbm>> -> memref<100000x128xf32, #tpu.memory_space<hbm>>
    tpu.wait_indirect_dma semaphore(%arg18 : memref<!tpu.dma_semaphore, #tpu.memory_space<semaphore_mem>>) src(%dma_wait3A_307 : memref<100000x128xf32, #tpu.memory_space<hbm>>) dst(%arg14 : memref<64x128xf32, #tpu.memory_space<vmem>>)
    %scan3A_308 = arith.constant 0 : i32
    %scan3A_309 = arith.constant 4 : i32
    %scan3A_310 = arith.addi %scan3A_308, %scan3A_309 : i32
    %scan3A_311 = arith.constant 1 : i32
    scf.for %scan3A_424 = %scan3A_308 to %scan3A_310 step %scan3A_311  : i32 {
      %mul3A_425 = arith.constant 16 : i32
      %mul3A_426 = arith.muli %scan3A_424, %mul3A_425 : i32
      %add3A_427 = vector.broadcast %mul3A_426 : i32 to vector<16xi32>
      %add3A_428 = arith.addi %add3A_427, %iota3A : vector<16xi32>
      %broadcast_in_dim3A = arith.constant 0.000000e+00 : f32
      %broadcast_in_dim3A_429 = vector.broadcast %broadcast_in_dim3A : f32 to vector<16xf32>
      %scan3A_430 = arith.constant 0 : i32
      %scan3A_431 = arith.constant 16 : i32
      %scan3A_432 = arith.addi %scan3A_430, %scan3A_431 : i32
      %scan3A_433 = arith.constant 1 : i32
      %scan3A_434:2 = scf.for %scan3A_444 = %scan3A_430 to %scan3A_432 step %scan3A_433 iter_args(%scan3A_445 = %broadcast_in_dim3A_429, %scan3A_446 = %broadcast_in_dim3A_429) -> (vector<16xf32>, vector<16xf32>)  : i32 {
        %mul3A_447 = arith.constant 8 : i32
        %mul3A_448 = arith.muli %scan3A_444, %mul3A_447 : i32
        %add3A_449 = vector.broadcast %mul3A_448 : i32 to vector<16xi32>
        %add3A_450 = arith.addi %iota3A, %add3A_449 : vector<16xi32>
        %add3A_451 = arith.constant 0 : i32
        %add3A_452 = vector.broadcast %add3A_451 : i32 to vector<16xi32>
        %add3A_453 = arith.addi %add3A_450, %add3A_452 : vector<16xi32>
        %and3A = arith.constant 127 : i32
        %and3A_454 = vector.broadcast %and3A : i32 to vector<16xi32>
        %and3A_455 = arith.andi %add3A_453, %and3A_454 : vector<16xi32>
        %gather3A = tpu.vector_load_idx %arg8[%add3A_428, %and3A_455] : memref<64x128xf32, #tpu.memory_space<vmem>>[vector<16xi32>, vector<16xi32>], vector<16xf32>,
        %gather3A_456 = tpu.vector_load_idx %arg11[%add3A_428, %and3A_455] : memref<64x128xf32, #tpu.memory_space<vmem>>[vector<16xi32>, vector<16xi32>], vector<16xf32>,
        %gather3A_457 = tpu.vector_load_idx %arg14[%add3A_428, %and3A_455] : memref<64x128xf32, #tpu.memory_space<vmem>>[vector<16xi32>, vector<16xi32>], vector<16xf32>,
        %add3A_458 = arith.addf %gather3A, %gather3A_456 : vector<16xf32>
        %sub3A_459 = arith.subf %add3A_458, %gather3A_457 : vector<16xf32>
        %abs3A = math.absf %sub3A_459 : vector<16xf32>
        %add3A_460 = arith.addf %scan3A_445, %abs3A : vector<16xf32>
        %add3A_461 = vector.broadcast %mul3A_448 : i32 to vector<16xi32>
        %add3A_462 = arith.addi %iota3A, %add3A_461 : vector<16xi32>
        %add3A_463 = arith.constant 1 : i32
        %add3A_464 = vector.broadcast %add3A_463 : i32 to vector<16xi32>
        %add3A_465 = arith.addi %add3A_462, %add3A_464 : vector<16xi32>
        %and3A_466 = arith.constant 127 : i32
        %and3A_467 = vector.broadcast %and3A_466 : i32 to vector<16xi32>
        %and3A_468 = arith.andi %add3A_465, %and3A_467 : vector<16xi32>
        %gather3A_469 = tpu.vector_load_idx %arg8[%add3A_428, %and3A_468] : memref<64x128xf32, #tpu.memory_space<vmem>>[vector<16xi32>, vector<16xi32>], vector<16xf32>,
        %gather3A_470 = tpu.vector_load_idx %arg11[%add3A_428, %and3A_468] : memref<64x128xf32, #tpu.memory_space<vmem>>[vector<16xi32>, vector<16xi32>], vector<16xf32>,
        %gather3A_471 = tpu.vector_load_idx %arg14[%add3A_428, %and3A_468] : memref<64x128xf32, #tpu.memory_space<vmem>>[vector<16xi32>, vector<16xi32>], vector<16xf32>,
        %add3A_472 = arith.addf %gather3A_469, %gather3A_470 : vector<16xf32>
        %sub3A_473 = arith.subf %add3A_472, %gather3A_471 : vector<16xf32>
        %abs3A_474 = math.absf %sub3A_473 : vector<16xf32>
        %add3A_475 = arith.addf %scan3A_446, %abs3A_474 : vector<16xf32>
        %add3A_476 = vector.broadcast %mul3A_448 : i32 to vector<16xi32>
        %add3A_477 = arith.addi %iota3A, %add3A_476 : vector<16xi32>
        %add3A_478 = arith.constant 2 : i32
        %add3A_479 = vector.broadcast %add3A_478 : i32 to vector<16xi32>
        %add3A_480 = arith.addi %add3A_477, %add3A_479 : vector<16xi32>
        %and3A_481 = arith.constant 127 : i32
        %and3A_482 = vector.broadcast %and3A_481 : i32 to vector<16xi32>
        %and3A_483 = arith.andi %add3A_480, %and3A_482 : vector<16xi32>
        %gather3A_484 = tpu.vector_load_idx %arg8[%add3A_428, %and3A_483] : memref<64x128xf32, #tpu.memory_space<vmem>>[vector<16xi32>, vector<16xi32>], vector<16xf32>,
        %gather3A_485 = tpu.vector_load_idx %arg11[%add3A_428, %and3A_483] : memref<64x128xf32, #tpu.memory_space<vmem>>[vector<16xi32>, vector<16xi32>], vector<16xf32>,
        %gather3A_486 = tpu.vector_load_idx %arg14[%add3A_428, %and3A_483] : memref<64x128xf32, #tpu.memory_space<vmem>>[vector<16xi32>, vector<16xi32>], vector<16xf32>,
        %add3A_487 = arith.addf %gather3A_484, %gather3A_485 : vector<16xf32>
        %sub3A_488 = arith.subf %add3A_487, %gather3A_486 : vector<16xf32>
        %abs3A_489 = math.absf %sub3A_488 : vector<16xf32>
        %add3A_490 = arith.addf %add3A_460, %abs3A_489 : vector<16xf32>
        %add3A_491 = vector.broadcast %mul3A_448 : i32 to vector<16xi32>
        %add3A_492 = arith.addi %iota3A, %add3A_491 : vector<16xi32>
        %add3A_493 = arith.constant 3 : i32
        %add3A_494 = vector.broadcast %add3A_493 : i32 to vector<16xi32>
        %add3A_495 = arith.addi %add3A_492, %add3A_494 : vector<16xi32>
        %and3A_496 = arith.constant 127 : i32
        %and3A_497 = vector.broadcast %and3A_496 : i32 to vector<16xi32>
        %and3A_498 = arith.andi %add3A_495, %and3A_497 : vector<16xi32>
        %gather3A_499 = tpu.vector_load_idx %arg8[%add3A_428, %and3A_498] : memref<64x128xf32, #tpu.memory_space<vmem>>[vector<16xi32>, vector<16xi32>], vector<16xf32>,
        %gather3A_500 = tpu.vector_load_idx %arg11[%add3A_428, %and3A_498] : memref<64x128xf32, #tpu.memory_space<vmem>>[vector<16xi32>, vector<16xi32>], vector<16xf32>,
        %gather3A_501 = tpu.vector_load_idx %arg14[%add3A_428, %and3A_498] : memref<64x128xf32, #tpu.memory_space<vmem>>[vector<16xi32>, vector<16xi32>], vector<16xf32>,
        %add3A_502 = arith.addf %gather3A_499, %gather3A_500 : vector<16xf32>
        %sub3A_503 = arith.subf %add3A_502, %gather3A_501 : vector<16xf32>
        %abs3A_504 = math.absf %sub3A_503 : vector<16xf32>
        %add3A_505 = arith.addf %add3A_475, %abs3A_504 : vector<16xf32>
        %add3A_506 = vector.broadcast %mul3A_448 : i32 to vector<16xi32>
        %add3A_507 = arith.addi %iota3A, %add3A_506 : vector<16xi32>
        %add3A_508 = arith.constant 4 : i32
        %add3A_509 = vector.broadcast %add3A_508 : i32 to vector<16xi32>
        %add3A_510 = arith.addi %add3A_507, %add3A_509 : vector<16xi32>
        %and3A_511 = arith.constant 127 : i32
        %and3A_512 = vector.broadcast %and3A_511 : i32 to vector<16xi32>
        %and3A_513 = arith.andi %add3A_510, %and3A_512 : vector<16xi32>
        %gather3A_514 = tpu.vector_load_idx %arg8[%add3A_428, %and3A_513] : memref<64x128xf32, #tpu.memory_space<vmem>>[vector<16xi32>, vector<16xi32>], vector<16xf32>,
        %gather3A_515 = tpu.vector_load_idx %arg11[%add3A_428, %and3A_513] : memref<64x128xf32, #tpu.memory_space<vmem>>[vector<16xi32>, vector<16xi32>], vector<16xf32>,
        %gather3A_516 = tpu.vector_load_idx %arg14[%add3A_428, %and3A_513] : memref<64x128xf32, #tpu.memory_space<vmem>>[vector<16xi32>, vector<16xi32>], vector<16xf32>,
        %add3A_517 = arith.addf %gather3A_514, %gather3A_515 : vector<16xf32>
        %sub3A_518 = arith.subf %add3A_517, %gather3A_516 : vector<16xf32>
        %abs3A_519 = math.absf %sub3A_518 : vector<16xf32>
        %add3A_520 = arith.addf %add3A_490, %abs3A_519 : vector<16xf32>
        %add3A_521 = vector.broadcast %mul3A_448 : i32 to vector<16xi32>
        %add3A_522 = arith.addi %iota3A, %add3A_521 : vector<16xi32>
        %add3A_523 = arith.constant 5 : i32
        %add3A_524 = vector.broadcast %add3A_523 : i32 to vector<16xi32>
        %add3A_525 = arith.addi %add3A_522, %add3A_524 : vector<16xi32>
        %and3A_526 = arith.constant 127 : i32
        %and3A_527 = vector.broadcast %and3A_526 : i32 to vector<16xi32>
        %and3A_528 = arith.andi %add3A_525, %and3A_527 : vector<16xi32>
        %gather3A_529 = tpu.vector_load_idx %arg8[%add3A_428, %and3A_528] : memref<64x128xf32, #tpu.memory_space<vmem>>[vector<16xi32>, vector<16xi32>], vector<16xf32>,
        %gather3A_530 = tpu.vector_load_idx %arg11[%add3A_428, %and3A_528] : memref<64x128xf32, #tpu.memory_space<vmem>>[vector<16xi32>, vector<16xi32>], vector<16xf32>,
        %gather3A_531 = tpu.vector_load_idx %arg14[%add3A_428, %and3A_528] : memref<64x128xf32, #tpu.memory_space<vmem>>[vector<16xi32>, vector<16xi32>], vector<16xf32>,
        %add3A_532 = arith.addf %gather3A_529, %gather3A_530 : vector<16xf32>
        %sub3A_533 = arith.subf %add3A_532, %gather3A_531 : vector<16xf32>
        %abs3A_534 = math.absf %sub3A_533 : vector<16xf32>
        %add3A_535 = arith.addf %add3A_505, %abs3A_534 : vector<16xf32>
        %add3A_536 = vector.broadcast %mul3A_448 : i32 to vector<16xi32>
        %add3A_537 = arith.addi %iota3A, %add3A_536 : vector<16xi32>
        %add3A_538 = arith.constant 6 : i32
        %add3A_539 = vector.broadcast %add3A_538 : i32 to vector<16xi32>
        %add3A_540 = arith.addi %add3A_537, %add3A_539 : vector<16xi32>
        %and3A_541 = arith.constant 127 : i32
        %and3A_542 = vector.broadcast %and3A_541 : i32 to vector<16xi32>
        %and3A_543 = arith.andi %add3A_540, %and3A_542 : vector<16xi32>
        %gather3A_544 = tpu.vector_load_idx %arg8[%add3A_428, %and3A_543] : memref<64x128xf32, #tpu.memory_space<vmem>>[vector<16xi32>, vector<16xi32>], vector<16xf32>,
        %gather3A_545 = tpu.vector_load_idx %arg11[%add3A_428, %and3A_543] : memref<64x128xf32, #tpu.memory_space<vmem>>[vector<16xi32>, vector<16xi32>], vector<16xf32>,
        %gather3A_546 = tpu.vector_load_idx %arg14[%add3A_428, %and3A_543] : memref<64x128xf32, #tpu.memory_space<vmem>>[vector<16xi32>, vector<16xi32>], vector<16xf32>,
        %add3A_547 = arith.addf %gather3A_544, %gather3A_545 : vector<16xf32>
        %sub3A_548 = arith.subf %add3A_547, %gather3A_546 : vector<16xf32>
        %abs3A_549 = math.absf %sub3A_548 : vector<16xf32>
        %add3A_550 = arith.addf %add3A_520, %abs3A_549 : vector<16xf32>
        %add3A_551 = vector.broadcast %mul3A_448 : i32 to vector<16xi32>
        %add3A_552 = arith.addi %iota3A, %add3A_551 : vector<16xi32>
        %add3A_553 = arith.constant 7 : i32
        %add3A_554 = vector.broadcast %add3A_553 : i32 to vector<16xi32>
        %add3A_555 = arith.addi %add3A_552, %add3A_554 : vector<16xi32>
        %and3A_556 = arith.constant 127 : i32
        %and3A_557 = vector.broadcast %and3A_556 : i32 to vector<16xi32>
        %and3A_558 = arith.andi %add3A_555, %and3A_557 : vector<16xi32>
        %gather3A_559 = tpu.vector_load_idx %arg8[%add3A_428, %and3A_558] : memref<64x128xf32, #tpu.memory_space<vmem>>[vector<16xi32>, vector<16xi32>], vector<16xf32>,
        %gather3A_560 = tpu.vector_load_idx %arg11[%add3A_428, %and3A_558] : memref<64x128xf32, #tpu.memory_space<vmem>>[vector<16xi32>, vector<16xi32>], vector<16xf32>,
        %gather3A_561 = tpu.vector_load_idx %arg14[%add3A_428, %and3A_558] : memref<64x128xf32, #tpu.memory_space<vmem>>[vector<16xi32>, vector<16xi32>], vector<16xf32>,
        %add3A_562 = arith.addf %gather3A_559, %gather3A_560 : vector<16xf32>
        %sub3A_563 = arith.subf %add3A_562, %gather3A_561 : vector<16xf32>
        %abs3A_564 = math.absf %sub3A_563 : vector<16xf32>
        %add3A_565 = arith.addf %add3A_535, %abs3A_564 : vector<16xf32>
        scf.yield %add3A_550, %add3A_565 : vector<16xf32>, vector<16xf32>
      }
      %scan3A_435 = arith.constant 16 : i32
      %add3A_436 = arith.addf %scan3A_434#0, %scan3A_434#1 : vector<16xf32>
      %sub3A = arith.constant 1.200000e+01 : f32
      %sub3A_437 = vector.broadcast %sub3A : f32 to vector<16xf32>
      %sub3A_438 = arith.subf %sub3A_437, %add3A_436 : vector<16xf32>
      %mul3A_439 = arith.constant 16 : i32
      %mul3A_440 = arith.muli %scan3A_424, %mul3A_439 : i32
      %add3A_441 = arith.constant 256 : i32
      %add3A_442 = arith.addi %add3A_441, %mul3A_440 : i32
      %swap3A = arith.index_cast %add3A_442 : i32 to index
      %swap3A_443 = tpu.vector_load %arg16[%swap3A] {strides = array<i32>} : memref<512xf32, #tpu.memory_space<vmem>>, vector<16xf32>,
      tpu.vector_store %arg16[%swap3A], %sub3A_438 {strides = array<i32>} : memref<512xf32, #tpu.memory_space<vmem>>, vector<16xf32>,
    }
    %scan3A_312 = arith.constant 4 : i32
    %dma_start3A_313 = arith.constant 0 : i32
    %dma_start3A_314 = arith.constant 7 : i32
    %dma_start3A_315 = arith.constant 0 : i32
    %dma_start3A_316 = tpu.memref_slice %arg6[%dma_start3A_313, %dma_start3A_314, %dma_start3A_315] : memref<3x8x64xi32, #tpu.memory_space<vmem>> -> memref<1x1x64xi32, #tpu.memory_space<vmem>>
    %dma_start3A_317 = tpu.memref_squeeze %dma_start3A_316 : memref<1x1x64xi32, #tpu.memory_space<vmem>> -> memref<64xi32, #tpu.memory_space<vmem>>
    %dma_start3A_318 = arith.constant 0 : i32
    %dma_start3A_319 = arith.constant 0 : i32
    %dma_start3A_320 = tpu.memref_slice %arg3[%dma_start3A_318, %dma_start3A_319] : memref<100000x128xf32, #tpu.memory_space<hbm>> -> memref<100000x128xf32, #tpu.memory_space<hbm>>
    tpu.enqueue_indirect_dma source(%dma_start3A_320 : memref<100000x128xf32, #tpu.memory_space<hbm>>) target(%arg8 : memref<64x128xf32, #tpu.memory_space<vmem>>) offsets(%dma_start3A_317 : memref<64xi32, #tpu.memory_space<vmem>>) semaphore(%arg18 : memref<!tpu.dma_semaphore, #tpu.memory_space<semaphore_mem>>)
    %dma_start3A_321 = arith.constant 1 : i32
    %dma_start3A_322 = arith.constant 7 : i32
    %dma_start3A_323 = arith.constant 0 : i32
    %dma_start3A_324 = tpu.memref_slice %arg6[%dma_start3A_321, %dma_start3A_322, %dma_start3A_323] : memref<3x8x64xi32, #tpu.memory_space<vmem>> -> memref<1x1x64xi32, #tpu.memory_space<vmem>>
    %dma_start3A_325 = tpu.memref_squeeze %dma_start3A_324 : memref<1x1x64xi32, #tpu.memory_space<vmem>> -> memref<64xi32, #tpu.memory_space<vmem>>
    %dma_start3A_326 = arith.constant 0 : i32
    %dma_start3A_327 = arith.constant 0 : i32
    %dma_start3A_328 = tpu.memref_slice %arg4[%dma_start3A_326, %dma_start3A_327] : memref<100000x128xf32, #tpu.memory_space<hbm>> -> memref<100000x128xf32, #tpu.memory_space<hbm>>
    tpu.enqueue_indirect_dma source(%dma_start3A_328 : memref<100000x128xf32, #tpu.memory_space<hbm>>) target(%arg11 : memref<64x128xf32, #tpu.memory_space<vmem>>) offsets(%dma_start3A_325 : memref<64xi32, #tpu.memory_space<vmem>>) semaphore(%arg18 : memref<!tpu.dma_semaphore, #tpu.memory_space<semaphore_mem>>)
    %dma_start3A_329 = arith.constant 2 : i32
    %dma_start3A_330 = arith.constant 7 : i32
    %dma_start3A_331 = arith.constant 0 : i32
    %dma_start3A_332 = tpu.memref_slice %arg6[%dma_start3A_329, %dma_start3A_330, %dma_start3A_331] : memref<3x8x64xi32, #tpu.memory_space<vmem>> -> memref<1x1x64xi32, #tpu.memory_space<vmem>>
    %dma_start3A_333 = tpu.memref_squeeze %dma_start3A_332 : memref<1x1x64xi32, #tpu.memory_space<vmem>> -> memref<64xi32, #tpu.memory_space<vmem>>
    %dma_start3A_334 = arith.constant 0 : i32
    %dma_start3A_335 = arith.constant 0 : i32
    %dma_start3A_336 = tpu.memref_slice %arg3[%dma_start3A_334, %dma_start3A_335] : memref<100000x128xf32, #tpu.memory_space<hbm>> -> memref<100000x128xf32, #tpu.memory_space<hbm>>
    tpu.enqueue_indirect_dma source(%dma_start3A_336 : memref<100000x128xf32, #tpu.memory_space<hbm>>) target(%arg14 : memref<64x128xf32, #tpu.memory_space<vmem>>) offsets(%dma_start3A_333 : memref<64xi32, #tpu.memory_space<vmem>>) semaphore(%arg18 : memref<!tpu.dma_semaphore, #tpu.memory_space<semaphore_mem>>)
    %dma_wait3A_337 = arith.constant 0 : i32
    %dma_wait3A_338 = arith.constant 5 : i32
    %dma_wait3A_339 = arith.constant 0 : i32
    %dma_wait3A_340 = tpu.memref_slice %arg6[%dma_wait3A_337, %dma_wait3A_338, %dma_wait3A_339] : memref<3x8x64xi32, #tpu.memory_space<vmem>> -> memref<1x1x64xi32, #tpu.memory_space<vmem>>
    %dma_wait3A_341 = tpu.memref_squeeze %dma_wait3A_340 : memref<1x1x64xi32, #tpu.memory_space<vmem>> -> memref<64xi32, #tpu.memory_space<vmem>>
    %dma_wait3A_342 = arith.constant 0 : i32
    %dma_wait3A_343 = arith.constant 0 : i32
    %dma_wait3A_344 = tpu.memref_slice %arg3[%dma_wait3A_342, %dma_wait3A_343] : memref<100000x128xf32, #tpu.memory_space<hbm>> -> memref<100000x128xf32, #tpu.memory_space<hbm>>
    tpu.wait_indirect_dma semaphore(%arg19 : memref<!tpu.dma_semaphore, #tpu.memory_space<semaphore_mem>>) src(%dma_wait3A_344 : memref<100000x128xf32, #tpu.memory_space<hbm>>) dst(%arg9 : memref<64x128xf32, #tpu.memory_space<vmem>>)
    %dma_wait3A_345 = arith.constant 1 : i32
    %dma_wait3A_346 = arith.constant 5 : i32
    %dma_wait3A_347 = arith.constant 0 : i32
    %dma_wait3A_348 = tpu.memref_slice %arg6[%dma_wait3A_345, %dma_wait3A_346, %dma_wait3A_347] : memref<3x8x64xi32, #tpu.memory_space<vmem>> -> memref<1x1x64xi32, #tpu.memory_space<vmem>>
    %dma_wait3A_349 = tpu.memref_squeeze %dma_wait3A_348 : memref<1x1x64xi32, #tpu.memory_space<vmem>> -> memref<64xi32, #tpu.memory_space<vmem>>
    %dma_wait3A_350 = arith.constant 0 : i32
    %dma_wait3A_351 = arith.constant 0 : i32
    %dma_wait3A_352 = tpu.memref_slice %arg4[%dma_wait3A_350, %dma_wait3A_351] : memref<100000x128xf32, #tpu.memory_space<hbm>> -> memref<100000x128xf32, #tpu.memory_space<hbm>>
    tpu.wait_indirect_dma semaphore(%arg19 : memref<!tpu.dma_semaphore, #tpu.memory_space<semaphore_mem>>) src(%dma_wait3A_352 : memref<100000x128xf32, #tpu.memory_space<hbm>>) dst(%arg12 : memref<64x128xf32, #tpu.memory_space<vmem>>)
    %dma_wait3A_353 = arith.constant 2 : i32
    %dma_wait3A_354 = arith.constant 5 : i32
    %dma_wait3A_355 = arith.constant 0 : i32
    %dma_wait3A_356 = tpu.memref_slice %arg6[%dma_wait3A_353, %dma_wait3A_354, %dma_wait3A_355] : memref<3x8x64xi32, #tpu.memory_space<vmem>> -> memref<1x1x64xi32, #tpu.memory_space<vmem>>
    %dma_wait3A_357 = tpu.memref_squeeze %dma_wait3A_356 : memref<1x1x64xi32, #tpu.memory_space<vmem>> -> memref<64xi32, #tpu.memory_space<vmem>>
    %dma_wait3A_358 = arith.constant 0 : i32
    %dma_wait3A_359 = arith.constant 0 : i32
    %dma_wait3A_360 = tpu.memref_slice %arg3[%dma_wait3A_358, %dma_wait3A_359] : memref<100000x128xf32, #tpu.memory_space<hbm>> -> memref<100000x128xf32, #tpu.memory_space<hbm>>
    tpu.wait_indirect_dma semaphore(%arg19 : memref<!tpu.dma_semaphore, #tpu.memory_space<semaphore_mem>>) src(%dma_wait3A_360 : memref<100000x128xf32, #tpu.memory_space<hbm>>) dst(%arg15 : memref<64x128xf32, #tpu.memory_space<vmem>>)
    %scan3A_361 = arith.constant 0 : i32
    %scan3A_362 = arith.constant 4 : i32
    %scan3A_363 = arith.addi %scan3A_361, %scan3A_362 : i32
    %scan3A_364 = arith.constant 1 : i32
    scf.for %scan3A_424 = %scan3A_361 to %scan3A_363 step %scan3A_364  : i32 {
      %mul3A_425 = arith.constant 16 : i32
      %mul3A_426 = arith.muli %scan3A_424, %mul3A_425 : i32
      %add3A_427 = vector.broadcast %mul3A_426 : i32 to vector<16xi32>
      %add3A_428 = arith.addi %add3A_427, %iota3A : vector<16xi32>
      %broadcast_in_dim3A = arith.constant 0.000000e+00 : f32
      %broadcast_in_dim3A_429 = vector.broadcast %broadcast_in_dim3A : f32 to vector<16xf32>
      %scan3A_430 = arith.constant 0 : i32
      %scan3A_431 = arith.constant 16 : i32
      %scan3A_432 = arith.addi %scan3A_430, %scan3A_431 : i32
      %scan3A_433 = arith.constant 1 : i32
      %scan3A_434:2 = scf.for %scan3A_444 = %scan3A_430 to %scan3A_432 step %scan3A_433 iter_args(%scan3A_445 = %broadcast_in_dim3A_429, %scan3A_446 = %broadcast_in_dim3A_429) -> (vector<16xf32>, vector<16xf32>)  : i32 {
        %mul3A_447 = arith.constant 8 : i32
        %mul3A_448 = arith.muli %scan3A_444, %mul3A_447 : i32
        %add3A_449 = vector.broadcast %mul3A_448 : i32 to vector<16xi32>
        %add3A_450 = arith.addi %iota3A, %add3A_449 : vector<16xi32>
        %add3A_451 = arith.constant 0 : i32
        %add3A_452 = vector.broadcast %add3A_451 : i32 to vector<16xi32>
        %add3A_453 = arith.addi %add3A_450, %add3A_452 : vector<16xi32>
        %and3A = arith.constant 127 : i32
        %and3A_454 = vector.broadcast %and3A : i32 to vector<16xi32>
        %and3A_455 = arith.andi %add3A_453, %and3A_454 : vector<16xi32>
        %gather3A = tpu.vector_load_idx %arg9[%add3A_428, %and3A_455] : memref<64x128xf32, #tpu.memory_space<vmem>>[vector<16xi32>, vector<16xi32>], vector<16xf32>,
        %gather3A_456 = tpu.vector_load_idx %arg12[%add3A_428, %and3A_455] : memref<64x128xf32, #tpu.memory_space<vmem>>[vector<16xi32>, vector<16xi32>], vector<16xf32>,
        %gather3A_457 = tpu.vector_load_idx %arg15[%add3A_428, %and3A_455] : memref<64x128xf32, #tpu.memory_space<vmem>>[vector<16xi32>, vector<16xi32>], vector<16xf32>,
        %add3A_458 = arith.addf %gather3A, %gather3A_456 : vector<16xf32>
        %sub3A_459 = arith.subf %add3A_458, %gather3A_457 : vector<16xf32>
        %abs3A = math.absf %sub3A_459 : vector<16xf32>
        %add3A_460 = arith.addf %scan3A_445, %abs3A : vector<16xf32>
        %add3A_461 = vector.broadcast %mul3A_448 : i32 to vector<16xi32>
        %add3A_462 = arith.addi %iota3A, %add3A_461 : vector<16xi32>
        %add3A_463 = arith.constant 1 : i32
        %add3A_464 = vector.broadcast %add3A_463 : i32 to vector<16xi32>
        %add3A_465 = arith.addi %add3A_462, %add3A_464 : vector<16xi32>
        %and3A_466 = arith.constant 127 : i32
        %and3A_467 = vector.broadcast %and3A_466 : i32 to vector<16xi32>
        %and3A_468 = arith.andi %add3A_465, %and3A_467 : vector<16xi32>
        %gather3A_469 = tpu.vector_load_idx %arg9[%add3A_428, %and3A_468] : memref<64x128xf32, #tpu.memory_space<vmem>>[vector<16xi32>, vector<16xi32>], vector<16xf32>,
        %gather3A_470 = tpu.vector_load_idx %arg12[%add3A_428, %and3A_468] : memref<64x128xf32, #tpu.memory_space<vmem>>[vector<16xi32>, vector<16xi32>], vector<16xf32>,
        %gather3A_471 = tpu.vector_load_idx %arg15[%add3A_428, %and3A_468] : memref<64x128xf32, #tpu.memory_space<vmem>>[vector<16xi32>, vector<16xi32>], vector<16xf32>,
        %add3A_472 = arith.addf %gather3A_469, %gather3A_470 : vector<16xf32>
        %sub3A_473 = arith.subf %add3A_472, %gather3A_471 : vector<16xf32>
        %abs3A_474 = math.absf %sub3A_473 : vector<16xf32>
        %add3A_475 = arith.addf %scan3A_446, %abs3A_474 : vector<16xf32>
        %add3A_476 = vector.broadcast %mul3A_448 : i32 to vector<16xi32>
        %add3A_477 = arith.addi %iota3A, %add3A_476 : vector<16xi32>
        %add3A_478 = arith.constant 2 : i32
        %add3A_479 = vector.broadcast %add3A_478 : i32 to vector<16xi32>
        %add3A_480 = arith.addi %add3A_477, %add3A_479 : vector<16xi32>
        %and3A_481 = arith.constant 127 : i32
        %and3A_482 = vector.broadcast %and3A_481 : i32 to vector<16xi32>
        %and3A_483 = arith.andi %add3A_480, %and3A_482 : vector<16xi32>
        %gather3A_484 = tpu.vector_load_idx %arg9[%add3A_428, %and3A_483] : memref<64x128xf32, #tpu.memory_space<vmem>>[vector<16xi32>, vector<16xi32>], vector<16xf32>,
        %gather3A_485 = tpu.vector_load_idx %arg12[%add3A_428, %and3A_483] : memref<64x128xf32, #tpu.memory_space<vmem>>[vector<16xi32>, vector<16xi32>], vector<16xf32>,
        %gather3A_486 = tpu.vector_load_idx %arg15[%add3A_428, %and3A_483] : memref<64x128xf32, #tpu.memory_space<vmem>>[vector<16xi32>, vector<16xi32>], vector<16xf32>,
        %add3A_487 = arith.addf %gather3A_484, %gather3A_485 : vector<16xf32>
        %sub3A_488 = arith.subf %add3A_487, %gather3A_486 : vector<16xf32>
        %abs3A_489 = math.absf %sub3A_488 : vector<16xf32>
        %add3A_490 = arith.addf %add3A_460, %abs3A_489 : vector<16xf32>
        %add3A_491 = vector.broadcast %mul3A_448 : i32 to vector<16xi32>
        %add3A_492 = arith.addi %iota3A, %add3A_491 : vector<16xi32>
        %add3A_493 = arith.constant 3 : i32
        %add3A_494 = vector.broadcast %add3A_493 : i32 to vector<16xi32>
        %add3A_495 = arith.addi %add3A_492, %add3A_494 : vector<16xi32>
        %and3A_496 = arith.constant 127 : i32
        %and3A_497 = vector.broadcast %and3A_496 : i32 to vector<16xi32>
        %and3A_498 = arith.andi %add3A_495, %and3A_497 : vector<16xi32>
        %gather3A_499 = tpu.vector_load_idx %arg9[%add3A_428, %and3A_498] : memref<64x128xf32, #tpu.memory_space<vmem>>[vector<16xi32>, vector<16xi32>], vector<16xf32>,
        %gather3A_500 = tpu.vector_load_idx %arg12[%add3A_428, %and3A_498] : memref<64x128xf32, #tpu.memory_space<vmem>>[vector<16xi32>, vector<16xi32>], vector<16xf32>,
        %gather3A_501 = tpu.vector_load_idx %arg15[%add3A_428, %and3A_498] : memref<64x128xf32, #tpu.memory_space<vmem>>[vector<16xi32>, vector<16xi32>], vector<16xf32>,
        %add3A_502 = arith.addf %gather3A_499, %gather3A_500 : vector<16xf32>
        %sub3A_503 = arith.subf %add3A_502, %gather3A_501 : vector<16xf32>
        %abs3A_504 = math.absf %sub3A_503 : vector<16xf32>
        %add3A_505 = arith.addf %add3A_475, %abs3A_504 : vector<16xf32>
        %add3A_506 = vector.broadcast %mul3A_448 : i32 to vector<16xi32>
        %add3A_507 = arith.addi %iota3A, %add3A_506 : vector<16xi32>
        %add3A_508 = arith.constant 4 : i32
        %add3A_509 = vector.broadcast %add3A_508 : i32 to vector<16xi32>
        %add3A_510 = arith.addi %add3A_507, %add3A_509 : vector<16xi32>
        %and3A_511 = arith.constant 127 : i32
        %and3A_512 = vector.broadcast %and3A_511 : i32 to vector<16xi32>
        %and3A_513 = arith.andi %add3A_510, %and3A_512 : vector<16xi32>
        %gather3A_514 = tpu.vector_load_idx %arg9[%add3A_428, %and3A_513] : memref<64x128xf32, #tpu.memory_space<vmem>>[vector<16xi32>, vector<16xi32>], vector<16xf32>,
        %gather3A_515 = tpu.vector_load_idx %arg12[%add3A_428, %and3A_513] : memref<64x128xf32, #tpu.memory_space<vmem>>[vector<16xi32>, vector<16xi32>], vector<16xf32>,
        %gather3A_516 = tpu.vector_load_idx %arg15[%add3A_428, %and3A_513] : memref<64x128xf32, #tpu.memory_space<vmem>>[vector<16xi32>, vector<16xi32>], vector<16xf32>,
        %add3A_517 = arith.addf %gather3A_514, %gather3A_515 : vector<16xf32>
        %sub3A_518 = arith.subf %add3A_517, %gather3A_516 : vector<16xf32>
        %abs3A_519 = math.absf %sub3A_518 : vector<16xf32>
        %add3A_520 = arith.addf %add3A_490, %abs3A_519 : vector<16xf32>
        %add3A_521 = vector.broadcast %mul3A_448 : i32 to vector<16xi32>
        %add3A_522 = arith.addi %iota3A, %add3A_521 : vector<16xi32>
        %add3A_523 = arith.constant 5 : i32
        %add3A_524 = vector.broadcast %add3A_523 : i32 to vector<16xi32>
        %add3A_525 = arith.addi %add3A_522, %add3A_524 : vector<16xi32>
        %and3A_526 = arith.constant 127 : i32
        %and3A_527 = vector.broadcast %and3A_526 : i32 to vector<16xi32>
        %and3A_528 = arith.andi %add3A_525, %and3A_527 : vector<16xi32>
        %gather3A_529 = tpu.vector_load_idx %arg9[%add3A_428, %and3A_528] : memref<64x128xf32, #tpu.memory_space<vmem>>[vector<16xi32>, vector<16xi32>], vector<16xf32>,
        %gather3A_530 = tpu.vector_load_idx %arg12[%add3A_428, %and3A_528] : memref<64x128xf32, #tpu.memory_space<vmem>>[vector<16xi32>, vector<16xi32>], vector<16xf32>,
        %gather3A_531 = tpu.vector_load_idx %arg15[%add3A_428, %and3A_528] : memref<64x128xf32, #tpu.memory_space<vmem>>[vector<16xi32>, vector<16xi32>], vector<16xf32>,
        %add3A_532 = arith.addf %gather3A_529, %gather3A_530 : vector<16xf32>
        %sub3A_533 = arith.subf %add3A_532, %gather3A_531 : vector<16xf32>
        %abs3A_534 = math.absf %sub3A_533 : vector<16xf32>
        %add3A_535 = arith.addf %add3A_505, %abs3A_534 : vector<16xf32>
        %add3A_536 = vector.broadcast %mul3A_448 : i32 to vector<16xi32>
        %add3A_537 = arith.addi %iota3A, %add3A_536 : vector<16xi32>
        %add3A_538 = arith.constant 6 : i32
        %add3A_539 = vector.broadcast %add3A_538 : i32 to vector<16xi32>
        %add3A_540 = arith.addi %add3A_537, %add3A_539 : vector<16xi32>
        %and3A_541 = arith.constant 127 : i32
        %and3A_542 = vector.broadcast %and3A_541 : i32 to vector<16xi32>
        %and3A_543 = arith.andi %add3A_540, %and3A_542 : vector<16xi32>
        %gather3A_544 = tpu.vector_load_idx %arg9[%add3A_428, %and3A_543] : memref<64x128xf32, #tpu.memory_space<vmem>>[vector<16xi32>, vector<16xi32>], vector<16xf32>,
        %gather3A_545 = tpu.vector_load_idx %arg12[%add3A_428, %and3A_543] : memref<64x128xf32, #tpu.memory_space<vmem>>[vector<16xi32>, vector<16xi32>], vector<16xf32>,
        %gather3A_546 = tpu.vector_load_idx %arg15[%add3A_428, %and3A_543] : memref<64x128xf32, #tpu.memory_space<vmem>>[vector<16xi32>, vector<16xi32>], vector<16xf32>,
        %add3A_547 = arith.addf %gather3A_544, %gather3A_545 : vector<16xf32>
        %sub3A_548 = arith.subf %add3A_547, %gather3A_546 : vector<16xf32>
        %abs3A_549 = math.absf %sub3A_548 : vector<16xf32>
        %add3A_550 = arith.addf %add3A_520, %abs3A_549 : vector<16xf32>
        %add3A_551 = vector.broadcast %mul3A_448 : i32 to vector<16xi32>
        %add3A_552 = arith.addi %iota3A, %add3A_551 : vector<16xi32>
        %add3A_553 = arith.constant 7 : i32
        %add3A_554 = vector.broadcast %add3A_553 : i32 to vector<16xi32>
        %add3A_555 = arith.addi %add3A_552, %add3A_554 : vector<16xi32>
        %and3A_556 = arith.constant 127 : i32
        %and3A_557 = vector.broadcast %and3A_556 : i32 to vector<16xi32>
        %and3A_558 = arith.andi %add3A_555, %and3A_557 : vector<16xi32>
        %gather3A_559 = tpu.vector_load_idx %arg9[%add3A_428, %and3A_558] : memref<64x128xf32, #tpu.memory_space<vmem>>[vector<16xi32>, vector<16xi32>], vector<16xf32>,
        %gather3A_560 = tpu.vector_load_idx %arg12[%add3A_428, %and3A_558] : memref<64x128xf32, #tpu.memory_space<vmem>>[vector<16xi32>, vector<16xi32>], vector<16xf32>,
        %gather3A_561 = tpu.vector_load_idx %arg15[%add3A_428, %and3A_558] : memref<64x128xf32, #tpu.memory_space<vmem>>[vector<16xi32>, vector<16xi32>], vector<16xf32>,
        %add3A_562 = arith.addf %gather3A_559, %gather3A_560 : vector<16xf32>
        %sub3A_563 = arith.subf %add3A_562, %gather3A_561 : vector<16xf32>
        %abs3A_564 = math.absf %sub3A_563 : vector<16xf32>
        %add3A_565 = arith.addf %add3A_535, %abs3A_564 : vector<16xf32>
        scf.yield %add3A_550, %add3A_565 : vector<16xf32>, vector<16xf32>
      }
      %scan3A_435 = arith.constant 16 : i32
      %add3A_436 = arith.addf %scan3A_434#0, %scan3A_434#1 : vector<16xf32>
      %sub3A = arith.constant 1.200000e+01 : f32
      %sub3A_437 = vector.broadcast %sub3A : f32 to vector<16xf32>
      %sub3A_438 = arith.subf %sub3A_437, %add3A_436 : vector<16xf32>
      %mul3A_439 = arith.constant 16 : i32
      %mul3A_440 = arith.muli %scan3A_424, %mul3A_439 : i32
      %add3A_441 = arith.constant 320 : i32
      %add3A_442 = arith.addi %add3A_441, %mul3A_440 : i32
      %swap3A = arith.index_cast %add3A_442 : i32 to index
      %swap3A_443 = tpu.vector_load %arg16[%swap3A] {strides = array<i32>} : memref<512xf32, #tpu.memory_space<vmem>>, vector<16xf32>,
      tpu.vector_store %arg16[%swap3A], %sub3A_438 {strides = array<i32>} : memref<512xf32, #tpu.memory_space<vmem>>, vector<16xf32>,
    }
    %scan3A_365 = arith.constant 4 : i32
    %dma_wait3A_366 = arith.constant 0 : i32
    %dma_wait3A_367 = arith.constant 6 : i32
    %dma_wait3A_368 = arith.constant 0 : i32
    %dma_wait3A_369 = tpu.memref_slice %arg6[%dma_wait3A_366, %dma_wait3A_367, %dma_wait3A_368] : memref<3x8x64xi32, #tpu.memory_space<vmem>> -> memref<1x1x64xi32, #tpu.memory_space<vmem>>
    %dma_wait3A_370 = tpu.memref_squeeze %dma_wait3A_369 : memref<1x1x64xi32, #tpu.memory_space<vmem>> -> memref<64xi32, #tpu.memory_space<vmem>>
    %dma_wait3A_371 = arith.constant 0 : i32
    %dma_wait3A_372 = arith.constant 0 : i32
    %dma_wait3A_373 = tpu.memref_slice %arg3[%dma_wait3A_371, %dma_wait3A_372] : memref<100000x128xf32, #tpu.memory_space<hbm>> -> memref<100000x128xf32, #tpu.memory_space<hbm>>
    tpu.wait_indirect_dma semaphore(%arg17 : memref<!tpu.dma_semaphore, #tpu.memory_space<semaphore_mem>>) src(%dma_wait3A_373 : memref<100000x128xf32, #tpu.memory_space<hbm>>) dst(%arg7 : memref<64x128xf32, #tpu.memory_space<vmem>>)
    %dma_wait3A_374 = arith.constant 1 : i32
    %dma_wait3A_375 = arith.constant 6 : i32
    %dma_wait3A_376 = arith.constant 0 : i32
    %dma_wait3A_377 = tpu.memref_slice %arg6[%dma_wait3A_374, %dma_wait3A_375, %dma_wait3A_376] : memref<3x8x64xi32, #tpu.memory_space<vmem>> -> memref<1x1x64xi32, #tpu.memory_space<vmem>>
    %dma_wait3A_378 = tpu.memref_squeeze %dma_wait3A_377 : memref<1x1x64xi32, #tpu.memory_space<vmem>> -> memref<64xi32, #tpu.memory_space<vmem>>
    %dma_wait3A_379 = arith.constant 0 : i32
    %dma_wait3A_380 = arith.constant 0 : i32
    %dma_wait3A_381 = tpu.memref_slice %arg4[%dma_wait3A_379, %dma_wait3A_380] : memref<100000x128xf32, #tpu.memory_space<hbm>> -> memref<100000x128xf32, #tpu.memory_space<hbm>>
    tpu.wait_indirect_dma semaphore(%arg17 : memref<!tpu.dma_semaphore, #tpu.memory_space<semaphore_mem>>) src(%dma_wait3A_381 : memref<100000x128xf32, #tpu.memory_space<hbm>>) dst(%arg10 : memref<64x128xf32, #tpu.memory_space<vmem>>)
    %dma_wait3A_382 = arith.constant 2 : i32
    %dma_wait3A_383 = arith.constant 6 : i32
    %dma_wait3A_384 = arith.constant 0 : i32
    %dma_wait3A_385 = tpu.memref_slice %arg6[%dma_wait3A_382, %dma_wait3A_383, %dma_wait3A_384] : memref<3x8x64xi32, #tpu.memory_space<vmem>> -> memref<1x1x64xi32, #tpu.memory_space<vmem>>
    %dma_wait3A_386 = tpu.memref_squeeze %dma_wait3A_385 : memref<1x1x64xi32, #tpu.memory_space<vmem>> -> memref<64xi32, #tpu.memory_space<vmem>>
    %dma_wait3A_387 = arith.constant 0 : i32
    %dma_wait3A_388 = arith.constant 0 : i32
    %dma_wait3A_389 = tpu.memref_slice %arg3[%dma_wait3A_387, %dma_wait3A_388] : memref<100000x128xf32, #tpu.memory_space<hbm>> -> memref<100000x128xf32, #tpu.memory_space<hbm>>
    tpu.wait_indirect_dma semaphore(%arg17 : memref<!tpu.dma_semaphore, #tpu.memory_space<semaphore_mem>>) src(%dma_wait3A_389 : memref<100000x128xf32, #tpu.memory_space<hbm>>) dst(%arg13 : memref<64x128xf32, #tpu.memory_space<vmem>>)
    %scan3A_390 = arith.constant 0 : i32
    %scan3A_391 = arith.constant 4 : i32
    %scan3A_392 = arith.addi %scan3A_390, %scan3A_391 : i32
    %scan3A_393 = arith.constant 1 : i32
    scf.for %scan3A_424 = %scan3A_390 to %scan3A_392 step %scan3A_393  : i32 {
      %mul3A_425 = arith.constant 16 : i32
      %mul3A_426 = arith.muli %scan3A_424, %mul3A_425 : i32
      %add3A_427 = vector.broadcast %mul3A_426 : i32 to vector<16xi32>
      %add3A_428 = arith.addi %add3A_427, %iota3A : vector<16xi32>
      %broadcast_in_dim3A = arith.constant 0.000000e+00 : f32
      %broadcast_in_dim3A_429 = vector.broadcast %broadcast_in_dim3A : f32 to vector<16xf32>
      %scan3A_430 = arith.constant 0 : i32
      %scan3A_431 = arith.constant 16 : i32
      %scan3A_432 = arith.addi %scan3A_430, %scan3A_431 : i32
      %scan3A_433 = arith.constant 1 : i32
      %scan3A_434:2 = scf.for %scan3A_444 = %scan3A_430 to %scan3A_432 step %scan3A_433 iter_args(%scan3A_445 = %broadcast_in_dim3A_429, %scan3A_446 = %broadcast_in_dim3A_429) -> (vector<16xf32>, vector<16xf32>)  : i32 {
        %mul3A_447 = arith.constant 8 : i32
        %mul3A_448 = arith.muli %scan3A_444, %mul3A_447 : i32
        %add3A_449 = vector.broadcast %mul3A_448 : i32 to vector<16xi32>
        %add3A_450 = arith.addi %iota3A, %add3A_449 : vector<16xi32>
        %add3A_451 = arith.constant 0 : i32
        %add3A_452 = vector.broadcast %add3A_451 : i32 to vector<16xi32>
        %add3A_453 = arith.addi %add3A_450, %add3A_452 : vector<16xi32>
        %and3A = arith.constant 127 : i32
        %and3A_454 = vector.broadcast %and3A : i32 to vector<16xi32>
        %and3A_455 = arith.andi %add3A_453, %and3A_454 : vector<16xi32>
        %gather3A = tpu.vector_load_idx %arg7[%add3A_428, %and3A_455] : memref<64x128xf32, #tpu.memory_space<vmem>>[vector<16xi32>, vector<16xi32>], vector<16xf32>,
        %gather3A_456 = tpu.vector_load_idx %arg10[%add3A_428, %and3A_455] : memref<64x128xf32, #tpu.memory_space<vmem>>[vector<16xi32>, vector<16xi32>], vector<16xf32>,
        %gather3A_457 = tpu.vector_load_idx %arg13[%add3A_428, %and3A_455] : memref<64x128xf32, #tpu.memory_space<vmem>>[vector<16xi32>, vector<16xi32>], vector<16xf32>,
        %add3A_458 = arith.addf %gather3A, %gather3A_456 : vector<16xf32>
        %sub3A_459 = arith.subf %add3A_458, %gather3A_457 : vector<16xf32>
        %abs3A = math.absf %sub3A_459 : vector<16xf32>
        %add3A_460 = arith.addf %scan3A_445, %abs3A : vector<16xf32>
        %add3A_461 = vector.broadcast %mul3A_448 : i32 to vector<16xi32>
        %add3A_462 = arith.addi %iota3A, %add3A_461 : vector<16xi32>
        %add3A_463 = arith.constant 1 : i32
        %add3A_464 = vector.broadcast %add3A_463 : i32 to vector<16xi32>
        %add3A_465 = arith.addi %add3A_462, %add3A_464 : vector<16xi32>
        %and3A_466 = arith.constant 127 : i32
        %and3A_467 = vector.broadcast %and3A_466 : i32 to vector<16xi32>
        %and3A_468 = arith.andi %add3A_465, %and3A_467 : vector<16xi32>
        %gather3A_469 = tpu.vector_load_idx %arg7[%add3A_428, %and3A_468] : memref<64x128xf32, #tpu.memory_space<vmem>>[vector<16xi32>, vector<16xi32>], vector<16xf32>,
        %gather3A_470 = tpu.vector_load_idx %arg10[%add3A_428, %and3A_468] : memref<64x128xf32, #tpu.memory_space<vmem>>[vector<16xi32>, vector<16xi32>], vector<16xf32>,
        %gather3A_471 = tpu.vector_load_idx %arg13[%add3A_428, %and3A_468] : memref<64x128xf32, #tpu.memory_space<vmem>>[vector<16xi32>, vector<16xi32>], vector<16xf32>,
        %add3A_472 = arith.addf %gather3A_469, %gather3A_470 : vector<16xf32>
        %sub3A_473 = arith.subf %add3A_472, %gather3A_471 : vector<16xf32>
        %abs3A_474 = math.absf %sub3A_473 : vector<16xf32>
        %add3A_475 = arith.addf %scan3A_446, %abs3A_474 : vector<16xf32>
        %add3A_476 = vector.broadcast %mul3A_448 : i32 to vector<16xi32>
        %add3A_477 = arith.addi %iota3A, %add3A_476 : vector<16xi32>
        %add3A_478 = arith.constant 2 : i32
        %add3A_479 = vector.broadcast %add3A_478 : i32 to vector<16xi32>
        %add3A_480 = arith.addi %add3A_477, %add3A_479 : vector<16xi32>
        %and3A_481 = arith.constant 127 : i32
        %and3A_482 = vector.broadcast %and3A_481 : i32 to vector<16xi32>
        %and3A_483 = arith.andi %add3A_480, %and3A_482 : vector<16xi32>
        %gather3A_484 = tpu.vector_load_idx %arg7[%add3A_428, %and3A_483] : memref<64x128xf32, #tpu.memory_space<vmem>>[vector<16xi32>, vector<16xi32>], vector<16xf32>,
        %gather3A_485 = tpu.vector_load_idx %arg10[%add3A_428, %and3A_483] : memref<64x128xf32, #tpu.memory_space<vmem>>[vector<16xi32>, vector<16xi32>], vector<16xf32>,
        %gather3A_486 = tpu.vector_load_idx %arg13[%add3A_428, %and3A_483] : memref<64x128xf32, #tpu.memory_space<vmem>>[vector<16xi32>, vector<16xi32>], vector<16xf32>,
        %add3A_487 = arith.addf %gather3A_484, %gather3A_485 : vector<16xf32>
        %sub3A_488 = arith.subf %add3A_487, %gather3A_486 : vector<16xf32>
        %abs3A_489 = math.absf %sub3A_488 : vector<16xf32>
        %add3A_490 = arith.addf %add3A_460, %abs3A_489 : vector<16xf32>
        %add3A_491 = vector.broadcast %mul3A_448 : i32 to vector<16xi32>
        %add3A_492 = arith.addi %iota3A, %add3A_491 : vector<16xi32>
        %add3A_493 = arith.constant 3 : i32
        %add3A_494 = vector.broadcast %add3A_493 : i32 to vector<16xi32>
        %add3A_495 = arith.addi %add3A_492, %add3A_494 : vector<16xi32>
        %and3A_496 = arith.constant 127 : i32
        %and3A_497 = vector.broadcast %and3A_496 : i32 to vector<16xi32>
        %and3A_498 = arith.andi %add3A_495, %and3A_497 : vector<16xi32>
        %gather3A_499 = tpu.vector_load_idx %arg7[%add3A_428, %and3A_498] : memref<64x128xf32, #tpu.memory_space<vmem>>[vector<16xi32>, vector<16xi32>], vector<16xf32>,
        %gather3A_500 = tpu.vector_load_idx %arg10[%add3A_428, %and3A_498] : memref<64x128xf32, #tpu.memory_space<vmem>>[vector<16xi32>, vector<16xi32>], vector<16xf32>,
        %gather3A_501 = tpu.vector_load_idx %arg13[%add3A_428, %and3A_498] : memref<64x128xf32, #tpu.memory_space<vmem>>[vector<16xi32>, vector<16xi32>], vector<16xf32>,
        %add3A_502 = arith.addf %gather3A_499, %gather3A_500 : vector<16xf32>
        %sub3A_503 = arith.subf %add3A_502, %gather3A_501 : vector<16xf32>
        %abs3A_504 = math.absf %sub3A_503 : vector<16xf32>
        %add3A_505 = arith.addf %add3A_475, %abs3A_504 : vector<16xf32>
        %add3A_506 = vector.broadcast %mul3A_448 : i32 to vector<16xi32>
        %add3A_507 = arith.addi %iota3A, %add3A_506 : vector<16xi32>
        %add3A_508 = arith.constant 4 : i32
        %add3A_509 = vector.broadcast %add3A_508 : i32 to vector<16xi32>
        %add3A_510 = arith.addi %add3A_507, %add3A_509 : vector<16xi32>
        %and3A_511 = arith.constant 127 : i32
        %and3A_512 = vector.broadcast %and3A_511 : i32 to vector<16xi32>
        %and3A_513 = arith.andi %add3A_510, %and3A_512 : vector<16xi32>
        %gather3A_514 = tpu.vector_load_idx %arg7[%add3A_428, %and3A_513] : memref<64x128xf32, #tpu.memory_space<vmem>>[vector<16xi32>, vector<16xi32>], vector<16xf32>,
        %gather3A_515 = tpu.vector_load_idx %arg10[%add3A_428, %and3A_513] : memref<64x128xf32, #tpu.memory_space<vmem>>[vector<16xi32>, vector<16xi32>], vector<16xf32>,
        %gather3A_516 = tpu.vector_load_idx %arg13[%add3A_428, %and3A_513] : memref<64x128xf32, #tpu.memory_space<vmem>>[vector<16xi32>, vector<16xi32>], vector<16xf32>,
        %add3A_517 = arith.addf %gather3A_514, %gather3A_515 : vector<16xf32>
        %sub3A_518 = arith.subf %add3A_517, %gather3A_516 : vector<16xf32>
        %abs3A_519 = math.absf %sub3A_518 : vector<16xf32>
        %add3A_520 = arith.addf %add3A_490, %abs3A_519 : vector<16xf32>
        %add3A_521 = vector.broadcast %mul3A_448 : i32 to vector<16xi32>
        %add3A_522 = arith.addi %iota3A, %add3A_521 : vector<16xi32>
        %add3A_523 = arith.constant 5 : i32
        %add3A_524 = vector.broadcast %add3A_523 : i32 to vector<16xi32>
        %add3A_525 = arith.addi %add3A_522, %add3A_524 : vector<16xi32>
        %and3A_526 = arith.constant 127 : i32
        %and3A_527 = vector.broadcast %and3A_526 : i32 to vector<16xi32>
        %and3A_528 = arith.andi %add3A_525, %and3A_527 : vector<16xi32>
        %gather3A_529 = tpu.vector_load_idx %arg7[%add3A_428, %and3A_528] : memref<64x128xf32, #tpu.memory_space<vmem>>[vector<16xi32>, vector<16xi32>], vector<16xf32>,
        %gather3A_530 = tpu.vector_load_idx %arg10[%add3A_428, %and3A_528] : memref<64x128xf32, #tpu.memory_space<vmem>>[vector<16xi32>, vector<16xi32>], vector<16xf32>,
        %gather3A_531 = tpu.vector_load_idx %arg13[%add3A_428, %and3A_528] : memref<64x128xf32, #tpu.memory_space<vmem>>[vector<16xi32>, vector<16xi32>], vector<16xf32>,
        %add3A_532 = arith.addf %gather3A_529, %gather3A_530 : vector<16xf32>
        %sub3A_533 = arith.subf %add3A_532, %gather3A_531 : vector<16xf32>
        %abs3A_534 = math.absf %sub3A_533 : vector<16xf32>
        %add3A_535 = arith.addf %add3A_505, %abs3A_534 : vector<16xf32>
        %add3A_536 = vector.broadcast %mul3A_448 : i32 to vector<16xi32>
        %add3A_537 = arith.addi %iota3A, %add3A_536 : vector<16xi32>
        %add3A_538 = arith.constant 6 : i32
        %add3A_539 = vector.broadcast %add3A_538 : i32 to vector<16xi32>
        %add3A_540 = arith.addi %add3A_537, %add3A_539 : vector<16xi32>
        %and3A_541 = arith.constant 127 : i32
        %and3A_542 = vector.broadcast %and3A_541 : i32 to vector<16xi32>
        %and3A_543 = arith.andi %add3A_540, %and3A_542 : vector<16xi32>
        %gather3A_544 = tpu.vector_load_idx %arg7[%add3A_428, %and3A_543] : memref<64x128xf32, #tpu.memory_space<vmem>>[vector<16xi32>, vector<16xi32>], vector<16xf32>,
        %gather3A_545 = tpu.vector_load_idx %arg10[%add3A_428, %and3A_543] : memref<64x128xf32, #tpu.memory_space<vmem>>[vector<16xi32>, vector<16xi32>], vector<16xf32>,
        %gather3A_546 = tpu.vector_load_idx %arg13[%add3A_428, %and3A_543] : memref<64x128xf32, #tpu.memory_space<vmem>>[vector<16xi32>, vector<16xi32>], vector<16xf32>,
        %add3A_547 = arith.addf %gather3A_544, %gather3A_545 : vector<16xf32>
        %sub3A_548 = arith.subf %add3A_547, %gather3A_546 : vector<16xf32>
        %abs3A_549 = math.absf %sub3A_548 : vector<16xf32>
        %add3A_550 = arith.addf %add3A_520, %abs3A_549 : vector<16xf32>
        %add3A_551 = vector.broadcast %mul3A_448 : i32 to vector<16xi32>
        %add3A_552 = arith.addi %iota3A, %add3A_551 : vector<16xi32>
        %add3A_553 = arith.constant 7 : i32
        %add3A_554 = vector.broadcast %add3A_553 : i32 to vector<16xi32>
        %add3A_555 = arith.addi %add3A_552, %add3A_554 : vector<16xi32>
        %and3A_556 = arith.constant 127 : i32
        %and3A_557 = vector.broadcast %and3A_556 : i32 to vector<16xi32>
        %and3A_558 = arith.andi %add3A_555, %and3A_557 : vector<16xi32>
        %gather3A_559 = tpu.vector_load_idx %arg7[%add3A_428, %and3A_558] : memref<64x128xf32, #tpu.memory_space<vmem>>[vector<16xi32>, vector<16xi32>], vector<16xf32>,
        %gather3A_560 = tpu.vector_load_idx %arg10[%add3A_428, %and3A_558] : memref<64x128xf32, #tpu.memory_space<vmem>>[vector<16xi32>, vector<16xi32>], vector<16xf32>,
        %gather3A_561 = tpu.vector_load_idx %arg13[%add3A_428, %and3A_558] : memref<64x128xf32, #tpu.memory_space<vmem>>[vector<16xi32>, vector<16xi32>], vector<16xf32>,
        %add3A_562 = arith.addf %gather3A_559, %gather3A_560 : vector<16xf32>
        %sub3A_563 = arith.subf %add3A_562, %gather3A_561 : vector<16xf32>
        %abs3A_564 = math.absf %sub3A_563 : vector<16xf32>
        %add3A_565 = arith.addf %add3A_535, %abs3A_564 : vector<16xf32>
        scf.yield %add3A_550, %add3A_565 : vector<16xf32>, vector<16xf32>
      }
      %scan3A_435 = arith.constant 16 : i32
      %add3A_436 = arith.addf %scan3A_434#0, %scan3A_434#1 : vector<16xf32>
      %sub3A = arith.constant 1.200000e+01 : f32
      %sub3A_437 = vector.broadcast %sub3A : f32 to vector<16xf32>
      %sub3A_438 = arith.subf %sub3A_437, %add3A_436 : vector<16xf32>
      %mul3A_439 = arith.constant 16 : i32
      %mul3A_440 = arith.muli %scan3A_424, %mul3A_439 : i32
      %add3A_441 = arith.constant 384 : i32
      %add3A_442 = arith.addi %add3A_441, %mul3A_440 : i32
      %swap3A = arith.index_cast %add3A_442 : i32 to index
      %swap3A_443 = tpu.vector_load %arg16[%swap3A] {strides = array<i32>} : memref<512xf32, #tpu.memory_space<vmem>>, vector<16xf32>,
      tpu.vector_store %arg16[%swap3A], %sub3A_438 {strides = array<i32>} : memref<512xf32, #tpu.memory_space<vmem>>, vector<16xf32>,
    }
    %scan3A_394 = arith.constant 4 : i32
    %dma_wait3A_395 = arith.constant 0 : i32
    %dma_wait3A_396 = arith.constant 7 : i32
    %dma_wait3A_397 = arith.constant 0 : i32
    %dma_wait3A_398 = tpu.memref_slice %arg6[%dma_wait3A_395, %dma_wait3A_396, %dma_wait3A_397] : memref<3x8x64xi32, #tpu.memory_space<vmem>> -> memref<1x1x64xi32, #tpu.memory_space<vmem>>
    %dma_wait3A_399 = tpu.memref_squeeze %dma_wait3A_398 : memref<1x1x64xi32, #tpu.memory_space<vmem>> -> memref<64xi32, #tpu.memory_space<vmem>>
    %dma_wait3A_400 = arith.constant 0 : i32
    %dma_wait3A_401 = arith.constant 0 : i32
    %dma_wait3A_402 = tpu.memref_slice %arg3[%dma_wait3A_400, %dma_wait3A_401] : memref<100000x128xf32, #tpu.memory_space<hbm>> -> memref<100000x128xf32, #tpu.memory_space<hbm>>
    tpu.wait_indirect_dma semaphore(%arg18 : memref<!tpu.dma_semaphore, #tpu.memory_space<semaphore_mem>>) src(%dma_wait3A_402 : memref<100000x128xf32, #tpu.memory_space<hbm>>) dst(%arg8 : memref<64x128xf32, #tpu.memory_space<vmem>>)
    %dma_wait3A_403 = arith.constant 1 : i32
    %dma_wait3A_404 = arith.constant 7 : i32
    %dma_wait3A_405 = arith.constant 0 : i32
    %dma_wait3A_406 = tpu.memref_slice %arg6[%dma_wait3A_403, %dma_wait3A_404, %dma_wait3A_405] : memref<3x8x64xi32, #tpu.memory_space<vmem>> -> memref<1x1x64xi32, #tpu.memory_space<vmem>>
    %dma_wait3A_407 = tpu.memref_squeeze %dma_wait3A_406 : memref<1x1x64xi32, #tpu.memory_space<vmem>> -> memref<64xi32, #tpu.memory_space<vmem>>
    %dma_wait3A_408 = arith.constant 0 : i32
    %dma_wait3A_409 = arith.constant 0 : i32
    %dma_wait3A_410 = tpu.memref_slice %arg4[%dma_wait3A_408, %dma_wait3A_409] : memref<100000x128xf32, #tpu.memory_space<hbm>> -> memref<100000x128xf32, #tpu.memory_space<hbm>>
    tpu.wait_indirect_dma semaphore(%arg18 : memref<!tpu.dma_semaphore, #tpu.memory_space<semaphore_mem>>) src(%dma_wait3A_410 : memref<100000x128xf32, #tpu.memory_space<hbm>>) dst(%arg11 : memref<64x128xf32, #tpu.memory_space<vmem>>)
    %dma_wait3A_411 = arith.constant 2 : i32
    %dma_wait3A_412 = arith.constant 7 : i32
    %dma_wait3A_413 = arith.constant 0 : i32
    %dma_wait3A_414 = tpu.memref_slice %arg6[%dma_wait3A_411, %dma_wait3A_412, %dma_wait3A_413] : memref<3x8x64xi32, #tpu.memory_space<vmem>> -> memref<1x1x64xi32, #tpu.memory_space<vmem>>
    %dma_wait3A_415 = tpu.memref_squeeze %dma_wait3A_414 : memref<1x1x64xi32, #tpu.memory_space<vmem>> -> memref<64xi32, #tpu.memory_space<vmem>>
    %dma_wait3A_416 = arith.constant 0 : i32
    %dma_wait3A_417 = arith.constant 0 : i32
    %dma_wait3A_418 = tpu.memref_slice %arg3[%dma_wait3A_416, %dma_wait3A_417] : memref<100000x128xf32, #tpu.memory_space<hbm>> -> memref<100000x128xf32, #tpu.memory_space<hbm>>
    tpu.wait_indirect_dma semaphore(%arg18 : memref<!tpu.dma_semaphore, #tpu.memory_space<semaphore_mem>>) src(%dma_wait3A_418 : memref<100000x128xf32, #tpu.memory_space<hbm>>) dst(%arg14 : memref<64x128xf32, #tpu.memory_space<vmem>>)
    %scan3A_419 = arith.constant 0 : i32
    %scan3A_420 = arith.constant 4 : i32
    %scan3A_421 = arith.addi %scan3A_419, %scan3A_420 : i32
    %scan3A_422 = arith.constant 1 : i32
    scf.for %scan3A_424 = %scan3A_419 to %scan3A_421 step %scan3A_422  : i32 {
      %mul3A_425 = arith.constant 16 : i32
      %mul3A_426 = arith.muli %scan3A_424, %mul3A_425 : i32
      %add3A_427 = vector.broadcast %mul3A_426 : i32 to vector<16xi32>
      %add3A_428 = arith.addi %add3A_427, %iota3A : vector<16xi32>
      %broadcast_in_dim3A = arith.constant 0.000000e+00 : f32
      %broadcast_in_dim3A_429 = vector.broadcast %broadcast_in_dim3A : f32 to vector<16xf32>
      %scan3A_430 = arith.constant 0 : i32
      %scan3A_431 = arith.constant 16 : i32
      %scan3A_432 = arith.addi %scan3A_430, %scan3A_431 : i32
      %scan3A_433 = arith.constant 1 : i32
      %scan3A_434:2 = scf.for %scan3A_444 = %scan3A_430 to %scan3A_432 step %scan3A_433 iter_args(%scan3A_445 = %broadcast_in_dim3A_429, %scan3A_446 = %broadcast_in_dim3A_429) -> (vector<16xf32>, vector<16xf32>)  : i32 {
        %mul3A_447 = arith.constant 8 : i32
        %mul3A_448 = arith.muli %scan3A_444, %mul3A_447 : i32
        %add3A_449 = vector.broadcast %mul3A_448 : i32 to vector<16xi32>
        %add3A_450 = arith.addi %iota3A, %add3A_449 : vector<16xi32>
        %add3A_451 = arith.constant 0 : i32
        %add3A_452 = vector.broadcast %add3A_451 : i32 to vector<16xi32>
        %add3A_453 = arith.addi %add3A_450, %add3A_452 : vector<16xi32>
        %and3A = arith.constant 127 : i32
        %and3A_454 = vector.broadcast %and3A : i32 to vector<16xi32>
        %and3A_455 = arith.andi %add3A_453, %and3A_454 : vector<16xi32>
        %gather3A = tpu.vector_load_idx %arg8[%add3A_428, %and3A_455] : memref<64x128xf32, #tpu.memory_space<vmem>>[vector<16xi32>, vector<16xi32>], vector<16xf32>,
        %gather3A_456 = tpu.vector_load_idx %arg11[%add3A_428, %and3A_455] : memref<64x128xf32, #tpu.memory_space<vmem>>[vector<16xi32>, vector<16xi32>], vector<16xf32>,
        %gather3A_457 = tpu.vector_load_idx %arg14[%add3A_428, %and3A_455] : memref<64x128xf32, #tpu.memory_space<vmem>>[vector<16xi32>, vector<16xi32>], vector<16xf32>,
        %add3A_458 = arith.addf %gather3A, %gather3A_456 : vector<16xf32>
        %sub3A_459 = arith.subf %add3A_458, %gather3A_457 : vector<16xf32>
        %abs3A = math.absf %sub3A_459 : vector<16xf32>
        %add3A_460 = arith.addf %scan3A_445, %abs3A : vector<16xf32>
        %add3A_461 = vector.broadcast %mul3A_448 : i32 to vector<16xi32>
        %add3A_462 = arith.addi %iota3A, %add3A_461 : vector<16xi32>
        %add3A_463 = arith.constant 1 : i32
        %add3A_464 = vector.broadcast %add3A_463 : i32 to vector<16xi32>
        %add3A_465 = arith.addi %add3A_462, %add3A_464 : vector<16xi32>
        %and3A_466 = arith.constant 127 : i32
        %and3A_467 = vector.broadcast %and3A_466 : i32 to vector<16xi32>
        %and3A_468 = arith.andi %add3A_465, %and3A_467 : vector<16xi32>
        %gather3A_469 = tpu.vector_load_idx %arg8[%add3A_428, %and3A_468] : memref<64x128xf32, #tpu.memory_space<vmem>>[vector<16xi32>, vector<16xi32>], vector<16xf32>,
        %gather3A_470 = tpu.vector_load_idx %arg11[%add3A_428, %and3A_468] : memref<64x128xf32, #tpu.memory_space<vmem>>[vector<16xi32>, vector<16xi32>], vector<16xf32>,
        %gather3A_471 = tpu.vector_load_idx %arg14[%add3A_428, %and3A_468] : memref<64x128xf32, #tpu.memory_space<vmem>>[vector<16xi32>, vector<16xi32>], vector<16xf32>,
        %add3A_472 = arith.addf %gather3A_469, %gather3A_470 : vector<16xf32>
        %sub3A_473 = arith.subf %add3A_472, %gather3A_471 : vector<16xf32>
        %abs3A_474 = math.absf %sub3A_473 : vector<16xf32>
        %add3A_475 = arith.addf %scan3A_446, %abs3A_474 : vector<16xf32>
        %add3A_476 = vector.broadcast %mul3A_448 : i32 to vector<16xi32>
        %add3A_477 = arith.addi %iota3A, %add3A_476 : vector<16xi32>
        %add3A_478 = arith.constant 2 : i32
        %add3A_479 = vector.broadcast %add3A_478 : i32 to vector<16xi32>
        %add3A_480 = arith.addi %add3A_477, %add3A_479 : vector<16xi32>
        %and3A_481 = arith.constant 127 : i32
        %and3A_482 = vector.broadcast %and3A_481 : i32 to vector<16xi32>
        %and3A_483 = arith.andi %add3A_480, %and3A_482 : vector<16xi32>
        %gather3A_484 = tpu.vector_load_idx %arg8[%add3A_428, %and3A_483] : memref<64x128xf32, #tpu.memory_space<vmem>>[vector<16xi32>, vector<16xi32>], vector<16xf32>,
        %gather3A_485 = tpu.vector_load_idx %arg11[%add3A_428, %and3A_483] : memref<64x128xf32, #tpu.memory_space<vmem>>[vector<16xi32>, vector<16xi32>], vector<16xf32>,
        %gather3A_486 = tpu.vector_load_idx %arg14[%add3A_428, %and3A_483] : memref<64x128xf32, #tpu.memory_space<vmem>>[vector<16xi32>, vector<16xi32>], vector<16xf32>,
        %add3A_487 = arith.addf %gather3A_484, %gather3A_485 : vector<16xf32>
        %sub3A_488 = arith.subf %add3A_487, %gather3A_486 : vector<16xf32>
        %abs3A_489 = math.absf %sub3A_488 : vector<16xf32>
        %add3A_490 = arith.addf %add3A_460, %abs3A_489 : vector<16xf32>
        %add3A_491 = vector.broadcast %mul3A_448 : i32 to vector<16xi32>
        %add3A_492 = arith.addi %iota3A, %add3A_491 : vector<16xi32>
        %add3A_493 = arith.constant 3 : i32
        %add3A_494 = vector.broadcast %add3A_493 : i32 to vector<16xi32>
        %add3A_495 = arith.addi %add3A_492, %add3A_494 : vector<16xi32>
        %and3A_496 = arith.constant 127 : i32
        %and3A_497 = vector.broadcast %and3A_496 : i32 to vector<16xi32>
        %and3A_498 = arith.andi %add3A_495, %and3A_497 : vector<16xi32>
        %gather3A_499 = tpu.vector_load_idx %arg8[%add3A_428, %and3A_498] : memref<64x128xf32, #tpu.memory_space<vmem>>[vector<16xi32>, vector<16xi32>], vector<16xf32>,
        %gather3A_500 = tpu.vector_load_idx %arg11[%add3A_428, %and3A_498] : memref<64x128xf32, #tpu.memory_space<vmem>>[vector<16xi32>, vector<16xi32>], vector<16xf32>,
        %gather3A_501 = tpu.vector_load_idx %arg14[%add3A_428, %and3A_498] : memref<64x128xf32, #tpu.memory_space<vmem>>[vector<16xi32>, vector<16xi32>], vector<16xf32>,
        %add3A_502 = arith.addf %gather3A_499, %gather3A_500 : vector<16xf32>
        %sub3A_503 = arith.subf %add3A_502, %gather3A_501 : vector<16xf32>
        %abs3A_504 = math.absf %sub3A_503 : vector<16xf32>
        %add3A_505 = arith.addf %add3A_475, %abs3A_504 : vector<16xf32>
        %add3A_506 = vector.broadcast %mul3A_448 : i32 to vector<16xi32>
        %add3A_507 = arith.addi %iota3A, %add3A_506 : vector<16xi32>
        %add3A_508 = arith.constant 4 : i32
        %add3A_509 = vector.broadcast %add3A_508 : i32 to vector<16xi32>
        %add3A_510 = arith.addi %add3A_507, %add3A_509 : vector<16xi32>
        %and3A_511 = arith.constant 127 : i32
        %and3A_512 = vector.broadcast %and3A_511 : i32 to vector<16xi32>
        %and3A_513 = arith.andi %add3A_510, %and3A_512 : vector<16xi32>
        %gather3A_514 = tpu.vector_load_idx %arg8[%add3A_428, %and3A_513] : memref<64x128xf32, #tpu.memory_space<vmem>>[vector<16xi32>, vector<16xi32>], vector<16xf32>,
        %gather3A_515 = tpu.vector_load_idx %arg11[%add3A_428, %and3A_513] : memref<64x128xf32, #tpu.memory_space<vmem>>[vector<16xi32>, vector<16xi32>], vector<16xf32>,
        %gather3A_516 = tpu.vector_load_idx %arg14[%add3A_428, %and3A_513] : memref<64x128xf32, #tpu.memory_space<vmem>>[vector<16xi32>, vector<16xi32>], vector<16xf32>,
        %add3A_517 = arith.addf %gather3A_514, %gather3A_515 : vector<16xf32>
        %sub3A_518 = arith.subf %add3A_517, %gather3A_516 : vector<16xf32>
        %abs3A_519 = math.absf %sub3A_518 : vector<16xf32>
        %add3A_520 = arith.addf %add3A_490, %abs3A_519 : vector<16xf32>
        %add3A_521 = vector.broadcast %mul3A_448 : i32 to vector<16xi32>
        %add3A_522 = arith.addi %iota3A, %add3A_521 : vector<16xi32>
        %add3A_523 = arith.constant 5 : i32
        %add3A_524 = vector.broadcast %add3A_523 : i32 to vector<16xi32>
        %add3A_525 = arith.addi %add3A_522, %add3A_524 : vector<16xi32>
        %and3A_526 = arith.constant 127 : i32
        %and3A_527 = vector.broadcast %and3A_526 : i32 to vector<16xi32>
        %and3A_528 = arith.andi %add3A_525, %and3A_527 : vector<16xi32>
        %gather3A_529 = tpu.vector_load_idx %arg8[%add3A_428, %and3A_528] : memref<64x128xf32, #tpu.memory_space<vmem>>[vector<16xi32>, vector<16xi32>], vector<16xf32>,
        %gather3A_530 = tpu.vector_load_idx %arg11[%add3A_428, %and3A_528] : memref<64x128xf32, #tpu.memory_space<vmem>>[vector<16xi32>, vector<16xi32>], vector<16xf32>,
        %gather3A_531 = tpu.vector_load_idx %arg14[%add3A_428, %and3A_528] : memref<64x128xf32, #tpu.memory_space<vmem>>[vector<16xi32>, vector<16xi32>], vector<16xf32>,
        %add3A_532 = arith.addf %gather3A_529, %gather3A_530 : vector<16xf32>
        %sub3A_533 = arith.subf %add3A_532, %gather3A_531 : vector<16xf32>
        %abs3A_534 = math.absf %sub3A_533 : vector<16xf32>
        %add3A_535 = arith.addf %add3A_505, %abs3A_534 : vector<16xf32>
        %add3A_536 = vector.broadcast %mul3A_448 : i32 to vector<16xi32>
        %add3A_537 = arith.addi %iota3A, %add3A_536 : vector<16xi32>
        %add3A_538 = arith.constant 6 : i32
        %add3A_539 = vector.broadcast %add3A_538 : i32 to vector<16xi32>
        %add3A_540 = arith.addi %add3A_537, %add3A_539 : vector<16xi32>
        %and3A_541 = arith.constant 127 : i32
        %and3A_542 = vector.broadcast %and3A_541 : i32 to vector<16xi32>
        %and3A_543 = arith.andi %add3A_540, %and3A_542 : vector<16xi32>
        %gather3A_544 = tpu.vector_load_idx %arg8[%add3A_428, %and3A_543] : memref<64x128xf32, #tpu.memory_space<vmem>>[vector<16xi32>, vector<16xi32>], vector<16xf32>,
        %gather3A_545 = tpu.vector_load_idx %arg11[%add3A_428, %and3A_543] : memref<64x128xf32, #tpu.memory_space<vmem>>[vector<16xi32>, vector<16xi32>], vector<16xf32>,
        %gather3A_546 = tpu.vector_load_idx %arg14[%add3A_428, %and3A_543] : memref<64x128xf32, #tpu.memory_space<vmem>>[vector<16xi32>, vector<16xi32>], vector<16xf32>,
        %add3A_547 = arith.addf %gather3A_544, %gather3A_545 : vector<16xf32>
        %sub3A_548 = arith.subf %add3A_547, %gather3A_546 : vector<16xf32>
        %abs3A_549 = math.absf %sub3A_548 : vector<16xf32>
        %add3A_550 = arith.addf %add3A_520, %abs3A_549 : vector<16xf32>
        %add3A_551 = vector.broadcast %mul3A_448 : i32 to vector<16xi32>
        %add3A_552 = arith.addi %iota3A, %add3A_551 : vector<16xi32>
        %add3A_553 = arith.constant 7 : i32
        %add3A_554 = vector.broadcast %add3A_553 : i32 to vector<16xi32>
        %add3A_555 = arith.addi %add3A_552, %add3A_554 : vector<16xi32>
        %and3A_556 = arith.constant 127 : i32
        %and3A_557 = vector.broadcast %and3A_556 : i32 to vector<16xi32>
        %and3A_558 = arith.andi %add3A_555, %and3A_557 : vector<16xi32>
        %gather3A_559 = tpu.vector_load_idx %arg8[%add3A_428, %and3A_558] : memref<64x128xf32, #tpu.memory_space<vmem>>[vector<16xi32>, vector<16xi32>], vector<16xf32>,
        %gather3A_560 = tpu.vector_load_idx %arg11[%add3A_428, %and3A_558] : memref<64x128xf32, #tpu.memory_space<vmem>>[vector<16xi32>, vector<16xi32>], vector<16xf32>,
        %gather3A_561 = tpu.vector_load_idx %arg14[%add3A_428, %and3A_558] : memref<64x128xf32, #tpu.memory_space<vmem>>[vector<16xi32>, vector<16xi32>], vector<16xf32>,
        %add3A_562 = arith.addf %gather3A_559, %gather3A_560 : vector<16xf32>
        %sub3A_563 = arith.subf %add3A_562, %gather3A_561 : vector<16xf32>
        %abs3A_564 = math.absf %sub3A_563 : vector<16xf32>
        %add3A_565 = arith.addf %add3A_535, %abs3A_564 : vector<16xf32>
        scf.yield %add3A_550, %add3A_565 : vector<16xf32>, vector<16xf32>
      }
      %scan3A_435 = arith.constant 16 : i32
      %add3A_436 = arith.addf %scan3A_434#0, %scan3A_434#1 : vector<16xf32>
      %sub3A = arith.constant 1.200000e+01 : f32
      %sub3A_437 = vector.broadcast %sub3A : f32 to vector<16xf32>
      %sub3A_438 = arith.subf %sub3A_437, %add3A_436 : vector<16xf32>
      %mul3A_439 = arith.constant 16 : i32
      %mul3A_440 = arith.muli %scan3A_424, %mul3A_439 : i32
      %add3A_441 = arith.constant 448 : i32
      %add3A_442 = arith.addi %add3A_441, %mul3A_440 : i32
      %swap3A = arith.index_cast %add3A_442 : i32 to index
      %swap3A_443 = tpu.vector_load %arg16[%swap3A] {strides = array<i32>} : memref<512xf32, #tpu.memory_space<vmem>>, vector<16xf32>,
      tpu.vector_store %arg16[%swap3A], %sub3A_438 {strides = array<i32>} : memref<512xf32, #tpu.memory_space<vmem>>, vector<16xf32>,
    }
    %scan3A_423 = arith.constant 4 : i32
    "tpu.region"() ({
      %run_scoped3A = tpu.sem_alloc : memref<!tpu.dma_semaphore, #tpu.memory_space<semaphore_mem>>
      %dma_start3A_424 = tpu.memref_slice %arg5[%mul3A_2] : memref<16384xf32, #tpu.memory_space<hbm>> -> memref<512xf32, #tpu.memory_space<hbm>>
      %dma_start3A_425 = tpu.memref_slice %arg5[%mul3A_2] : memref<16384xf32, #tpu.memory_space<hbm>> -> memref<512xf32, #tpu.memory_space<hbm>>
      tpu.enqueue_dma source(%arg16 : memref<512xf32, #tpu.memory_space<vmem>>) target(%dma_start3A_425 : memref<512xf32, #tpu.memory_space<hbm>>) target_semaphore(%run_scoped3A : memref<!tpu.dma_semaphore, #tpu.memory_space<semaphore_mem>>)
      %dma_wait3A_426 = tpu.memref_slice %arg5[%mul3A_2] : memref<16384xf32, #tpu.memory_space<hbm>> -> memref<512xf32, #tpu.memory_space<hbm>>
      %dma_wait3A_427 = tpu.memref_slice %arg5[%mul3A_2] : memref<16384xf32, #tpu.memory_space<hbm>> -> memref<512xf32, #tpu.memory_space<hbm>>
      tpu.wait_dma2 semaphore(%run_scoped3A : memref<!tpu.dma_semaphore, #tpu.memory_space<semaphore_mem>>) src(%arg16 : memref<512xf32, #tpu.memory_space<vmem>>) dst(%dma_wait3A_427 : memref<512xf32, #tpu.memory_space<hbm>>)
      tpu.yield
    }) : () -> ()
    return
  }
}

</mosaic_0001>

<sc_bundles>
// kernel: kernel.3.cloned.1.call-start
scs
__scs_entry_jumppad:
0x0: {  	(pc) =	sbr.rel $0x88, $3  }
0x1: {  	(tag) =	ssettag $0x0;
	lr =	simm.s32 $0x1  }
0x2: {  	[smem:$0x3F9E] =	sst lr;
	_ =	strace $0xD0000000  }
0x3: {  	_ = 	snop  }
0x4: {  	_ = 	snop  }
0x5: {  	_ = 	snop  }
0x6: {  	_ = 	snop  }
0x7: {  	_ = 	snop  }
__scs_overlays_trampoline_lowered:
0x8: {  	[smem:$0x3FAD] =	sst s0  }
0x9: {  	[smem:$0x3FAE] =	sst s1  }
0xa: {  	[smem:$0x3FAF] =	sst s2  }
0xb: {  	[smem:$0x3FB0] =	sst s3  }
0xc: {  	[smem:$0x3FB1] =	sst s4  }
0xd: {  	[smem:$0x3FB2] =	sst s5  }
0xe: {  	[smem:$0x3FB3] =	sst s6  }
0xf: {  	[smem:$0x3FB4] =	sst s7  }
0x10: {  	[smem:$0x3FB5] =	sst s8  }
0x11: {  	[smem:$0x3FB6] =	sst s9;
	s0 =	simm.s32 @!p0 $0x0  }
0x12: {  	s1 =	sld [smem:$0x3F9C];
	s0 =	simm.s32 @p0 $0x1  }
0x13: {  	[smem:$0x3FB7] =	sst s0;
	s0 =	simm.s32 @!p1 $0x0  }
0x14: {  	s2 =	sld [smem:$0x3F9B];
	s0 =	simm.s32 @p1 $0x1  }
0x15: {  	[smem:$0x3FB8] =	sst s0;
	s0 =	simm.s32 @!p2 $0x0  }
0x16: {  	s3 =	sld [smem:$0x3FDB];
	s0 =	simm.s32 @p2 $0x1  }
0x17: {  	s4 =	simm.s32 $0x1BF5;
	[smem:$0x3FBA] =	sst s0  }
0x18: {  	s0 =	sld [smem:$0x3F9D];
	_ =	swait.ge [sflag:s4], $0x0  }
0x19: {  	s7 =	sld [smem:$0x3F9E]  }
0x1a: {  	s8 =	sadd.s32 $0xFFFFE003, lr  }
0x1b: {  	s9 =	sadd.s32 $0xFFFFFEF7, lr;
	s5 =	simm.s32 $0xFFFFFFFF;
	p2 =	slt.u32 s8, $0xFFFFF086  }
0x1c: {  	p1 =	slt.u32 s9, $0xF7A;
	s5 =	simm.s32 @!p2 $0x0  }
0x1d: {  	s5 =	simm.s32 @p1 $0x1;
	p0 =	seq.s32 s7, s2  }
0x1e: {  	s7 =	smul.u32 @!p0 $0xF7A, s2;
	p2 =	seq.s32 @!p0 s5, $0x0  }
0x1f: {  	s9 =	smul.u32 $0xF7A, s1;
	s8 =	simm.s32 @!p0 $0x1BF5;
	p2 =	por !p2, p0  }
0x20: {  	[sflag:s8] =	ssyncset.s32 @!p0 $0xFFFFF086;
	s6 =	sadd.s32 @!p0 s3, s7;
	s7 =	simm.s32 @!p0 $0x108  }
0x21: {  	s3 =	sadd.s32 s3, s9;
	s6 =	sadd.s32 @!p0 $0x88, s6;
	s7 =	simm.s32 @p2 $0x1082  }
0x22: {  	[simem:s7], [sflag:s8] =	dma.local @!p0 [hbm:s6], $0xF7A  }
0x23: {  	s9 =	sor.u32 $0xD0000000, s2;
	s6 =	simm.s32 $0x108;
	_ =	swait.ge @!p0 [sflag:s8], $0x0  }
0x24: {  	s3 =	sadd.s32 $0x88, s3;
	s6 =	simm.s32 @!p1 $0x1082;
	[sflag:s4] =	ssyncset.s32 $0xFFFFF086  }
0x25: {  	[simem:s6], [sflag:s4] =	dma.local [hbm:s3], $0xF7A  }
0x26: {  	[smem:$0x3F9E] =	sst s1;
	(tag) =	ssettag s2;
	_ =	strace s9  }
0x27: {  	s1 =	sld [smem:$0x3FAE]  }
0x28: {  	s2 =	sld [smem:$0x3FAF]  }
0x29: {  	s4 =	sld [smem:$0x3FB1]  }
0x2a: {  	p0 =	seq.s32 s5, $0x0;
	s5 =	sld [smem:$0x3FB2]  }
0x2b: {  	s6 =	sld [smem:$0x3FB3]  }
0x2c: {  	s7 =	sld [smem:$0x3FB4]  }
0x2d: {  	s3 =	simm.s32 $0x108;
	s8 =	sld [smem:$0x3FB5]  }
0x2e: {  	s3 =	simm.s32 @!p0 $0x1082;
	s9 =	sld [smem:$0x3FB6]  }
0x2f: {  	lr =	sadd.s32 s0, s3;
	s0 =	sld [smem:$0x3FAD]  }
0x30: {  	s3 =	sld [smem:$0x3FB0]  }
0x31: {  	[smem:$0x3FB9] =	sst s10  }
0x32: {  	s10 =	sld [smem:$0x3FB7];
	_ =	sdelay $0x3  }
0x33: {  	p0 =	seq.s32 s10, $0x1;
	s10 =	sld [smem:$0x3FB9];
	_ =	sdelay $0x3  }
0x34: {  	[smem:$0x3FB9] =	sst s10  }
0x35: {  	s10 =	sld [smem:$0x3FB8];
	_ =	sdelay $0x3  }
0x36: {  	p1 =	seq.s32 s10, $0x1;
	s10 =	sld [smem:$0x3FB9];
	_ =	sdelay $0x3  }
0x37: {  	[smem:$0x3FB9] =	sst s10  }
0x38: {  	s10 =	sld [smem:$0x3FBA]  }
0x39: {  	_ = 	snop;
	(pc) =	sbr.ind lr, $3  }
0x3a: {  	_ = 	snop  }
0x3b: {  	_ = 	snop  }
0x3c: {  	p2 =	seq.s32 s10, $0x1;
	s10 =	sld [smem:$0x3FB9]  }
0x3d: {  	_ =	shalt  }
0x3e: {  	_ =	shalt  }
0x3f: {  	_ =	shalt  }
0x40: {  	_ =	shalt  }
0x41: {  	_ =	shalt  }
0x42: {  	_ =	shalt  }
0x43: {  	_ =	shalt  }
0x44: {  	_ =	shalt  }
0x45: {  	_ =	shalt  }
0x46: {  	_ =	shalt  }
0x47: {  	_ =	shalt  }
0x48: {  	_ =	shalt  }
0x49: {  	_ =	shalt  }
0x4a: {  	_ =	shalt  }
0x4b: {  	_ =	shalt  }
0x4c: {  	_ =	shalt  }
0x4d: {  	_ =	shalt  }
0x4e: {  	_ =	shalt  }
0x4f: {  	_ =	shalt  }
0x50: {  	_ =	shalt  }
0x51: {  	_ =	shalt  }
0x52: {  	_ =	shalt  }
0x53: {  	_ =	shalt  }
0x54: {  	_ =	shalt  }
0x55: {  	_ =	shalt  }
0x56: {  	_ =	shalt  }
0x57: {  	_ =	shalt  }
0x58: {  	_ =	shalt  }
0x59: {  	_ =	shalt  }
0x5a: {  	_ =	shalt  }
0x5b: {  	_ =	shalt  }
0x5c: {  	_ =	shalt  }
0x5d: {  	_ =	shalt  }
0x5e: {  	_ =	shalt  }
0x5f: {  	_ =	shalt  }
0x60: {  	_ =	shalt  }
0x61: {  	_ =	shalt  }
0x62: {  	_ =	shalt  }
0x63: {  	_ =	shalt  }
0x64: {  	_ =	shalt  }
0x65: {  	_ =	shalt  }
0x66: {  	_ =	shalt  }
0x67: {  	_ =	shalt  }
0x68: {  	_ =	shalt  }
0x69: {  	_ =	shalt  }
0x6a: {  	_ =	shalt  }
0x6b: {  	_ =	shalt  }
0x6c: {  	_ =	shalt  }
0x6d: {  	_ =	shalt  }
0x6e: {  	_ =	shalt  }
0x6f: {  	_ =	shalt  }
0x70: {  	_ =	shalt  }
0x71: {  	_ =	shalt  }
0x72: {  	_ =	shalt  }
0x73: {  	_ =	shalt  }
0x74: {  	_ =	shalt  }
0x75: {  	_ =	shalt  }
0x76: {  	_ =	shalt  }
0x77: {  	_ =	shalt  }
0x78: {  	_ =	shalt  }
0x79: {  	_ =	shalt  }
0x7a: {  	_ =	shalt  }
0x7b: {  	_ =	shalt  }
0x7c: {  	_ =	shalt  }
0x7d: {  	_ =	shalt  }
0x7e: {  	_ =	shalt  }
0x7f: {  	_ =	shalt  }
0x80: {  	_ =	shalt  }
0x81: {  	_ =	shalt  }
0x82: {  	_ =	shalt  }
0x83: {  	_ =	shalt  }
0x84: {  	_ =	shalt  }
0x85: {  	_ =	shalt  }
0x86: {  	_ =	shalt  }
0x87: {  	_ =	shalt  }
.Lfunc_end0:
.L_simem_size_0:
called_computation_lowered:
.L_overlay_start_0:
0x88: {  	s2 =	sld [smem:$0x3FD9]  }
0x89: {  	s3 =	sld [smem:$0x3FFE];
	_ =	sdelay $0x1  }
0x8a: {  	s1 =	srdreg.scid  }
0x8b: {  	s0 =	sand.u32 $0x1, s1  }
0x8c: {  	s17 =	sshll.u32 s0, $0xA;
	s2 =	sadd.s32 s3, s2  }
0x8d: {  	s2 =	sadd.s32 s2, s17  }
0x8e: {  	[smem:$0x3FC5] =	sst s2  }
0x8f: {  	_ = 	snop  }
0x90: {  	s2 =	sld [smem:$0x3FC8]  }
0x91: {  	s18 =	sld [smem:$0x3FC7]  }
0x92: {  	s4 =	sld [smem:$0x3FD0];
	(tm) =	ssettm $0x1  }
0x93: {  	s5 =	sld [smem:$0x3FFB];
	_ =	sdelay $0x3  }
0x94: {  	_ =	strace s5  }
0x95: {  	s5 =	sld [smem:$0x3FFC];
	_ =	sdelay $0x3  }
0x96: {  	_ =	strace s5  }
0x97: {  	s5 =	sld [smem:$0x3FFD];
	_ =	sdelay $0x3  }
0x98: {  	_ =	strace s5  }
0x99: {  	_ =	strace $0x8FFFFFFF  }
0x9a: {  	s19 =	sld [smem:$0x3FDB];
	_ =	sdelay $0x1  }
0x9b: {  	s6 =	simm.s32 $_scs_section_size  }
0x9c: {  	s7 =	simm.s32 $_size__tile_overlayer_lowered;
	s8 =	simm.s32 $_tile_overlayer_lowered  }
0x9d: {  	s22 =	simm.s32 $0x1BFF;
	s21 =	sshll.u32 s8, $0x1;
	s5 =	sadd.s32 s6, s19  }
0x9e: {  	s9 =	simm.s32 $0x0;
	s20 =	sshll.u32 s7, $0x1;
	s7 =	sadd.s32 s21, s5  }
0x9f: {  	[timem:s9], [sflag:s22] =	dma.local [hbm:s7], s20  }
0xa0: {  	_ =	swait.ge [sflag:s22], s20  }
0xa1: {  	s6 =	ssub.s32 $0x0, s20;
	[sflag:s22] =	ssyncset.done $0x0  }
0xa2: {  	[sflag:s22] =	ssyncadd.s32 s6;
	_ =	sdelay $0x1  }
0xa3: {  	s23 =	simm.s32 $0x1B8B  }
0xa4: {  	_ =	swait.ge [sflag:s23], $0x1  }
0xa5: {  	[sflag:s23] =	ssyncset.done $0x0  }
0xa6: {  	s25 =	simm.s32 $0x1B8E;
	s24 =	sld [smem:$0x3FFE];
	[sflag:s23] =	ssyncadd.s32 $0xFFFFFFFF  }
0xa7: {  	s26 =	simm.s32 $execute0_lowered;
	[smem:$0x3FD2] =	sst s25  }
0xa8: {  	s7 =	sshll.u32 s26, $0x1;
	_ =	strace $0x80000046;
	[dreg:$0x1] =	wrdreg $0xFFFFFFFF  }
0xa9: {  	s28 =	simm.s32 $_size_execute0_lowered;
	s5 =	sadd.s32 s5, s7;
	[dreg:$0x0] =	wrdreg $0x0  }
0xaa: {  	s7 =	sshll.u32 s28, $0x1;
	[dreg:$0x2] =	wrdreg s5  }
0xab: {  	[dreg:$0x3] =	wrdreg s7  }
0xac: {  	[dreg:$0x4] =	wrdreg $0xC0  }
0xad: {  	_ =	task [dreg:s9], $0x5FFFF  }
0xae: {  	[dreg:$0x1] =	wrdreg $0xFFFFFFFF  }
0xaf: {  	[dreg:$0x0] =	wrdreg $0x60  }
0xb0: {  	[dreg:$0x2] =	wrdreg s24  }
0xb1: {  	[dreg:$0x3] =	wrdreg s2  }
0xb2: {  	[dreg:$0x4] =	wrdreg s18  }
0xb3: {  	[dreg:$0x5] =	wrdreg s4  }
0xb4: {  	[dreg:$0x6] =	wrdreg $0x9  }
0xb5: {  	_ =	task.clear_ibuf [dreg:s9], $0x7FFFF;
	_ =	strace $0x90000046  }
0xb6: {  	s29 =	simm.s32 $0x9;
	_ =	strace $0x80000048  }
0xb7: {  	_ =	swait.ge [sflag:s29], $0x1  }
0xb8: {  	[sflag:s29] =	ssyncadd.s32 $0xFFFFFFFF  }
0xb9: {  	_ =	strace $0x90000048  }
0xba: {  	_ =	sfence  }
0xbb: {  	s30 =	sld [smem:$0x0];
	_ =	sdelay $0x2  }
0xbc: {  	s31 =	sshll.u32 s1, $0xD;
	s1 =	sshrl.u32 s1, $0x2  }
0xbd: {  	s3 =	sand.u32 $0x4000, s31;
	s1 =	sadd.s32 s1, s30  }
0xbe: {  	s0 =	sor.u32 s3, s0;
	s1 =	sshll.u32 s1, $0x11  }
0xbf: {  	s0 =	sor.u32 s1, s0  }
0xc0: {  	s0 =	sadd.s32 $0x8F2B, s0  }
0xc1: {  	[sflag:s0] =	ssyncadd.remote.s32 $0x1  }
0xc2: {  	_ =	sfence.sel $0xFFFF  }
0xc3: {  	[dreg:$0x0] =	wrdreg $0xFFFFFFFF;
	(pc) =	sbr.abs _section_cstart, $3  }
0xc4: {  	[dreg:$0x1] =	wrdreg $0xFFFFFFFF  }
0xc5: {  	_ =	task.clear_ibuf [dreg:s9], $0x2FFFF;
	_ =	strace $0x9FFFFFFF  }
0xc6: {  	(tm) =	ssettm $0x7FFFFFFF  }
0xc7: {  	_ =	shalt  }
tec
execute0_lowered:
.L_overlay_start_1:
0x0: {  	(tag) =	ssettag $0x1  }
0x1: {  	s0 =	rddreg [dreg:$0x0]  }
0x2: {  	s1 =	rddreg [dreg:$0x1]  }
0x3: {  	s3 =	rddreg [dreg:$0x2]  }
0x4: {  	s2 =	srdreg.scid;
	s4 =	stileid.u32  }
0x5: {  	s6 =	rddreg [dreg:$0x3];
	s9 =	simm.s32 $0x40;
	s10 =	simm.s32 $0xC00  }
0x6: {  	s12 =	simm.s32 $0x6C00;
	s14 =	simm.s32 $0xCC00;
	s16 =	simm.s32 $0x2C00  }
0x7: {  	s18 =	simm.s32 $0x8C00;
	s20 =	simm.s32 $0xEC00;
	s22 =	simm.s32 $0x4C00  }
0x8: {  	s24 =	simm.s32 $0xAC00;
	s28 =	simm.s32 $0x1;
	s15 =	simm.s32 $0x3  }
0x9: {  	s29 =	simm.s32 $0xB00;
	s30 =	simm.s32 $0x380;
	s31 =	simm.s32 $0x780  }
0xa: {  	s11 =	simm.s32 $0x12C00;
	s2 =	sand.u32 $0x1, s2;
	s5 =	sshll.u32 s4, $0x1  }
0xb: {  	s13 =	simm.s32 $0x0;
	s4 =	simm.s32 $0x0;
	s5 =	sor.u32 s2, s5  }
0xc: {  	[smem:$0x7FF] =	sst s4;
	s2 =	ssub.s32 $0x2, s2;
	s7 =	smul.u32 $0x180, s5  }
0xd: {  	v0 =	vlaneseq.u32;
	_ =	strace $0x80000047;
	s8 =	sshrl.u32 s2, $0x1;
	s26 =	sshll.u32 s5, $0x6  }
0xe: {  	v1 =	vmul.u32 $0x80, v0;
	v2 =	vadd.s32 $0x1, v0;
	s2 =	ssub.s32 s2, s8;
	s6 =	sadd.s32 s6, s26;
	s8 =	simm.s32 $0x4  }
0xf: {  	v3 =	vadd.s32 $0x2, v0;
	v4 =	vadd.s32 $0x3, v0;
	v5 =	vadd.s32 $0x4, v0;
	s26 =	simm.s32 $0x10C00;
	s0 =	sadd.s32 s7, s0;
	s7 =	smax.u32 s2, $0x1  }
0x10: {  	v6 =	vadd.s32 $0x5, v0;
	v7 =	vadd.s32 $0x6, v0;
	v8 =	vadd.s32 $0x7, v0;
	s2 =	simm.s32 $0x2;
	s5 =	sadd.s32 $0x400, s0;
	s0 =	simm.s32 $0xB80  }
.LBB2_1:
0x11: {  	[tilespmem:s4], [sflag:$0x4] =	stream.linear.gather [hbm4b:s5+s4], $0xC00, $0x38;
	[tilespmem:$0x12E00] =	vst v63  }
0x12: {  	_ =	swait.ge [sflag:s8], $0xC00  }
0x13: {  	[sflag:s8] =	ssyncset.done $0x0  }
0x14: {  	[sflag:s8] =	ssyncadd.s32 $0xFFFFF400  }
0x15: {  	[tilespmem:s10], [sflag:$0x1] =	stream.indirect.gather [hbm4b:s1+s9], $0x80, s4, s9, $0xb8;
	[tilespmem:$0x12E00] =	vst v63  }
0x16: {  	s17 =	simm.s32 $0x400  }
0x17: {  	[tilespmem:s12], [sflag:$0x1] =	stream.indirect.gather [hbm4b:s3+s9], $0x80, s17, s9, $0xb8;
	[tilespmem:$0x12E00] =	vst v63  }
0x18: {  	s21 =	simm.s32 $0x800  }
0x19: {  	[tilespmem:s14], [sflag:$0x1] =	stream.indirect.gather [hbm4b:s1+s9], $0x80, s21, s9, $0xb8;
	[tilespmem:$0x12E00] =	vst v63  }
0x1a: {  	s23 =	simm.s32 $0x80  }
0x1b: {  	[tilespmem:s16], [sflag:$0x2] =	stream.indirect.gather [hbm4b:s1+s9], $0x80, s23, s9, $0xb8;
	[tilespmem:$0x12E00] =	vst v63  }
0x1c: {  	s25 =	simm.s32 $0x480  }
0x1d: {  	[tilespmem:s18], [sflag:$0x2] =	stream.indirect.gather [hbm4b:s3+s9], $0x80, s25, s9, $0xb8;
	[tilespmem:$0x12E00] =	vst v63  }
0x1e: {  	s19 =	simm.s32 $0x880  }
0x1f: {  	[tilespmem:s20], [sflag:$0x2] =	stream.indirect.gather [hbm4b:s1+s9], $0x80, s19, s9, $0xb8;
	[tilespmem:$0x12E00] =	vst v63  }
0x20: {  	s21 =	simm.s32 $0x100  }
0x21: {  	[tilespmem:s22], [sflag:$0x3] =	stream.indirect.gather [hbm4b:s1+s9], $0x80, s21, s9, $0xb8;
	[tilespmem:$0x12E00] =	vst v63  }
0x22: {  	s23 =	simm.s32 $0x500  }
0x23: {  	[tilespmem:s24], [sflag:$0x3] =	stream.indirect.gather [hbm4b:s3+s9], $0x80, s23, s9, $0xb8;
	[tilespmem:$0x12E00] =	vst v63  }
0x24: {  	s25 =	simm.s32 $0x900  }
0x25: {  	[tilespmem:s26], [sflag:$0x3] =	stream.indirect.gather [hbm4b:s1+s9], $0x80, s25, s9, $0xb8;
	[tilespmem:$0x12E00] =	vst v63  }
0x26: {  	_ =	swait.ge [sflag:s28], $0x2000  }
0x27: {  	[sflag:s28] =	ssyncset.done $0x0  }
0x28: {  	[sflag:s28] =	ssyncadd.s32 $0xFFFFE000  }
0x29: {  	_ =	swait.ge [sflag:s28], $0x2000  }
0x2a: {  	[sflag:s28] =	ssyncset.done $0x0  }
0x2b: {  	[sflag:s28] =	ssyncadd.s32 $0xFFFFE000  }
0x2c: {  	_ =	swait.ge [sflag:s28], $0x2000  }
0x2d: {  	[sflag:s28] =	ssyncset.done $0x0  }
0x2e: {  	s17 =	simm.s32 $0x0;
	[sflag:s28] =	ssyncadd.s32 $0xFFFFE000  }
.LBB2_2:
0x2f: {  	s19 =	sshll.u32 s17, $0x4  }
0x30: {  	s21 =	simm.s32 $0x0;
	v9 =	vmov s19  }
0x31: {  	v10 =	vadd.s32 s21, v8;
	v9 =	vshll.u32 v9, $0x7  }
0x32: {  	v11 =	vadd.s32 s21, v6;
	v10 =	vand.u32 $0x7F, v10;
	v9 =	vor.u32 v1, v9  }
0x33: {  	v11 =	vand.u32 $0x7F, v11;
	v12 =	vor.u32 v9, v10  }
0x34: {  	v14 =	vor.u32 v9, v11;
	_ =	sdelay $0x1  }
0x35: {  	v10 =	vadd.s32 s21, v4  }
0x36: {  	v10 =	vand.u32 $0x7F, v10  }
0x37: {  	v11 =	vadd.s32 s21, v2;
	v23 =	vor.u32 v9, v10;
	v10 =	vld.idx.msk [tilespmem:v12+s14+$0x0], $0xffff  }
0x38: {  	v13 =	vand.u32 $0x7F, v11;
	v11 =	vld.idx.msk [tilespmem:v14+s14+$0x0], $0xffff  }
0x39: {  	v19 =	vor.u32 v9, v13;
	v15 =	vld.idx.msk [tilespmem:v12+s10+$0x0], $0xffff  }
0x3a: {  	v16 =	vld.idx.msk [tilespmem:v12+s12+$0x0], $0xffff  }
0x3b: {  	v18 =	vld.idx.msk [tilespmem:v14+s10+$0x0], $0xffff  }
0x3c: {  	v17 =	vadd.s32 s21, v5;
	v20 =	vld.idx.msk [tilespmem:v14+s12+$0x0], $0xffff  }
0x3d: {  	v21 =	vand.u32 $0x7F, v17;
	v14 =	vadd.s32 s21, v3;
	v13 =	vld.idx.msk [tilespmem:v23+s14+$0x0], $0xffff  }
0x3e: {  	v22 =	vadd.s32 s21, v0;
	v21 =	vor.u32 v9, v21;
	v14 =	vand.u32 $0x7F, v14;
	v17 =	vld.idx.msk [tilespmem:v19+s14+$0x0], $0xffff  }
0x3f: {  	v25 =	vand.u32 $0x7F, v22;
	v22 =	vld.idx.msk [tilespmem:v23+s10+$0x0], $0xffff;
	v24 =	vor.u32 v9, v14  }
0x40: {  	s23 =	simm.s32 $0x8;
	v25 =	vor.u32 v9, v25;
	v12 =	vimm.f32 $0.0e+00;
	v23 =	vld.idx.msk [tilespmem:v23+s12+$0x0], $0xffff;
	v14 =	vimm.f32 $0.0e+00  }
.LBB2_3:
0x41: {  	p0 =	sne.s32 s23, $0x78;
	v26 =	vld.idx.msk [tilespmem:v19+s10+$0x0], $0xffff  }
0x42: {  	v19 =	vld.idx.msk [tilespmem:v19+s12+$0x0], $0xffff  }
0x43: {  	v27 =	vld.idx.msk [tilespmem:v21+s14+$0x0], $0xffff  }
0x44: {  	v28 =	vld.idx.msk [tilespmem:v24+s14+$0x0], $0xffff  }
0x45: {  	v30 =	vadd.s32 s21, v7;
	s21 =	smov.u32 s23;
	v29 =	vld.idx.msk [tilespmem:v25+s14+$0x0], $0xffff  }
0x46: {  	v30 =	vand.u32 $0x7F, v30;
	v31 =	vld.idx.msk [tilespmem:v25+s10+$0x0], $0xffff  }
0x47: {  	v32 =	vadd.s32 s23, v6;
	v33 =	vadd.s32 s23, v8;
	v30 =	vor.u32 v9, v30;
	v25 =	vld.idx.msk [tilespmem:v25+s12+$0x0], $0xffff  }
0x48: {  	v34 =	vadd.s32 s23, v2;
	v35 =	vadd.s32 s23, v4;
	v33 =	vand.u32 $0x7F, v33;
	v36 =	vld.idx.msk [tilespmem:v24+s10+$0x0], $0xffff  }
0x49: {  	v35 =	vand.u32 $0x7F, v35;
	v32 =	vand.u32 $0x7F, v32;
	v33 =	vor.u32 v9, v33;
	v24 =	vld.idx.msk [tilespmem:v24+s12+$0x0], $0xffff  }
0x4a: {  	v15 =	vadd.f32 v16, v15;
	v34 =	vand.u32 $0x7F, v34;
	v18 =	vadd.f32 v20, v18;
	v37 =	vld.idx.msk [tilespmem:v21+s10+$0x0], $0xffff  }
0x4b: {  	v20 =	vor.u32 v9, v32;
	v22 =	vadd.f32 v23, v22;
	v16 =	vadd.f32 v19, v26;
	v21 =	vld.idx.msk [tilespmem:v21+s12+$0x0], $0xffff  }
0x4c: {  	v15 =	vsub.f32 v15, v10;
	v11 =	vsub.f32 v18, v11;
	v23 =	vor.u32 v9, v35;
	v18 =	vld.idx.msk [tilespmem:v30+s10+$0x0], $0xffff  }
0x4d: {  	v19 =	vor.u32 v9, v34;
	v13 =	vsub.f32 v22, v13;
	v25 =	vadd.f32 v25, v31;
	v22 =	vld.idx.msk [tilespmem:v30+s12+$0x0], $0xffff  }
0x4e: {  	v26 =	vand.u32 $0x7FFFFFFF, v11;
	v16 =	vsub.f32 v16, v17;
	v31 =	vand.u32 $0x7FFFFFFF, v15;
	v10 =	vld.idx.msk [tilespmem:v33+s14+$0x0], $0xffff  }
0x4f: {  	v17 =	vsub.f32 v25, v29;
	v24 =	vadd.f32 v24, v36;
	v25 =	vand.u32 $0x7FFFFFFF, v13;
	v29 =	vld.idx.msk [tilespmem:v30+s14+$0x0], $0xffff  }
0x50: {  	v32 =	vadd.s32 s23, v5;
	v13 =	vand.u32 $0x7FFFFFFF, v16;
	v30 =	vadd.s32 s23, v3;
	v11 =	vld.idx.msk [tilespmem:v20+s14+$0x0], $0xffff  }
0x51: {  	v17 =	vand.u32 $0x7FFFFFFF, v17;
	v24 =	vsub.f32 v24, v28;
	v21 =	vadd.f32 v21, v37;
	v15 =	vld.idx.msk [tilespmem:v33+s10+$0x0], $0xffff  }
0x52: {  	v14 =	vadd.f32 v13, v14;
	v28 =	vadd.s32 s23, v0;
	v12 =	vadd.f32 v17, v12;
	v16 =	vld.idx.msk [tilespmem:v33+s12+$0x0], $0xffff  }
0x53: {  	v17 =	vand.u32 $0x7FFFFFFF, v24;
	v21 =	vsub.f32 v21, v27;
	v22 =	vadd.f32 v22, v18;
	v13 =	vld.idx.msk [tilespmem:v23+s14+$0x0], $0xffff  }
.Ltmp0:
0x54: {  	v14 =	vadd.f32 v25, v14;
	v24 =	vand.u32 $0x7F, v32;
	v12 =	vadd.f32 v17, v12;
	v18 =	vld.idx.msk [tilespmem:v20+s10+$0x0], $0xffff;
	(pc) =	sbr.rel @p0 .LBB2_3-.Ltmp0, $4  }
0x55: {  	v25 =	vand.u32 $0x7F, v30;
	v27 =	vand.u32 $0x7FFFFFFF, v21;
	v29 =	vsub.f32 v22, v29;
	v20 =	vld.idx.msk [tilespmem:v20+s12+$0x0], $0xffff  }
0x56: {  	v14 =	vadd.f32 v26, v14;
	v21 =	vor.u32 v9, v24;
	v12 =	vadd.f32 v27, v12;
	v17 =	vld.idx.msk [tilespmem:v19+s14+$0x0], $0xffff  }
0x57: {  	v26 =	vand.u32 $0x7F, v28;
	v24 =	vor.u32 v9, v25;
	v27 =	vand.u32 $0x7FFFFFFF, v29;
	v22 =	vld.idx.msk [tilespmem:v23+s10+$0x0], $0xffff  }
0x58: {  	s23 =	sadd.s32 $0x8, s23;
	v25 =	vor.u32 v9, v26;
	v14 =	vadd.f32 v31, v14;
	v12 =	vadd.f32 v27, v12;
	v23 =	vld.idx.msk [tilespmem:v23+s12+$0x0], $0xffff  }
0x59: {  	_ =	sdelay $0x3  }
0x5a: {  	v26 =	vld.idx.msk [tilespmem:v19+s10+$0x0], $0xffff  }
0x5b: {  	v45 =	vld.idx.msk [tilespmem:v19+s12+$0x0], $0xffff  }
0x5c: {  	v31 =	vld.idx.msk [tilespmem:v25+s10+$0x0], $0xffff  }
0x5d: {  	v46 =	vld.idx.msk [tilespmem:v25+s12+$0x0], $0xffff  }
0x5e: {  	v30 =	vadd.s32 s21, v7;
	v47 =	vld.idx.msk [tilespmem:v24+s10+$0x0], $0xffff  }
0x5f: {  	v48 =	vld.idx.msk [tilespmem:v24+s12+$0x0], $0xffff;
	v30 =	vand.u32 $0x7F, v30  }
0x60: {  	v32 =	vld.idx.msk [tilespmem:v21+s10+$0x0], $0xffff;
	v9 =	vor.u32 v9, v30  }
0x61: {  	v15 =	vadd.f32 v16, v15;
	v50 =	vld.idx.msk [tilespmem:v21+s12+$0x0], $0xffff  }
0x62: {  	v29 =	vld.idx.msk [tilespmem:v25+s14+$0x0], $0xffff;
	v18 =	vadd.f32 v20, v18  }
0x63: {  	v28 =	vld.idx.msk [tilespmem:v24+s14+$0x0], $0xffff;
	v10 =	vsub.f32 v15, v10  }
0x64: {  	v27 =	vld.idx.msk [tilespmem:v21+s14+$0x0], $0xffff;
	v11 =	vsub.f32 v18, v11;
	v51 =	vadd.f32 v23, v22  }
0x65: {  	v49 =	vadd.f32 v45, v26;
	v53 =	vadd.f32 v46, v31;
	v52 =	vld.idx.msk [tilespmem:v9+s10+$0x0], $0xffff  }
0x66: {  	v56 =	vadd.f32 v48, v47;
	v19 =	vadd.f32 v50, v32;
	v54 =	vld.idx.msk [tilespmem:v9+s12+$0x0], $0xffff  }
0x67: {  	v16 =	vsub.f32 v49, v17;
	v55 =	vsub.f32 v53, v29  }
0x68: {  	v13 =	vsub.f32 v51, v13;
	v9 =	vld.idx.msk [tilespmem:v9+s14+$0x0], $0xffff;
	v59 =	vsub.f32 v56, v28  }
0x69: {  	v61 =	vsub.f32 v19, v27;
	v57 =	vand.u32 $0x7FFFFFFF, v16;
	v58 =	vand.u32 $0x7FFFFFFF, v55  }
0x6a: {  	v12 =	vadd.f32 v58, v12;
	v14 =	vadd.f32 v57, v14  }
0x6b: {  	v13 =	vand.u32 $0x7FFFFFFF, v13;
	v60 =	vand.u32 $0x7FFFFFFF, v59;
	v62 =	vadd.f32 v54, v52  }
0x6c: {  	v12 =	vadd.f32 v60, v12;
	v13 =	vadd.f32 v13, v14  }
0x6d: {  	v11 =	vand.u32 $0x7FFFFFFF, v11;
	v63 =	vand.u32 $0x7FFFFFFF, v61;
	v9 =	vsub.f32 v62, v9  }
0x6e: {  	v12 =	vadd.f32 v63, v12;
	v11 =	vadd.f32 v11, v13  }
0x6f: {  	v10 =	vand.u32 $0x7FFFFFFF, v10;
	v9 =	vand.u32 $0x7FFFFFFF, v9  }
0x70: {  	s17 =	sadd.s32 $0x1, s17;
	v10 =	vadd.f32 v10, v11;
	v9 =	vadd.f32 v9, v12  }
0x71: {  	p0 =	sne.s32 s17, $0x4  }
.Ltmp1:
0x72: {  	v9 =	vadd.f32 v10, v9;
	(pc) =	sbr.rel @p0 .LBB2_2-.Ltmp1, $3  }
0x73: {  	_ = 	snop  }
0x74: {  	v9 =	vsub.f32 $1.200000000e+01, v9;
	_ =	sdelay $0x1  }
0x75: {  	[tilespmem:s19+$0x12C00] =	vst v9  }
0x76: {  	s17 =	simm.s32 $0x180  }
0x77: {  	[tilespmem:s10], [sflag:$0x1] =	stream.indirect.gather [hbm4b:s1+s9], $0x80, s17, s9, $0xb8;
	[tilespmem:$0x12E00] =	vst v63  }
0x78: {  	s23 =	simm.s32 $0x580  }
0x79: {  	[tilespmem:s12], [sflag:$0x1] =	stream.indirect.gather [hbm4b:s3+s9], $0x80, s23, s9, $0xb8;
	[tilespmem:$0x12E00] =	vst v63  }
0x7a: {  	s25 =	simm.s32 $0x980  }
0x7b: {  	[tilespmem:s14], [sflag:$0x1] =	stream.indirect.gather [hbm4b:s1+s9], $0x80, s25, s9, $0xb8;
	[tilespmem:$0x12E00] =	vst v63  }
0x7c: {  	_ =	swait.ge [sflag:s2], $0x2000  }
0x7d: {  	[sflag:s2] =	ssyncset.done $0x0  }
0x7e: {  	[sflag:s2] =	ssyncadd.s32 $0xFFFFE000  }
0x7f: {  	_ =	swait.ge [sflag:s2], $0x2000  }
0x80: {  	[sflag:s2] =	ssyncset.done $0x0  }
0x81: {  	[sflag:s2] =	ssyncadd.s32 $0xFFFFE000  }
0x82: {  	_ =	swait.ge [sflag:s2], $0x2000  }
0x83: {  	[sflag:s2] =	ssyncset.done $0x0  }
0x84: {  	s19 =	simm.s32 $0x0;
	s17 =	simm.s32 $0x0;
	[sflag:s2] =	ssyncadd.s32 $0xFFFFE000  }
.LBB2_6:
0x85: {  	s21 =	sshll.u32 s19, $0x4  }
0x86: {  	v9 =	vmov s21  }
0x87: {  	v10 =	vadd.s32 s17, v8;
	v9 =	vshll.u32 v9, $0x7  }
0x88: {  	v11 =	vadd.s32 s17, v6;
	v10 =	vand.u32 $0x7F, v10;
	v9 =	vor.u32 v1, v9  }
0x89: {  	v11 =	vand.u32 $0x7F, v11;
	v12 =	vor.u32 v9, v10  }
0x8a: {  	v14 =	vor.u32 v9, v11;
	_ =	sdelay $0x1  }
0x8b: {  	v10 =	vadd.s32 s17, v4  }
0x8c: {  	v10 =	vand.u32 $0x7F, v10  }
0x8d: {  	v11 =	vadd.s32 s17, v2;
	v23 =	vor.u32 v9, v10;
	v10 =	vld.idx.msk [tilespmem:v12+s20+$0x0], $0xffff  }
0x8e: {  	v13 =	vand.u32 $0x7F, v11;
	v11 =	vld.idx.msk [tilespmem:v14+s20+$0x0], $0xffff  }
0x8f: {  	v19 =	vor.u32 v9, v13;
	v15 =	vld.idx.msk [tilespmem:v12+s16+$0x0], $0xffff  }
0x90: {  	v16 =	vld.idx.msk [tilespmem:v12+s18+$0x0], $0xffff  }
0x91: {  	v18 =	vld.idx.msk [tilespmem:v14+s16+$0x0], $0xffff  }
0x92: {  	v17 =	vadd.s32 s17, v5;
	v20 =	vld.idx.msk [tilespmem:v14+s18+$0x0], $0xffff  }
0x93: {  	v21 =	vand.u32 $0x7F, v17;
	v14 =	vadd.s32 s17, v3;
	v13 =	vld.idx.msk [tilespmem:v23+s20+$0x0], $0xffff  }
0x94: {  	v22 =	vadd.s32 s17, v0;
	v21 =	vor.u32 v9, v21;
	v14 =	vand.u32 $0x7F, v14;
	v17 =	vld.idx.msk [tilespmem:v19+s20+$0x0], $0xffff  }
0x95: {  	v25 =	vand.u32 $0x7F, v22;
	v22 =	vld.idx.msk [tilespmem:v23+s16+$0x0], $0xffff;
	v24 =	vor.u32 v9, v14  }
0x96: {  	s25 =	simm.s32 $0x8;
	s23 =	simm.s32 $0x0;
	v25 =	vor.u32 v9, v25;
	v12 =	vimm.f32 $0.0e+00;
	v23 =	vld.idx.msk [tilespmem:v23+s18+$0x0], $0xffff;
	v14 =	vimm.f32 $0.0e+00  }
.LBB2_7:
0x97: {  	p0 =	sne.s32 s25, $0x78;
	v26 =	vld.idx.msk [tilespmem:v19+s16+$0x0], $0xffff  }
0x98: {  	v19 =	vld.idx.msk [tilespmem:v19+s18+$0x0], $0xffff  }
0x99: {  	v27 =	vld.idx.msk [tilespmem:v21+s20+$0x0], $0xffff  }
0x9a: {  	v28 =	vld.idx.msk [tilespmem:v24+s20+$0x0], $0xffff  }
0x9b: {  	v30 =	vadd.s32 s23, v7;
	s23 =	smov.u32 s25;
	v29 =	vld.idx.msk [tilespmem:v25+s20+$0x0], $0xffff  }
0x9c: {  	v30 =	vand.u32 $0x7F, v30;
	v31 =	vld.idx.msk [tilespmem:v25+s16+$0x0], $0xffff  }
0x9d: {  	v32 =	vadd.s32 s25, v6;
	v33 =	vadd.s32 s25, v8;
	v30 =	vor.u32 v9, v30;
	v25 =	vld.idx.msk [tilespmem:v25+s18+$0x0], $0xffff  }
0x9e: {  	v34 =	vadd.s32 s25, v2;
	v35 =	vadd.s32 s25, v4;
	v33 =	vand.u32 $0x7F, v33;
	v36 =	vld.idx.msk [tilespmem:v24+s16+$0x0], $0xffff  }
0x9f: {  	v35 =	vand.u32 $0x7F, v35;
	v32 =	vand.u32 $0x7F, v32;
	v33 =	vor.u32 v9, v33;
	v24 =	vld.idx.msk [tilespmem:v24+s18+$0x0], $0xffff  }
0xa0: {  	v15 =	vadd.f32 v16, v15;
	v34 =	vand.u32 $0x7F, v34;
	v18 =	vadd.f32 v20, v18;
	v37 =	vld.idx.msk [tilespmem:v21+s16+$0x0], $0xffff  }
0xa1: {  	v20 =	vor.u32 v9, v32;
	v22 =	vadd.f32 v23, v22;
	v16 =	vadd.f32 v19, v26;
	v21 =	vld.idx.msk [tilespmem:v21+s18+$0x0], $0xffff  }
0xa2: {  	v15 =	vsub.f32 v15, v10;
	v11 =	vsub.f32 v18, v11;
	v23 =	vor.u32 v9, v35;
	v18 =	vld.idx.msk [tilespmem:v30+s16+$0x0], $0xffff  }
0xa3: {  	v19 =	vor.u32 v9, v34;
	v13 =	vsub.f32 v22, v13;
	v25 =	vadd.f32 v25, v31;
	v22 =	vld.idx.msk [tilespmem:v30+s18+$0x0], $0xffff  }
0xa4: {  	v26 =	vand.u32 $0x7FFFFFFF, v11;
	v16 =	vsub.f32 v16, v17;
	v31 =	vand.u32 $0x7FFFFFFF, v15;
	v10 =	vld.idx.msk [tilespmem:v33+s20+$0x0], $0xffff  }
0xa5: {  	v17 =	vsub.f32 v25, v29;
	v24 =	vadd.f32 v24, v36;
	v25 =	vand.u32 $0x7FFFFFFF, v13;
	v29 =	vld.idx.msk [tilespmem:v30+s20+$0x0], $0xffff  }
0xa6: {  	v32 =	vadd.s32 s25, v5;
	v13 =	vand.u32 $0x7FFFFFFF, v16;
	v30 =	vadd.s32 s25, v3;
	v11 =	vld.idx.msk [tilespmem:v20+s20+$0x0], $0xffff  }
0xa7: {  	v17 =	vand.u32 $0x7FFFFFFF, v17;
	v24 =	vsub.f32 v24, v28;
	v21 =	vadd.f32 v21, v37;
	v15 =	vld.idx.msk [tilespmem:v33+s16+$0x0], $0xffff  }
0xa8: {  	v14 =	vadd.f32 v13, v14;
	v28 =	vadd.s32 s25, v0;
	v12 =	vadd.f32 v17, v12;
	v16 =	vld.idx.msk [tilespmem:v33+s18+$0x0], $0xffff  }
0xa9: {  	v17 =	vand.u32 $0x7FFFFFFF, v24;
	v21 =	vsub.f32 v21, v27;
	v22 =	vadd.f32 v22, v18;
	v13 =	vld.idx.msk [tilespmem:v23+s20+$0x0], $0xffff  }
.Ltmp2:
0xaa: {  	v14 =	vadd.f32 v25, v14;
	v24 =	vand.u32 $0x7F, v32;
	v12 =	vadd.f32 v17, v12;
	v18 =	vld.idx.msk [tilespmem:v20+s16+$0x0], $0xffff;
	(pc) =	sbr.rel @p0 .LBB2_7-.Ltmp2, $4  }
0xab: {  	v25 =	vand.u32 $0x7F, v30;
	v27 =	vand.u32 $0x7FFFFFFF, v21;
	v29 =	vsub.f32 v22, v29;
	v20 =	vld.idx.msk [tilespmem:v20+s18+$0x0], $0xffff  }
0xac: {  	v14 =	vadd.f32 v26, v14;
	v21 =	vor.u32 v9, v24;
	v12 =	vadd.f32 v27, v12;
	v17 =	vld.idx.msk [tilespmem:v19+s20+$0x0], $0xffff  }
0xad: {  	v26 =	vand.u32 $0x7F, v28;
	v24 =	vor.u32 v9, v25;
	v27 =	vand.u32 $0x7FFFFFFF, v29;
	v22 =	vld.idx.msk [tilespmem:v23+s16+$0x0], $0xffff  }
0xae: {  	s25 =	sadd.s32 $0x8, s25;
	v25 =	vor.u32 v9, v26;
	v14 =	vadd.f32 v31, v14;
	v12 =	vadd.f32 v27, v12;
	v23 =	vld.idx.msk [tilespmem:v23+s18+$0x0], $0xffff  }
0xaf: {  	_ =	sdelay $0x3  }
0xb0: {  	v26 =	vld.idx.msk [tilespmem:v19+s16+$0x0], $0xffff  }
0xb1: {  	v45 =	vld.idx.msk [tilespmem:v19+s18+$0x0], $0xffff  }
0xb2: {  	v31 =	vld.idx.msk [tilespmem:v25+s16+$0x0], $0xffff  }
0xb3: {  	v46 =	vld.idx.msk [tilespmem:v25+s18+$0x0], $0xffff  }
0xb4: {  	v30 =	vadd.s32 s23, v7;
	v47 =	vld.idx.msk [tilespmem:v24+s16+$0x0], $0xffff  }
0xb5: {  	v48 =	vld.idx.msk [tilespmem:v24+s18+$0x0], $0xffff;
	v30 =	vand.u32 $0x7F, v30  }
0xb6: {  	v32 =	vld.idx.msk [tilespmem:v21+s16+$0x0], $0xffff;
	v9 =	vor.u32 v9, v30  }
0xb7: {  	v15 =	vadd.f32 v16, v15;
	v50 =	vld.idx.msk [tilespmem:v21+s18+$0x0], $0xffff  }
0xb8: {  	v29 =	vld.idx.msk [tilespmem:v25+s20+$0x0], $0xffff;
	v18 =	vadd.f32 v20, v18  }
0xb9: {  	v28 =	vld.idx.msk [tilespmem:v24+s20+$0x0], $0xffff;
	v10 =	vsub.f32 v15, v10  }
0xba: {  	v27 =	vld.idx.msk [tilespmem:v21+s20+$0x0], $0xffff;
	v11 =	vsub.f32 v18, v11;
	v51 =	vadd.f32 v23, v22  }
0xbb: {  	v49 =	vadd.f32 v45, v26;
	v53 =	vadd.f32 v46, v31;
	v52 =	vld.idx.msk [tilespmem:v9+s16+$0x0], $0xffff  }
0xbc: {  	v56 =	vadd.f32 v48, v47;
	v19 =	vadd.f32 v50, v32;
	v54 =	vld.idx.msk [tilespmem:v9+s18+$0x0], $0xffff  }
0xbd: {  	v16 =	vsub.f32 v49, v17;
	v55 =	vsub.f32 v53, v29  }
0xbe: {  	v13 =	vsub.f32 v51, v13;
	v9 =	vld.idx.msk [tilespmem:v9+s20+$0x0], $0xffff;
	v59 =	vsub.f32 v56, v28  }
0xbf: {  	v61 =	vsub.f32 v19, v27;
	v57 =	vand.u32 $0x7FFFFFFF, v16;
	v58 =	vand.u32 $0x7FFFFFFF, v55  }
0xc0: {  	v12 =	vadd.f32 v58, v12;
	v14 =	vadd.f32 v57, v14  }
0xc1: {  	v13 =	vand.u32 $0x7FFFFFFF, v13;
	v60 =	vand.u32 $0x7FFFFFFF, v59;
	v62 =	vadd.f32 v54, v52  }
0xc2: {  	v12 =	vadd.f32 v60, v12;
	v13 =	vadd.f32 v13, v14  }
0xc3: {  	v11 =	vand.u32 $0x7FFFFFFF, v11;
	v63 =	vand.u32 $0x7FFFFFFF, v61;
	v9 =	vsub.f32 v62, v9  }
0xc4: {  	v12 =	vadd.f32 v63, v12;
	v11 =	vadd.f32 v11, v13  }
0xc5: {  	v10 =	vand.u32 $0x7FFFFFFF, v10;
	v9 =	vand.u32 $0x7FFFFFFF, v9  }
0xc6: {  	s19 =	sadd.s32 $0x1, s19;
	v10 =	vadd.f32 v10, v11;
	v9 =	vadd.f32 v9, v12  }
0xc7: {  	p0 =	sne.s32 s19, $0x4  }
.Ltmp3:
0xc8: {  	v9 =	vadd.f32 v10, v9;
	(pc) =	sbr.rel @p0 .LBB2_6-.Ltmp3, $3  }
0xc9: {  	_ = 	snop  }
0xca: {  	v9 =	vsub.f32 $1.200000000e+01, v9;
	_ =	sdelay $0x1  }
0xcb: {  	[tilespmem:s21+$0x12C40] =	vst v9  }
0xcc: {  	s17 =	simm.s32 $0x200  }
0xcd: {  	[tilespmem:s16], [sflag:$0x2] =	stream.indirect.gather [hbm4b:s1+s9], $0x80, s17, s9, $0xb8;
	[tilespmem:$0x12E00] =	vst v63  }
0xce: {  	s23 =	simm.s32 $0x600  }
0xcf: {  	[tilespmem:s18], [sflag:$0x2] =	stream.indirect.gather [hbm4b:s3+s9], $0x80, s23, s9, $0xb8;
	[tilespmem:$0x12E00] =	vst v63  }
0xd0: {  	s25 =	simm.s32 $0xA00  }
0xd1: {  	[tilespmem:s20], [sflag:$0x2] =	stream.indirect.gather [hbm4b:s1+s9], $0x80, s25, s9, $0xb8;
	[tilespmem:$0x12E00] =	vst v63  }
0xd2: {  	_ =	swait.ge [sflag:s15], $0x2000  }
0xd3: {  	[sflag:s15] =	ssyncset.done $0x0  }
0xd4: {  	[sflag:s15] =	ssyncadd.s32 $0xFFFFE000  }
0xd5: {  	_ =	swait.ge [sflag:s15], $0x2000  }
0xd6: {  	[sflag:s15] =	ssyncset.done $0x0  }
0xd7: {  	[sflag:s15] =	ssyncadd.s32 $0xFFFFE000  }
0xd8: {  	_ =	swait.ge [sflag:s15], $0x2000  }
0xd9: {  	[sflag:s15] =	ssyncset.done $0x0  }
0xda: {  	s19 =	simm.s32 $0x0;
	s17 =	simm.s32 $0x0;
	[sflag:s15] =	ssyncadd.s32 $0xFFFFE000  }
.LBB2_10:
0xdb: {  	s21 =	sshll.u32 s19, $0x4  }
0xdc: {  	v9 =	vmov s21  }
0xdd: {  	v10 =	vadd.s32 s17, v8;
	v9 =	vshll.u32 v9, $0x7  }
0xde: {  	v11 =	vadd.s32 s17, v6;
	v10 =	vand.u32 $0x7F, v10;
	v9 =	vor.u32 v1, v9  }
0xdf: {  	v11 =	vand.u32 $0x7F, v11;
	v12 =	vor.u32 v9, v10  }
0xe0: {  	v14 =	vor.u32 v9, v11;
	_ =	sdelay $0x1  }
0xe1: {  	v10 =	vadd.s32 s17, v4  }
0xe2: {  	v10 =	vand.u32 $0x7F, v10  }
0xe3: {  	v11 =	vadd.s32 s17, v2;
	v23 =	vor.u32 v9, v10;
	v10 =	vld.idx.msk [tilespmem:v12+s26+$0x0], $0xffff  }
0xe4: {  	v13 =	vand.u32 $0x7F, v11;
	v11 =	vld.idx.msk [tilespmem:v14+s26+$0x0], $0xffff  }
0xe5: {  	v19 =	vor.u32 v9, v13;
	v15 =	vld.idx.msk [tilespmem:v12+s22+$0x0], $0xffff  }
0xe6: {  	v16 =	vld.idx.msk [tilespmem:v12+s24+$0x0], $0xffff  }
0xe7: {  	v18 =	vld.idx.msk [tilespmem:v14+s22+$0x0], $0xffff  }
0xe8: {  	v17 =	vadd.s32 s17, v5;
	v20 =	vld.idx.msk [tilespmem:v14+s24+$0x0], $0xffff  }
0xe9: {  	v21 =	vand.u32 $0x7F, v17;
	v14 =	vadd.s32 s17, v3;
	v13 =	vld.idx.msk [tilespmem:v23+s26+$0x0], $0xffff  }
0xea: {  	v22 =	vadd.s32 s17, v0;
	v21 =	vor.u32 v9, v21;
	v14 =	vand.u32 $0x7F, v14;
	v17 =	vld.idx.msk [tilespmem:v19+s26+$0x0], $0xffff  }
0xeb: {  	v25 =	vand.u32 $0x7F, v22;
	v22 =	vld.idx.msk [tilespmem:v23+s22+$0x0], $0xffff;
	v24 =	vor.u32 v9, v14  }
0xec: {  	s25 =	simm.s32 $0x8;
	s23 =	simm.s32 $0x0;
	v25 =	vor.u32 v9, v25;
	v12 =	vimm.f32 $0.0e+00;
	v23 =	vld.idx.msk [tilespmem:v23+s24+$0x0], $0xffff;
	v14 =	vimm.f32 $0.0e+00  }
.LBB2_11:
0xed: {  	p0 =	sne.s32 s25, $0x78;
	v26 =	vld.idx.msk [tilespmem:v19+s22+$0x0], $0xffff  }
0xee: {  	v19 =	vld.idx.msk [tilespmem:v19+s24+$0x0], $0xffff  }
0xef: {  	v27 =	vld.idx.msk [tilespmem:v21+s26+$0x0], $0xffff  }
0xf0: {  	v28 =	vld.idx.msk [tilespmem:v24+s26+$0x0], $0xffff  }
0xf1: {  	v30 =	vadd.s32 s23, v7;
	s23 =	smov.u32 s25;
	v29 =	vld.idx.msk [tilespmem:v25+s26+$0x0], $0xffff  }
0xf2: {  	v30 =	vand.u32 $0x7F, v30;
	v31 =	vld.idx.msk [tilespmem:v25+s22+$0x0], $0xffff  }
0xf3: {  	v32 =	vadd.s32 s25, v6;
	v33 =	vadd.s32 s25, v8;
	v30 =	vor.u32 v9, v30;
	v25 =	vld.idx.msk [tilespmem:v25+s24+$0x0], $0xffff  }
0xf4: {  	v34 =	vadd.s32 s25, v2;
	v35 =	vadd.s32 s25, v4;
	v33 =	vand.u32 $0x7F, v33;
	v36 =	vld.idx.msk [tilespmem:v24+s22+$0x0], $0xffff  }
0xf5: {  	v35 =	vand.u32 $0x7F, v35;
	v32 =	vand.u32 $0x7F, v32;
	v33 =	vor.u32 v9, v33;
	v24 =	vld.idx.msk [tilespmem:v24+s24+$0x0], $0xffff  }
0xf6: {  	v15 =	vadd.f32 v16, v15;
	v34 =	vand.u32 $0x7F, v34;
	v18 =	vadd.f32 v20, v18;
	v37 =	vld.idx.msk [tilespmem:v21+s22+$0x0], $0xffff  }
0xf7: {  	v20 =	vor.u32 v9, v32;
	v22 =	vadd.f32 v23, v22;
	v16 =	vadd.f32 v19, v26;
	v21 =	vld.idx.msk [tilespmem:v21+s24+$0x0], $0xffff  }
0xf8: {  	v15 =	vsub.f32 v15, v10;
	v11 =	vsub.f32 v18, v11;
	v23 =	vor.u32 v9, v35;
	v18 =	vld.idx.msk [tilespmem:v30+s22+$0x0], $0xffff  }
0xf9: {  	v19 =	vor.u32 v9, v34;
	v13 =	vsub.f32 v22, v13;
	v25 =	vadd.f32 v25, v31;
	v22 =	vld.idx.msk [tilespmem:v30+s24+$0x0], $0xffff  }
0xfa: {  	v26 =	vand.u32 $0x7FFFFFFF, v11;
	v16 =	vsub.f32 v16, v17;
	v31 =	vand.u32 $0x7FFFFFFF, v15;
	v10 =	vld.idx.msk [tilespmem:v33+s26+$0x0], $0xffff  }
0xfb: {  	v17 =	vsub.f32 v25, v29;
	v24 =	vadd.f32 v24, v36;
	v25 =	vand.u32 $0x7FFFFFFF, v13;
	v29 =	vld.idx.msk [tilespmem:v30+s26+$0x0], $0xffff  }
0xfc: {  	v32 =	vadd.s32 s25, v5;
	v13 =	vand.u32 $0x7FFFFFFF, v16;
	v30 =	vadd.s32 s25, v3;
	v11 =	vld.idx.msk [tilespmem:v20+s26+$0x0], $0xffff  }
0xfd: {  	v17 =	vand.u32 $0x7FFFFFFF, v17;
	v24 =	vsub.f32 v24, v28;
	v21 =	vadd.f32 v21, v37;
	v15 =	vld.idx.msk [tilespmem:v33+s22+$0x0], $0xffff  }
0xfe: {  	v14 =	vadd.f32 v13, v14;
	v28 =	vadd.s32 s25, v0;
	v12 =	vadd.f32 v17, v12;
	v16 =	vld.idx.msk [tilespmem:v33+s24+$0x0], $0xffff  }
0xff: {  	v17 =	vand.u32 $0x7FFFFFFF, v24;
	v21 =	vsub.f32 v21, v27;
	v22 =	vadd.f32 v22, v18;
	v13 =	vld.idx.msk [tilespmem:v23+s26+$0x0], $0xffff  }
.Ltmp4:
0x100: {  	v14 =	vadd.f32 v25, v14;
	v24 =	vand.u32 $0x7F, v32;
	v12 =	vadd.f32 v17, v12;
	v18 =	vld.idx.msk [tilespmem:v20+s22+$0x0], $0xffff;
	(pc) =	sbr.rel @p0 .LBB2_11-.Ltmp4, $4  }
0x101: {  	v25 =	vand.u32 $0x7F, v30;
	v27 =	vand.u32 $0x7FFFFFFF, v21;
	v29 =	vsub.f32 v22, v29;
	v20 =	vld.idx.msk [tilespmem:v20+s24+$0x0], $0xffff  }
0x102: {  	v14 =	vadd.f32 v26, v14;
	v21 =	vor.u32 v9, v24;
	v12 =	vadd.f32 v27, v12;
	v17 =	vld.idx.msk [tilespmem:v19+s26+$0x0], $0xffff  }
0x103: {  	v26 =	vand.u32 $0x7F, v28;
	v24 =	vor.u32 v9, v25;
	v27 =	vand.u32 $0x7FFFFFFF, v29;
	v22 =	vld.idx.msk [tilespmem:v23+s22+$0x0], $0xffff  }
0x104: {  	s25 =	sadd.s32 $0x8, s25;
	v25 =	vor.u32 v9, v26;
	v14 =	vadd.f32 v31, v14;
	v12 =	vadd.f32 v27, v12;
	v23 =	vld.idx.msk [tilespmem:v23+s24+$0x0], $0xffff  }
0x105: {  	_ =	sdelay $0x3  }
0x106: {  	v26 =	vld.idx.msk [tilespmem:v19+s22+$0x0], $0xffff  }
0x107: {  	v45 =	vld.idx.msk [tilespmem:v19+s24+$0x0], $0xffff  }
0x108: {  	v31 =	vld.idx.msk [tilespmem:v25+s22+$0x0], $0xffff  }
0x109: {  	v46 =	vld.idx.msk [tilespmem:v25+s24+$0x0], $0xffff  }
0x10a: {  	v30 =	vadd.s32 s23, v7;
	v47 =	vld.idx.msk [tilespmem:v24+s22+$0x0], $0xffff  }
0x10b: {  	v48 =	vld.idx.msk [tilespmem:v24+s24+$0x0], $0xffff;
	v30 =	vand.u32 $0x7F, v30  }
0x10c: {  	v32 =	vld.idx.msk [tilespmem:v21+s22+$0x0], $0xffff;
	v9 =	vor.u32 v9, v30  }
0x10d: {  	v15 =	vadd.f32 v16, v15;
	v50 =	vld.idx.msk [tilespmem:v21+s24+$0x0], $0xffff  }
0x10e: {  	v29 =	vld.idx.msk [tilespmem:v25+s26+$0x0], $0xffff;
	v18 =	vadd.f32 v20, v18  }
0x10f: {  	v28 =	vld.idx.msk [tilespmem:v24+s26+$0x0], $0xffff;
	v10 =	vsub.f32 v15, v10  }
0x110: {  	v27 =	vld.idx.msk [tilespmem:v21+s26+$0x0], $0xffff;
	v11 =	vsub.f32 v18, v11;
	v51 =	vadd.f32 v23, v22  }
0x111: {  	v49 =	vadd.f32 v45, v26;
	v53 =	vadd.f32 v46, v31;
	v52 =	vld.idx.msk [tilespmem:v9+s22+$0x0], $0xffff  }
0x112: {  	v56 =	vadd.f32 v48, v47;
	v19 =	vadd.f32 v50, v32;
	v54 =	vld.idx.msk [tilespmem:v9+s24+$0x0], $0xffff  }
0x113: {  	v16 =	vsub.f32 v49, v17;
	v55 =	vsub.f32 v53, v29  }
0x114: {  	v13 =	vsub.f32 v51, v13;
	v9 =	vld.idx.msk [tilespmem:v9+s26+$0x0], $0xffff;
	v59 =	vsub.f32 v56, v28  }
0x115: {  	v61 =	vsub.f32 v19, v27;
	v57 =	vand.u32 $0x7FFFFFFF, v16;
	v58 =	vand.u32 $0x7FFFFFFF, v55  }
0x116: {  	v12 =	vadd.f32 v58, v12;
	v14 =	vadd.f32 v57, v14  }
0x117: {  	v13 =	vand.u32 $0x7FFFFFFF, v13;
	v60 =	vand.u32 $0x7FFFFFFF, v59;
	v62 =	vadd.f32 v54, v52  }
0x118: {  	v12 =	vadd.f32 v60, v12;
	v13 =	vadd.f32 v13, v14  }
0x119: {  	v11 =	vand.u32 $0x7FFFFFFF, v11;
	v63 =	vand.u32 $0x7FFFFFFF, v61;
	v9 =	vsub.f32 v62, v9  }
0x11a: {  	v12 =	vadd.f32 v63, v12;
	v11 =	vadd.f32 v11, v13  }
0x11b: {  	v10 =	vand.u32 $0x7FFFFFFF, v10;
	v9 =	vand.u32 $0x7FFFFFFF, v9  }
0x11c: {  	s19 =	sadd.s32 $0x1, s19;
	v10 =	vadd.f32 v10, v11;
	v9 =	vadd.f32 v9, v12  }
0x11d: {  	p0 =	sne.s32 s19, $0x4  }
.Ltmp5:
0x11e: {  	v9 =	vadd.f32 v10, v9;
	(pc) =	sbr.rel @p0 .LBB2_10-.Ltmp5, $3  }
0x11f: {  	_ = 	snop  }
0x120: {  	v9 =	vsub.f32 $1.200000000e+01, v9;
	_ =	sdelay $0x1  }
0x121: {  	[tilespmem:s21+$0x12C80] =	vst v9  }
0x122: {  	s17 =	simm.s32 $0x280  }
0x123: {  	[tilespmem:s22], [sflag:$0x3] =	stream.indirect.gather [hbm4b:s1+s9], $0x80, s17, s9, $0xb8;
	[tilespmem:$0x12E00] =	vst v63  }
0x124: {  	s23 =	simm.s32 $0x680  }
0x125: {  	[tilespmem:s24], [sflag:$0x3] =	stream.indirect.gather [hbm4b:s3+s9], $0x80, s23, s9, $0xb8;
	[tilespmem:$0x12E00] =	vst v63  }
0x126: {  	s25 =	simm.s32 $0xA80  }
0x127: {  	[tilespmem:s26], [sflag:$0x3] =	stream.indirect.gather [hbm4b:s1+s9], $0x80, s25, s9, $0xb8;
	[tilespmem:$0x12E00] =	vst v63  }
0x128: {  	_ =	swait.ge [sflag:s28], $0x2000  }
0x129: {  	[sflag:s28] =	ssyncset.done $0x0  }
0x12a: {  	[sflag:s28] =	ssyncadd.s32 $0xFFFFE000  }
0x12b: {  	_ =	swait.ge [sflag:s28], $0x2000  }
0x12c: {  	[sflag:s28] =	ssyncset.done $0x0  }
0x12d: {  	[sflag:s28] =	ssyncadd.s32 $0xFFFFE000  }
0x12e: {  	_ =	swait.ge [sflag:s28], $0x2000  }
0x12f: {  	[sflag:s28] =	ssyncset.done $0x0  }
0x130: {  	s19 =	simm.s32 $0x0;
	s17 =	simm.s32 $0x0;
	[sflag:s28] =	ssyncadd.s32 $0xFFFFE000  }
.LBB2_14:
0x131: {  	s21 =	sshll.u32 s19, $0x4  }
0x132: {  	v9 =	vmov s21  }
0x133: {  	v10 =	vadd.s32 s17, v8;
	v9 =	vshll.u32 v9, $0x7  }
0x134: {  	v11 =	vadd.s32 s17, v6;
	v10 =	vand.u32 $0x7F, v10;
	v9 =	vor.u32 v1, v9  }
0x135: {  	v11 =	vand.u32 $0x7F, v11;
	v12 =	vor.u32 v9, v10  }
0x136: {  	v14 =	vor.u32 v9, v11;
	_ =	sdelay $0x1  }
0x137: {  	v10 =	vadd.s32 s17, v4  }
0x138: {  	v10 =	vand.u32 $0x7F, v10  }
0x139: {  	v11 =	vadd.s32 s17, v2;
	v23 =	vor.u32 v9, v10;
	v10 =	vld.idx.msk [tilespmem:v12+s14+$0x0], $0xffff  }
0x13a: {  	v13 =	vand.u32 $0x7F, v11;
	v11 =	vld.idx.msk [tilespmem:v14+s14+$0x0], $0xffff  }
0x13b: {  	v19 =	vor.u32 v9, v13;
	v15 =	vld.idx.msk [tilespmem:v12+s10+$0x0], $0xffff  }
0x13c: {  	v16 =	vld.idx.msk [tilespmem:v12+s12+$0x0], $0xffff  }
0x13d: {  	v18 =	vld.idx.msk [tilespmem:v14+s10+$0x0], $0xffff  }
0x13e: {  	v17 =	vadd.s32 s17, v5;
	v20 =	vld.idx.msk [tilespmem:v14+s12+$0x0], $0xffff  }
0x13f: {  	v21 =	vand.u32 $0x7F, v17;
	v14 =	vadd.s32 s17, v3;
	v13 =	vld.idx.msk [tilespmem:v23+s14+$0x0], $0xffff  }
0x140: {  	v22 =	vadd.s32 s17, v0;
	v21 =	vor.u32 v9, v21;
	v14 =	vand.u32 $0x7F, v14;
	v17 =	vld.idx.msk [tilespmem:v19+s14+$0x0], $0xffff  }
0x141: {  	v25 =	vand.u32 $0x7F, v22;
	v22 =	vld.idx.msk [tilespmem:v23+s10+$0x0], $0xffff;
	v24 =	vor.u32 v9, v14  }
0x142: {  	s25 =	simm.s32 $0x8;
	s23 =	simm.s32 $0x0;
	v25 =	vor.u32 v9, v25;
	v12 =	vimm.f32 $0.0e+00;
	v23 =	vld.idx.msk [tilespmem:v23+s12+$0x0], $0xffff;
	v14 =	vimm.f32 $0.0e+00  }
.LBB2_15:
0x143: {  	p0 =	sne.s32 s25, $0x78;
	v26 =	vld.idx.msk [tilespmem:v19+s10+$0x0], $0xffff  }
0x144: {  	v19 =	vld.idx.msk [tilespmem:v19+s12+$0x0], $0xffff  }
0x145: {  	v27 =	vld.idx.msk [tilespmem:v21+s14+$0x0], $0xffff  }
0x146: {  	v28 =	vld.idx.msk [tilespmem:v24+s14+$0x0], $0xffff  }
0x147: {  	v30 =	vadd.s32 s23, v7;
	s23 =	smov.u32 s25;
	v29 =	vld.idx.msk [tilespmem:v25+s14+$0x0], $0xffff  }
0x148: {  	v30 =	vand.u32 $0x7F, v30;
	v31 =	vld.idx.msk [tilespmem:v25+s10+$0x0], $0xffff  }
0x149: {  	v32 =	vadd.s32 s25, v6;
	v33 =	vadd.s32 s25, v8;
	v30 =	vor.u32 v9, v30;
	v25 =	vld.idx.msk [tilespmem:v25+s12+$0x0], $0xffff  }
0x14a: {  	v34 =	vadd.s32 s25, v2;
	v35 =	vadd.s32 s25, v4;
	v33 =	vand.u32 $0x7F, v33;
	v36 =	vld.idx.msk [tilespmem:v24+s10+$0x0], $0xffff  }
0x14b: {  	v35 =	vand.u32 $0x7F, v35;
	v32 =	vand.u32 $0x7F, v32;
	v33 =	vor.u32 v9, v33;
	v24 =	vld.idx.msk [tilespmem:v24+s12+$0x0], $0xffff  }
0x14c: {  	v15 =	vadd.f32 v16, v15;
	v34 =	vand.u32 $0x7F, v34;
	v18 =	vadd.f32 v20, v18;
	v37 =	vld.idx.msk [tilespmem:v21+s10+$0x0], $0xffff  }
0x14d: {  	v20 =	vor.u32 v9, v32;
	v22 =	vadd.f32 v23, v22;
	v16 =	vadd.f32 v19, v26;
	v21 =	vld.idx.msk [tilespmem:v21+s12+$0x0], $0xffff  }
0x14e: {  	v15 =	vsub.f32 v15, v10;
	v11 =	vsub.f32 v18, v11;
	v23 =	vor.u32 v9, v35;
	v18 =	vld.idx.msk [tilespmem:v30+s10+$0x0], $0xffff  }
0x14f: {  	v19 =	vor.u32 v9, v34;
	v13 =	vsub.f32 v22, v13;
	v25 =	vadd.f32 v25, v31;
	v22 =	vld.idx.msk [tilespmem:v30+s12+$0x0], $0xffff  }
0x150: {  	v26 =	vand.u32 $0x7FFFFFFF, v11;
	v16 =	vsub.f32 v16, v17;
	v31 =	vand.u32 $0x7FFFFFFF, v15;
	v10 =	vld.idx.msk [tilespmem:v33+s14+$0x0], $0xffff  }
0x151: {  	v17 =	vsub.f32 v25, v29;
	v24 =	vadd.f32 v24, v36;
	v25 =	vand.u32 $0x7FFFFFFF, v13;
	v29 =	vld.idx.msk [tilespmem:v30+s14+$0x0], $0xffff  }
0x152: {  	v32 =	vadd.s32 s25, v5;
	v13 =	vand.u32 $0x7FFFFFFF, v16;
	v30 =	vadd.s32 s25, v3;
	v11 =	vld.idx.msk [tilespmem:v20+s14+$0x0], $0xffff  }
0x153: {  	v17 =	vand.u32 $0x7FFFFFFF, v17;
	v24 =	vsub.f32 v24, v28;
	v21 =	vadd.f32 v21, v37;
	v15 =	vld.idx.msk [tilespmem:v33+s10+$0x0], $0xffff  }
0x154: {  	v14 =	vadd.f32 v13, v14;
	v28 =	vadd.s32 s25, v0;
	v12 =	vadd.f32 v17, v12;
	v16 =	vld.idx.msk [tilespmem:v33+s12+$0x0], $0xffff  }
0x155: {  	v17 =	vand.u32 $0x7FFFFFFF, v24;
	v21 =	vsub.f32 v21, v27;
	v22 =	vadd.f32 v22, v18;
	v13 =	vld.idx.msk [tilespmem:v23+s14+$0x0], $0xffff  }
.Ltmp6:
0x156: {  	v14 =	vadd.f32 v25, v14;
	v24 =	vand.u32 $0x7F, v32;
	v12 =	vadd.f32 v17, v12;
	v18 =	vld.idx.msk [tilespmem:v20+s10+$0x0], $0xffff;
	(pc) =	sbr.rel @p0 .LBB2_15-.Ltmp6, $4  }
0x157: {  	v25 =	vand.u32 $0x7F, v30;
	v27 =	vand.u32 $0x7FFFFFFF, v21;
	v29 =	vsub.f32 v22, v29;
	v20 =	vld.idx.msk [tilespmem:v20+s12+$0x0], $0xffff  }
0x158: {  	v14 =	vadd.f32 v26, v14;
	v21 =	vor.u32 v9, v24;
	v12 =	vadd.f32 v27, v12;
	v17 =	vld.idx.msk [tilespmem:v19+s14+$0x0], $0xffff  }
0x159: {  	v26 =	vand.u32 $0x7F, v28;
	v24 =	vor.u32 v9, v25;
	v27 =	vand.u32 $0x7FFFFFFF, v29;
	v22 =	vld.idx.msk [tilespmem:v23+s10+$0x0], $0xffff  }
0x15a: {  	s25 =	sadd.s32 $0x8, s25;
	v25 =	vor.u32 v9, v26;
	v14 =	vadd.f32 v31, v14;
	v12 =	vadd.f32 v27, v12;
	v23 =	vld.idx.msk [tilespmem:v23+s12+$0x0], $0xffff  }
0x15b: {  	_ =	sdelay $0x3  }
0x15c: {  	v26 =	vld.idx.msk [tilespmem:v19+s10+$0x0], $0xffff  }
0x15d: {  	v45 =	vld.idx.msk [tilespmem:v19+s12+$0x0], $0xffff  }
0x15e: {  	v31 =	vld.idx.msk [tilespmem:v25+s10+$0x0], $0xffff  }
0x15f: {  	v46 =	vld.idx.msk [tilespmem:v25+s12+$0x0], $0xffff  }
0x160: {  	v30 =	vadd.s32 s23, v7;
	v47 =	vld.idx.msk [tilespmem:v24+s10+$0x0], $0xffff  }
0x161: {  	v48 =	vld.idx.msk [tilespmem:v24+s12+$0x0], $0xffff;
	v30 =	vand.u32 $0x7F, v30  }
0x162: {  	v32 =	vld.idx.msk [tilespmem:v21+s10+$0x0], $0xffff;
	v9 =	vor.u32 v9, v30  }
0x163: {  	v15 =	vadd.f32 v16, v15;
	v50 =	vld.idx.msk [tilespmem:v21+s12+$0x0], $0xffff  }
0x164: {  	v29 =	vld.idx.msk [tilespmem:v25+s14+$0x0], $0xffff;
	v18 =	vadd.f32 v20, v18  }
0x165: {  	v28 =	vld.idx.msk [tilespmem:v24+s14+$0x0], $0xffff;
	v10 =	vsub.f32 v15, v10  }
0x166: {  	v27 =	vld.idx.msk [tilespmem:v21+s14+$0x0], $0xffff;
	v11 =	vsub.f32 v18, v11;
	v51 =	vadd.f32 v23, v22  }
0x167: {  	v49 =	vadd.f32 v45, v26;
	v53 =	vadd.f32 v46, v31;
	v52 =	vld.idx.msk [tilespmem:v9+s10+$0x0], $0xffff  }
0x168: {  	v56 =	vadd.f32 v48, v47;
	v19 =	vadd.f32 v50, v32;
	v54 =	vld.idx.msk [tilespmem:v9+s12+$0x0], $0xffff  }
0x169: {  	v16 =	vsub.f32 v49, v17;
	v55 =	vsub.f32 v53, v29  }
0x16a: {  	v13 =	vsub.f32 v51, v13;
	v9 =	vld.idx.msk [tilespmem:v9+s14+$0x0], $0xffff;
	v59 =	vsub.f32 v56, v28  }
0x16b: {  	v61 =	vsub.f32 v19, v27;
	v57 =	vand.u32 $0x7FFFFFFF, v16;
	v58 =	vand.u32 $0x7FFFFFFF, v55  }
0x16c: {  	v12 =	vadd.f32 v58, v12;
	v14 =	vadd.f32 v57, v14  }
0x16d: {  	v13 =	vand.u32 $0x7FFFFFFF, v13;
	v60 =	vand.u32 $0x7FFFFFFF, v59;
	v62 =	vadd.f32 v54, v52  }
0x16e: {  	v12 =	vadd.f32 v60, v12;
	v13 =	vadd.f32 v13, v14  }
0x16f: {  	v11 =	vand.u32 $0x7FFFFFFF, v11;
	v63 =	vand.u32 $0x7FFFFFFF, v61;
	v9 =	vsub.f32 v62, v9  }
0x170: {  	v12 =	vadd.f32 v63, v12;
	v11 =	vadd.f32 v11, v13  }
0x171: {  	v10 =	vand.u32 $0x7FFFFFFF, v10;
	v9 =	vand.u32 $0x7FFFFFFF, v9  }
0x172: {  	s19 =	sadd.s32 $0x1, s19;
	v10 =	vadd.f32 v10, v11;
	v9 =	vadd.f32 v9, v12  }
0x173: {  	p0 =	sne.s32 s19, $0x4  }
.Ltmp7:
0x174: {  	v9 =	vadd.f32 v10, v9;
	(pc) =	sbr.rel @p0 .LBB2_14-.Ltmp7, $3  }
0x175: {  	_ = 	snop  }
0x176: {  	v9 =	vsub.f32 $1.200000000e+01, v9;
	_ =	sdelay $0x1  }
0x177: {  	[tilespmem:s21+$0x12CC0] =	vst v9  }
0x178: {  	s17 =	simm.s32 $0x300  }
0x179: {  	[tilespmem:s10], [sflag:$0x1] =	stream.indirect.gather [hbm4b:s1+s9], $0x80, s17, s9, $0xb8;
	[tilespmem:$0x12E00] =	vst v63  }
0x17a: {  	s25 =	simm.s32 $0x700  }
0x17b: {  	[tilespmem:s12], [sflag:$0x1] =	stream.indirect.gather [hbm4b:s3+s9], $0x80, s25, s9, $0xb8;
	[tilespmem:$0x12E00] =	vst v63  }
0x17c: {  	_ = 	snop  }
0x17d: {  	[tilespmem:s14], [sflag:$0x1] =	stream.indirect.gather [hbm4b:s1+s9], $0x80, s29, s9, $0xb8;
	[tilespmem:$0x12E00] =	vst v63  }
0x17e: {  	_ =	swait.ge [sflag:s2], $0x2000  }
0x17f: {  	[sflag:s2] =	ssyncset.done $0x0  }
0x180: {  	[sflag:s2] =	ssyncadd.s32 $0xFFFFE000  }
0x181: {  	_ =	swait.ge [sflag:s2], $0x2000  }
0x182: {  	[sflag:s2] =	ssyncset.done $0x0  }
0x183: {  	[sflag:s2] =	ssyncadd.s32 $0xFFFFE000  }
0x184: {  	_ =	swait.ge [sflag:s2], $0x2000  }
0x185: {  	[sflag:s2] =	ssyncset.done $0x0  }
0x186: {  	s19 =	simm.s32 $0x0;
	s17 =	simm.s32 $0x0;
	[sflag:s2] =	ssyncadd.s32 $0xFFFFE000  }
.LBB2_18:
0x187: {  	s21 =	sshll.u32 s19, $0x4  }
0x188: {  	v9 =	vmov s21  }
0x189: {  	v10 =	vadd.s32 s17, v8;
	v9 =	vshll.u32 v9, $0x7  }
0x18a: {  	v11 =	vadd.s32 s17, v6;
	v10 =	vand.u32 $0x7F, v10;
	v9 =	vor.u32 v1, v9  }
0x18b: {  	v11 =	vand.u32 $0x7F, v11;
	v12 =	vor.u32 v9, v10  }
0x18c: {  	v14 =	vor.u32 v9, v11;
	_ =	sdelay $0x1  }
0x18d: {  	v10 =	vadd.s32 s17, v4  }
0x18e: {  	v10 =	vand.u32 $0x7F, v10  }
0x18f: {  	v11 =	vadd.s32 s17, v2;
	v23 =	vor.u32 v9, v10;
	v10 =	vld.idx.msk [tilespmem:v12+s20+$0x0], $0xffff  }
0x190: {  	v13 =	vand.u32 $0x7F, v11;
	v11 =	vld.idx.msk [tilespmem:v14+s20+$0x0], $0xffff  }
0x191: {  	v19 =	vor.u32 v9, v13;
	v15 =	vld.idx.msk [tilespmem:v12+s16+$0x0], $0xffff  }
0x192: {  	v16 =	vld.idx.msk [tilespmem:v12+s18+$0x0], $0xffff  }
0x193: {  	v18 =	vld.idx.msk [tilespmem:v14+s16+$0x0], $0xffff  }
0x194: {  	v17 =	vadd.s32 s17, v5;
	v20 =	vld.idx.msk [tilespmem:v14+s18+$0x0], $0xffff  }
0x195: {  	v21 =	vand.u32 $0x7F, v17;
	v14 =	vadd.s32 s17, v3;
	v13 =	vld.idx.msk [tilespmem:v23+s20+$0x0], $0xffff  }
0x196: {  	v22 =	vadd.s32 s17, v0;
	v21 =	vor.u32 v9, v21;
	v14 =	vand.u32 $0x7F, v14;
	v17 =	vld.idx.msk [tilespmem:v19+s20+$0x0], $0xffff  }
0x197: {  	v25 =	vand.u32 $0x7F, v22;
	v22 =	vld.idx.msk [tilespmem:v23+s16+$0x0], $0xffff;
	v24 =	vor.u32 v9, v14  }
0x198: {  	s25 =	simm.s32 $0x8;
	s23 =	simm.s32 $0x0;
	v25 =	vor.u32 v9, v25;
	v12 =	vimm.f32 $0.0e+00;
	v23 =	vld.idx.msk [tilespmem:v23+s18+$0x0], $0xffff;
	v14 =	vimm.f32 $0.0e+00  }
.LBB2_19:
0x199: {  	p0 =	sne.s32 s25, $0x78;
	v26 =	vld.idx.msk [tilespmem:v19+s16+$0x0], $0xffff  }
0x19a: {  	v19 =	vld.idx.msk [tilespmem:v19+s18+$0x0], $0xffff  }
0x19b: {  	v27 =	vld.idx.msk [tilespmem:v21+s20+$0x0], $0xffff  }
0x19c: {  	v28 =	vld.idx.msk [tilespmem:v24+s20+$0x0], $0xffff  }
0x19d: {  	v30 =	vadd.s32 s23, v7;
	s23 =	smov.u32 s25;
	v29 =	vld.idx.msk [tilespmem:v25+s20+$0x0], $0xffff  }
0x19e: {  	v30 =	vand.u32 $0x7F, v30;
	v31 =	vld.idx.msk [tilespmem:v25+s16+$0x0], $0xffff  }
0x19f: {  	v32 =	vadd.s32 s25, v6;
	v33 =	vadd.s32 s25, v8;
	v30 =	vor.u32 v9, v30;
	v25 =	vld.idx.msk [tilespmem:v25+s18+$0x0], $0xffff  }
0x1a0: {  	v34 =	vadd.s32 s25, v2;
	v35 =	vadd.s32 s25, v4;
	v33 =	vand.u32 $0x7F, v33;
	v36 =	vld.idx.msk [tilespmem:v24+s16+$0x0], $0xffff  }
0x1a1: {  	v35 =	vand.u32 $0x7F, v35;
	v32 =	vand.u32 $0x7F, v32;
	v33 =	vor.u32 v9, v33;
	v24 =	vld.idx.msk [tilespmem:v24+s18+$0x0], $0xffff  }
0x1a2: {  	v15 =	vadd.f32 v16, v15;
	v34 =	vand.u32 $0x7F, v34;
	v18 =	vadd.f32 v20, v18;
	v37 =	vld.idx.msk [tilespmem:v21+s16+$0x0], $0xffff  }
0x1a3: {  	v20 =	vor.u32 v9, v32;
	v22 =	vadd.f32 v23, v22;
	v16 =	vadd.f32 v19, v26;
	v21 =	vld.idx.msk [tilespmem:v21+s18+$0x0], $0xffff  }
0x1a4: {  	v15 =	vsub.f32 v15, v10;
	v11 =	vsub.f32 v18, v11;
	v23 =	vor.u32 v9, v35;
	v18 =	vld.idx.msk [tilespmem:v30+s16+$0x0], $0xffff  }
0x1a5: {  	v19 =	vor.u32 v9, v34;
	v13 =	vsub.f32 v22, v13;
	v25 =	vadd.f32 v25, v31;
	v22 =	vld.idx.msk [tilespmem:v30+s18+$0x0], $0xffff  }
0x1a6: {  	v26 =	vand.u32 $0x7FFFFFFF, v11;
	v16 =	vsub.f32 v16, v17;
	v31 =	vand.u32 $0x7FFFFFFF, v15;
	v10 =	vld.idx.msk [tilespmem:v33+s20+$0x0], $0xffff  }
0x1a7: {  	v17 =	vsub.f32 v25, v29;
	v24 =	vadd.f32 v24, v36;
	v25 =	vand.u32 $0x7FFFFFFF, v13;
	v29 =	vld.idx.msk [tilespmem:v30+s20+$0x0], $0xffff  }
0x1a8: {  	v32 =	vadd.s32 s25, v5;
	v13 =	vand.u32 $0x7FFFFFFF, v16;
	v30 =	vadd.s32 s25, v3;
	v11 =	vld.idx.msk [tilespmem:v20+s20+$0x0], $0xffff  }
0x1a9: {  	v17 =	vand.u32 $0x7FFFFFFF, v17;
	v24 =	vsub.f32 v24, v28;
	v21 =	vadd.f32 v21, v37;
	v15 =	vld.idx.msk [tilespmem:v33+s16+$0x0], $0xffff  }
0x1aa: {  	v14 =	vadd.f32 v13, v14;
	v28 =	vadd.s32 s25, v0;
	v12 =	vadd.f32 v17, v12;
	v16 =	vld.idx.msk [tilespmem:v33+s18+$0x0], $0xffff  }
0x1ab: {  	v17 =	vand.u32 $0x7FFFFFFF, v24;
	v21 =	vsub.f32 v21, v27;
	v22 =	vadd.f32 v22, v18;
	v13 =	vld.idx.msk [tilespmem:v23+s20+$0x0], $0xffff  }
.Ltmp8:
0x1ac: {  	v14 =	vadd.f32 v25, v14;
	v24 =	vand.u32 $0x7F, v32;
	v12 =	vadd.f32 v17, v12;
	v18 =	vld.idx.msk [tilespmem:v20+s16+$0x0], $0xffff;
	(pc) =	sbr.rel @p0 .LBB2_19-.Ltmp8, $4  }
0x1ad: {  	v25 =	vand.u32 $0x7F, v30;
	v27 =	vand.u32 $0x7FFFFFFF, v21;
	v29 =	vsub.f32 v22, v29;
	v20 =	vld.idx.msk [tilespmem:v20+s18+$0x0], $0xffff  }
0x1ae: {  	v14 =	vadd.f32 v26, v14;
	v21 =	vor.u32 v9, v24;
	v12 =	vadd.f32 v27, v12;
	v17 =	vld.idx.msk [tilespmem:v19+s20+$0x0], $0xffff  }
0x1af: {  	v26 =	vand.u32 $0x7F, v28;
	v24 =	vor.u32 v9, v25;
	v27 =	vand.u32 $0x7FFFFFFF, v29;
	v22 =	vld.idx.msk [tilespmem:v23+s16+$0x0], $0xffff  }
0x1b0: {  	s25 =	sadd.s32 $0x8, s25;
	v25 =	vor.u32 v9, v26;
	v14 =	vadd.f32 v31, v14;
	v12 =	vadd.f32 v27, v12;
	v23 =	vld.idx.msk [tilespmem:v23+s18+$0x0], $0xffff  }
0x1b1: {  	_ =	sdelay $0x3  }
0x1b2: {  	v26 =	vld.idx.msk [tilespmem:v19+s16+$0x0], $0xffff  }
0x1b3: {  	v45 =	vld.idx.msk [tilespmem:v19+s18+$0x0], $0xffff  }
0x1b4: {  	v31 =	vld.idx.msk [tilespmem:v25+s16+$0x0], $0xffff  }
0x1b5: {  	v46 =	vld.idx.msk [tilespmem:v25+s18+$0x0], $0xffff  }
0x1b6: {  	v30 =	vadd.s32 s23, v7;
	v47 =	vld.idx.msk [tilespmem:v24+s16+$0x0], $0xffff  }
0x1b7: {  	v48 =	vld.idx.msk [tilespmem:v24+s18+$0x0], $0xffff;
	v30 =	vand.u32 $0x7F, v30  }
0x1b8: {  	v32 =	vld.idx.msk [tilespmem:v21+s16+$0x0], $0xffff;
	v9 =	vor.u32 v9, v30  }
0x1b9: {  	v15 =	vadd.f32 v16, v15;
	v50 =	vld.idx.msk [tilespmem:v21+s18+$0x0], $0xffff  }
0x1ba: {  	v29 =	vld.idx.msk [tilespmem:v25+s20+$0x0], $0xffff;
	v18 =	vadd.f32 v20, v18  }
0x1bb: {  	v28 =	vld.idx.msk [tilespmem:v24+s20+$0x0], $0xffff;
	v10 =	vsub.f32 v15, v10  }
0x1bc: {  	v27 =	vld.idx.msk [tilespmem:v21+s20+$0x0], $0xffff;
	v11 =	vsub.f32 v18, v11;
	v51 =	vadd.f32 v23, v22  }
0x1bd: {  	v49 =	vadd.f32 v45, v26;
	v53 =	vadd.f32 v46, v31;
	v52 =	vld.idx.msk [tilespmem:v9+s16+$0x0], $0xffff  }
0x1be: {  	v56 =	vadd.f32 v48, v47;
	v19 =	vadd.f32 v50, v32;
	v54 =	vld.idx.msk [tilespmem:v9+s18+$0x0], $0xffff  }
0x1bf: {  	v16 =	vsub.f32 v49, v17;
	v55 =	vsub.f32 v53, v29  }
0x1c0: {  	v13 =	vsub.f32 v51, v13;
	v9 =	vld.idx.msk [tilespmem:v9+s20+$0x0], $0xffff;
	v59 =	vsub.f32 v56, v28  }
0x1c1: {  	v61 =	vsub.f32 v19, v27;
	v57 =	vand.u32 $0x7FFFFFFF, v16;
	v58 =	vand.u32 $0x7FFFFFFF, v55  }
0x1c2: {  	v12 =	vadd.f32 v58, v12;
	v14 =	vadd.f32 v57, v14  }
0x1c3: {  	v13 =	vand.u32 $0x7FFFFFFF, v13;
	v60 =	vand.u32 $0x7FFFFFFF, v59;
	v62 =	vadd.f32 v54, v52  }
0x1c4: {  	v12 =	vadd.f32 v60, v12;
	v13 =	vadd.f32 v13, v14  }
0x1c5: {  	v11 =	vand.u32 $0x7FFFFFFF, v11;
	v63 =	vand.u32 $0x7FFFFFFF, v61;
	v9 =	vsub.f32 v62, v9  }
0x1c6: {  	v12 =	vadd.f32 v63, v12;
	v11 =	vadd.f32 v11, v13  }
0x1c7: {  	v10 =	vand.u32 $0x7FFFFFFF, v10;
	v9 =	vand.u32 $0x7FFFFFFF, v9  }
0x1c8: {  	s19 =	sadd.s32 $0x1, s19;
	v10 =	vadd.f32 v10, v11;
	v9 =	vadd.f32 v9, v12  }
0x1c9: {  	p0 =	sne.s32 s19, $0x4  }
.Ltmp9:
0x1ca: {  	v9 =	vadd.f32 v10, v9;
	(pc) =	sbr.rel @p0 .LBB2_18-.Ltmp9, $3  }
0x1cb: {  	_ = 	snop  }
0x1cc: {  	v9 =	vsub.f32 $1.200000000e+01, v9;
	_ =	sdelay $0x1  }
0x1cd: {  	[tilespmem:s21+$0x12D00] =	vst v9  }
0x1ce: {  	[tilespmem:s16], [sflag:$0x2] =	stream.indirect.gather [hbm4b:s1+s9], $0x80, s30, s9, $0xb8;
	[tilespmem:$0x12E00] =	vst v63  }
0x1cf: {  	_ = 	snop  }
0x1d0: {  	[tilespmem:s18], [sflag:$0x2] =	stream.indirect.gather [hbm4b:s3+s9], $0x80, s31, s9, $0xb8;
	[tilespmem:$0x12E00] =	vst v63  }
0x1d1: {  	_ = 	snop  }
0x1d2: {  	[tilespmem:s20], [sflag:$0x2] =	stream.indirect.gather [hbm4b:s1+s9], $0x80, s0, s9, $0xb8;
	[tilespmem:$0x12E00] =	vst v63  }
0x1d3: {  	_ =	swait.ge [sflag:s15], $0x2000  }
0x1d4: {  	[sflag:s15] =	ssyncset.done $0x0  }
0x1d5: {  	[sflag:s15] =	ssyncadd.s32 $0xFFFFE000  }
0x1d6: {  	_ =	swait.ge [sflag:s15], $0x2000  }
0x1d7: {  	[sflag:s15] =	ssyncset.done $0x0  }
0x1d8: {  	[sflag:s15] =	ssyncadd.s32 $0xFFFFE000  }
0x1d9: {  	_ =	swait.ge [sflag:s15], $0x2000  }
0x1da: {  	[sflag:s15] =	ssyncset.done $0x0  }
0x1db: {  	s17 =	simm.s32 $0x0;
	s19 =	simm.s32 $0x0;
	[sflag:s15] =	ssyncadd.s32 $0xFFFFE000  }
.LBB2_22:
0x1dc: {  	s21 =	sshll.u32 s19, $0x4  }
0x1dd: {  	v9 =	vmov s21  }
0x1de: {  	v10 =	vadd.s32 s17, v8;
	v9 =	vshll.u32 v9, $0x7  }
0x1df: {  	v11 =	vadd.s32 s17, v6;
	v10 =	vand.u32 $0x7F, v10;
	v9 =	vor.u32 v1, v9  }
0x1e0: {  	v11 =	vand.u32 $0x7F, v11;
	v12 =	vor.u32 v9, v10  }
0x1e1: {  	v14 =	vor.u32 v9, v11;
	_ =	sdelay $0x1  }
0x1e2: {  	v10 =	vadd.s32 s17, v4  }
0x1e3: {  	v10 =	vand.u32 $0x7F, v10  }
0x1e4: {  	v11 =	vadd.s32 s17, v2;
	v23 =	vor.u32 v9, v10;
	v10 =	vld.idx.msk [tilespmem:v12+s26+$0x0], $0xffff  }
0x1e5: {  	v13 =	vand.u32 $0x7F, v11;
	v11 =	vld.idx.msk [tilespmem:v14+s26+$0x0], $0xffff  }
0x1e6: {  	v19 =	vor.u32 v9, v13;
	v15 =	vld.idx.msk [tilespmem:v12+s22+$0x0], $0xffff  }
0x1e7: {  	v16 =	vld.idx.msk [tilespmem:v12+s24+$0x0], $0xffff  }
0x1e8: {  	v18 =	vld.idx.msk [tilespmem:v14+s22+$0x0], $0xffff  }
0x1e9: {  	v17 =	vadd.s32 s17, v5;
	v20 =	vld.idx.msk [tilespmem:v14+s24+$0x0], $0xffff  }
0x1ea: {  	v21 =	vand.u32 $0x7F, v17;
	v14 =	vadd.s32 s17, v3;
	v13 =	vld.idx.msk [tilespmem:v23+s26+$0x0], $0xffff  }
0x1eb: {  	v22 =	vadd.s32 s17, v0;
	v21 =	vor.u32 v9, v21;
	v14 =	vand.u32 $0x7F, v14;
	v17 =	vld.idx.msk [tilespmem:v19+s26+$0x0], $0xffff  }
0x1ec: {  	v25 =	vand.u32 $0x7F, v22;
	v22 =	vld.idx.msk [tilespmem:v23+s22+$0x0], $0xffff;
	v24 =	vor.u32 v9, v14  }
0x1ed: {  	s25 =	simm.s32 $0x8;
	s23 =	simm.s32 $0x0;
	v25 =	vor.u32 v9, v25;
	v12 =	vimm.f32 $0.0e+00;
	v23 =	vld.idx.msk [tilespmem:v23+s24+$0x0], $0xffff;
	v14 =	vimm.f32 $0.0e+00  }
.LBB2_23:
0x1ee: {  	p0 =	sne.s32 s25, $0x78;
	v26 =	vld.idx.msk [tilespmem:v19+s22+$0x0], $0xffff  }
0x1ef: {  	v19 =	vld.idx.msk [tilespmem:v19+s24+$0x0], $0xffff  }
0x1f0: {  	v27 =	vld.idx.msk [tilespmem:v21+s26+$0x0], $0xffff  }
0x1f1: {  	v28 =	vld.idx.msk [tilespmem:v24+s26+$0x0], $0xffff  }
0x1f2: {  	v30 =	vadd.s32 s23, v7;
	s23 =	smov.u32 s25;
	v29 =	vld.idx.msk [tilespmem:v25+s26+$0x0], $0xffff  }
0x1f3: {  	v30 =	vand.u32 $0x7F, v30;
	v31 =	vld.idx.msk [tilespmem:v25+s22+$0x0], $0xffff  }
0x1f4: {  	v32 =	vadd.s32 s25, v6;
	v33 =	vadd.s32 s25, v8;
	v30 =	vor.u32 v9, v30;
	v25 =	vld.idx.msk [tilespmem:v25+s24+$0x0], $0xffff  }
0x1f5: {  	v34 =	vadd.s32 s25, v2;
	v35 =	vadd.s32 s25, v4;
	v33 =	vand.u32 $0x7F, v33;
	v36 =	vld.idx.msk [tilespmem:v24+s22+$0x0], $0xffff  }
0x1f6: {  	v35 =	vand.u32 $0x7F, v35;
	v32 =	vand.u32 $0x7F, v32;
	v33 =	vor.u32 v9, v33;
	v24 =	vld.idx.msk [tilespmem:v24+s24+$0x0], $0xffff  }
0x1f7: {  	v15 =	vadd.f32 v16, v15;
	v34 =	vand.u32 $0x7F, v34;
	v18 =	vadd.f32 v20, v18;
	v37 =	vld.idx.msk [tilespmem:v21+s22+$0x0], $0xffff  }
0x1f8: {  	v20 =	vor.u32 v9, v32;
	v22 =	vadd.f32 v23, v22;
	v16 =	vadd.f32 v19, v26;
	v21 =	vld.idx.msk [tilespmem:v21+s24+$0x0], $0xffff  }
0x1f9: {  	v15 =	vsub.f32 v15, v10;
	v11 =	vsub.f32 v18, v11;
	v23 =	vor.u32 v9, v35;
	v18 =	vld.idx.msk [tilespmem:v30+s22+$0x0], $0xffff  }
0x1fa: {  	v19 =	vor.u32 v9, v34;
	v13 =	vsub.f32 v22, v13;
	v25 =	vadd.f32 v25, v31;
	v22 =	vld.idx.msk [tilespmem:v30+s24+$0x0], $0xffff  }
0x1fb: {  	v26 =	vand.u32 $0x7FFFFFFF, v11;
	v16 =	vsub.f32 v16, v17;
	v31 =	vand.u32 $0x7FFFFFFF, v15;
	v10 =	vld.idx.msk [tilespmem:v33+s26+$0x0], $0xffff  }
0x1fc: {  	v17 =	vsub.f32 v25, v29;
	v24 =	vadd.f32 v24, v36;
	v25 =	vand.u32 $0x7FFFFFFF, v13;
	v29 =	vld.idx.msk [tilespmem:v30+s26+$0x0], $0xffff  }
0x1fd: {  	v32 =	vadd.s32 s25, v5;
	v13 =	vand.u32 $0x7FFFFFFF, v16;
	v30 =	vadd.s32 s25, v3;
	v11 =	vld.idx.msk [tilespmem:v20+s26+$0x0], $0xffff  }
0x1fe: {  	v17 =	vand.u32 $0x7FFFFFFF, v17;
	v24 =	vsub.f32 v24, v28;
	v21 =	vadd.f32 v21, v37;
	v15 =	vld.idx.msk [tilespmem:v33+s22+$0x0], $0xffff  }
0x1ff: {  	v14 =	vadd.f32 v13, v14;
	v28 =	vadd.s32 s25, v0;
	v12 =	vadd.f32 v17, v12;
	v16 =	vld.idx.msk [tilespmem:v33+s24+$0x0], $0xffff  }
0x200: {  	v17 =	vand.u32 $0x7FFFFFFF, v24;
	v21 =	vsub.f32 v21, v27;
	v22 =	vadd.f32 v22, v18;
	v13 =	vld.idx.msk [tilespmem:v23+s26+$0x0], $0xffff  }
.Ltmp10:
0x201: {  	v14 =	vadd.f32 v25, v14;
	v24 =	vand.u32 $0x7F, v32;
	v12 =	vadd.f32 v17, v12;
	v18 =	vld.idx.msk [tilespmem:v20+s22+$0x0], $0xffff;
	(pc) =	sbr.rel @p0 .LBB2_23-.Ltmp10, $4  }
0x202: {  	v25 =	vand.u32 $0x7F, v30;
	v27 =	vand.u32 $0x7FFFFFFF, v21;
	v29 =	vsub.f32 v22, v29;
	v20 =	vld.idx.msk [tilespmem:v20+s24+$0x0], $0xffff  }
0x203: {  	v14 =	vadd.f32 v26, v14;
	v21 =	vor.u32 v9, v24;
	v12 =	vadd.f32 v27, v12;
	v17 =	vld.idx.msk [tilespmem:v19+s26+$0x0], $0xffff  }
0x204: {  	v26 =	vand.u32 $0x7F, v28;
	v24 =	vor.u32 v9, v25;
	v27 =	vand.u32 $0x7FFFFFFF, v29;
	v22 =	vld.idx.msk [tilespmem:v23+s22+$0x0], $0xffff  }
0x205: {  	s25 =	sadd.s32 $0x8, s25;
	v25 =	vor.u32 v9, v26;
	v14 =	vadd.f32 v31, v14;
	v12 =	vadd.f32 v27, v12;
	v23 =	vld.idx.msk [tilespmem:v23+s24+$0x0], $0xffff  }
0x206: {  	_ =	sdelay $0x3  }
0x207: {  	v26 =	vld.idx.msk [tilespmem:v19+s22+$0x0], $0xffff  }
0x208: {  	v45 =	vld.idx.msk [tilespmem:v19+s24+$0x0], $0xffff  }
0x209: {  	v31 =	vld.idx.msk [tilespmem:v25+s22+$0x0], $0xffff  }
0x20a: {  	v46 =	vld.idx.msk [tilespmem:v25+s24+$0x0], $0xffff  }
0x20b: {  	v30 =	vadd.s32 s23, v7;
	v47 =	vld.idx.msk [tilespmem:v24+s22+$0x0], $0xffff  }
0x20c: {  	v48 =	vld.idx.msk [tilespmem:v24+s24+$0x0], $0xffff;
	v30 =	vand.u32 $0x7F, v30  }
0x20d: {  	v32 =	vld.idx.msk [tilespmem:v21+s22+$0x0], $0xffff;
	v9 =	vor.u32 v9, v30  }
0x20e: {  	v15 =	vadd.f32 v16, v15;
	v50 =	vld.idx.msk [tilespmem:v21+s24+$0x0], $0xffff  }
0x20f: {  	v29 =	vld.idx.msk [tilespmem:v25+s26+$0x0], $0xffff;
	v18 =	vadd.f32 v20, v18  }
0x210: {  	v28 =	vld.idx.msk [tilespmem:v24+s26+$0x0], $0xffff;
	v10 =	vsub.f32 v15, v10  }
0x211: {  	v27 =	vld.idx.msk [tilespmem:v21+s26+$0x0], $0xffff;
	v11 =	vsub.f32 v18, v11;
	v51 =	vadd.f32 v23, v22  }
0x212: {  	v49 =	vadd.f32 v45, v26;
	v53 =	vadd.f32 v46, v31;
	v52 =	vld.idx.msk [tilespmem:v9+s22+$0x0], $0xffff  }
0x213: {  	v56 =	vadd.f32 v48, v47;
	v19 =	vadd.f32 v50, v32;
	v54 =	vld.idx.msk [tilespmem:v9+s24+$0x0], $0xffff  }
0x214: {  	v16 =	vsub.f32 v49, v17;
	v55 =	vsub.f32 v53, v29  }
0x215: {  	v13 =	vsub.f32 v51, v13;
	v9 =	vld.idx.msk [tilespmem:v9+s26+$0x0], $0xffff;
	v59 =	vsub.f32 v56, v28  }
0x216: {  	v61 =	vsub.f32 v19, v27;
	v57 =	vand.u32 $0x7FFFFFFF, v16;
	v58 =	vand.u32 $0x7FFFFFFF, v55  }
0x217: {  	v12 =	vadd.f32 v58, v12;
	v14 =	vadd.f32 v57, v14  }
0x218: {  	v13 =	vand.u32 $0x7FFFFFFF, v13;
	v60 =	vand.u32 $0x7FFFFFFF, v59;
	v62 =	vadd.f32 v54, v52  }
0x219: {  	v12 =	vadd.f32 v60, v12;
	v13 =	vadd.f32 v13, v14  }
0x21a: {  	v11 =	vand.u32 $0x7FFFFFFF, v11;
	v63 =	vand.u32 $0x7FFFFFFF, v61;
	v9 =	vsub.f32 v62, v9  }
0x21b: {  	v12 =	vadd.f32 v63, v12;
	v11 =	vadd.f32 v11, v13  }
0x21c: {  	v10 =	vand.u32 $0x7FFFFFFF, v10;
	v9 =	vand.u32 $0x7FFFFFFF, v9  }
0x21d: {  	s19 =	sadd.s32 $0x1, s19;
	v10 =	vadd.f32 v10, v11;
	v9 =	vadd.f32 v9, v12  }
0x21e: {  	p0 =	sne.s32 s19, $0x4  }
.Ltmp11:
0x21f: {  	v9 =	vadd.f32 v10, v9;
	(pc) =	sbr.rel @p0 .LBB2_22-.Ltmp11, $3  }
0x220: {  	_ = 	snop  }
0x221: {  	v9 =	vsub.f32 $1.200000000e+01, v9;
	_ =	sdelay $0x1  }
0x222: {  	[tilespmem:s21+$0x12D40] =	vst v9  }
0x223: {  	_ =	swait.ge [sflag:s28], $0x2000  }
0x224: {  	[sflag:s28] =	ssyncset.done $0x0  }
0x225: {  	[sflag:s28] =	ssyncadd.s32 $0xFFFFE000  }
0x226: {  	_ =	swait.ge [sflag:s28], $0x2000  }
0x227: {  	[sflag:s28] =	ssyncset.done $0x0  }
0x228: {  	[sflag:s28] =	ssyncadd.s32 $0xFFFFE000  }
0x229: {  	_ =	swait.ge [sflag:s28], $0x2000  }
0x22a: {  	[sflag:s28] =	ssyncset.done $0x0  }
0x22b: {  	s17 =	simm.s32 $0x0;
	s19 =	simm.s32 $0x0;
	[sflag:s28] =	ssyncadd.s32 $0xFFFFE000  }
.LBB2_26:
0x22c: {  	s21 =	sshll.u32 s19, $0x4  }
0x22d: {  	v9 =	vmov s21  }
0x22e: {  	v10 =	vadd.s32 s17, v8;
	v9 =	vshll.u32 v9, $0x7  }
0x22f: {  	v11 =	vadd.s32 s17, v6;
	v10 =	vand.u32 $0x7F, v10;
	v9 =	vor.u32 v1, v9  }
0x230: {  	v11 =	vand.u32 $0x7F, v11;
	v12 =	vor.u32 v9, v10  }
0x231: {  	v14 =	vor.u32 v9, v11;
	_ =	sdelay $0x1  }
0x232: {  	v10 =	vadd.s32 s17, v4  }
0x233: {  	v10 =	vand.u32 $0x7F, v10  }
0x234: {  	v11 =	vadd.s32 s17, v2;
	v23 =	vor.u32 v9, v10;
	v10 =	vld.idx.msk [tilespmem:v12+s14+$0x0], $0xffff  }
0x235: {  	v13 =	vand.u32 $0x7F, v11;
	v11 =	vld.idx.msk [tilespmem:v14+s14+$0x0], $0xffff  }
0x236: {  	v19 =	vor.u32 v9, v13;
	v15 =	vld.idx.msk [tilespmem:v12+s10+$0x0], $0xffff  }
0x237: {  	v16 =	vld.idx.msk [tilespmem:v12+s12+$0x0], $0xffff  }
0x238: {  	v18 =	vld.idx.msk [tilespmem:v14+s10+$0x0], $0xffff  }
0x239: {  	v17 =	vadd.s32 s17, v5;
	v20 =	vld.idx.msk [tilespmem:v14+s12+$0x0], $0xffff  }
0x23a: {  	v21 =	vand.u32 $0x7F, v17;
	v14 =	vadd.s32 s17, v3;
	v13 =	vld.idx.msk [tilespmem:v23+s14+$0x0], $0xffff  }
0x23b: {  	v22 =	vadd.s32 s17, v0;
	v21 =	vor.u32 v9, v21;
	v14 =	vand.u32 $0x7F, v14;
	v17 =	vld.idx.msk [tilespmem:v19+s14+$0x0], $0xffff  }
0x23c: {  	v25 =	vand.u32 $0x7F, v22;
	v22 =	vld.idx.msk [tilespmem:v23+s10+$0x0], $0xffff;
	v24 =	vor.u32 v9, v14  }
0x23d: {  	s25 =	simm.s32 $0x8;
	s23 =	simm.s32 $0x0;
	v25 =	vor.u32 v9, v25;
	v12 =	vimm.f32 $0.0e+00;
	v23 =	vld.idx.msk [tilespmem:v23+s12+$0x0], $0xffff;
	v14 =	vimm.f32 $0.0e+00  }
.LBB2_27:
0x23e: {  	p0 =	sne.s32 s25, $0x78;
	v26 =	vld.idx.msk [tilespmem:v19+s10+$0x0], $0xffff  }
0x23f: {  	v19 =	vld.idx.msk [tilespmem:v19+s12+$0x0], $0xffff  }
0x240: {  	v27 =	vld.idx.msk [tilespmem:v21+s14+$0x0], $0xffff  }
0x241: {  	v28 =	vld.idx.msk [tilespmem:v24+s14+$0x0], $0xffff  }
0x242: {  	v30 =	vadd.s32 s23, v7;
	s23 =	smov.u32 s25;
	v29 =	vld.idx.msk [tilespmem:v25+s14+$0x0], $0xffff  }
0x243: {  	v30 =	vand.u32 $0x7F, v30;
	v31 =	vld.idx.msk [tilespmem:v25+s10+$0x0], $0xffff  }
0x244: {  	v32 =	vadd.s32 s25, v6;
	v33 =	vadd.s32 s25, v8;
	v30 =	vor.u32 v9, v30;
	v25 =	vld.idx.msk [tilespmem:v25+s12+$0x0], $0xffff  }
0x245: {  	v34 =	vadd.s32 s25, v2;
	v35 =	vadd.s32 s25, v4;
	v33 =	vand.u32 $0x7F, v33;
	v36 =	vld.idx.msk [tilespmem:v24+s10+$0x0], $0xffff  }
0x246: {  	v35 =	vand.u32 $0x7F, v35;
	v32 =	vand.u32 $0x7F, v32;
	v33 =	vor.u32 v9, v33;
	v24 =	vld.idx.msk [tilespmem:v24+s12+$0x0], $0xffff  }
0x247: {  	v15 =	vadd.f32 v16, v15;
	v34 =	vand.u32 $0x7F, v34;
	v18 =	vadd.f32 v20, v18;
	v37 =	vld.idx.msk [tilespmem:v21+s10+$0x0], $0xffff  }
0x248: {  	v20 =	vor.u32 v9, v32;
	v22 =	vadd.f32 v23, v22;
	v16 =	vadd.f32 v19, v26;
	v21 =	vld.idx.msk [tilespmem:v21+s12+$0x0], $0xffff  }
0x249: {  	v15 =	vsub.f32 v15, v10;
	v11 =	vsub.f32 v18, v11;
	v23 =	vor.u32 v9, v35;
	v18 =	vld.idx.msk [tilespmem:v30+s10+$0x0], $0xffff  }
0x24a: {  	v19 =	vor.u32 v9, v34;
	v13 =	vsub.f32 v22, v13;
	v25 =	vadd.f32 v25, v31;
	v22 =	vld.idx.msk [tilespmem:v30+s12+$0x0], $0xffff  }
0x24b: {  	v26 =	vand.u32 $0x7FFFFFFF, v11;
	v16 =	vsub.f32 v16, v17;
	v31 =	vand.u32 $0x7FFFFFFF, v15;
	v10 =	vld.idx.msk [tilespmem:v33+s14+$0x0], $0xffff  }
0x24c: {  	v17 =	vsub.f32 v25, v29;
	v24 =	vadd.f32 v24, v36;
	v25 =	vand.u32 $0x7FFFFFFF, v13;
	v29 =	vld.idx.msk [tilespmem:v30+s14+$0x0], $0xffff  }
0x24d: {  	v32 =	vadd.s32 s25, v5;
	v13 =	vand.u32 $0x7FFFFFFF, v16;
	v30 =	vadd.s32 s25, v3;
	v11 =	vld.idx.msk [tilespmem:v20+s14+$0x0], $0xffff  }
0x24e: {  	v17 =	vand.u32 $0x7FFFFFFF, v17;
	v24 =	vsub.f32 v24, v28;
	v21 =	vadd.f32 v21, v37;
	v15 =	vld.idx.msk [tilespmem:v33+s10+$0x0], $0xffff  }
0x24f: {  	v14 =	vadd.f32 v13, v14;
	v28 =	vadd.s32 s25, v0;
	v12 =	vadd.f32 v17, v12;
	v16 =	vld.idx.msk [tilespmem:v33+s12+$0x0], $0xffff  }
0x250: {  	v17 =	vand.u32 $0x7FFFFFFF, v24;
	v21 =	vsub.f32 v21, v27;
	v22 =	vadd.f32 v22, v18;
	v13 =	vld.idx.msk [tilespmem:v23+s14+$0x0], $0xffff  }
.Ltmp12:
0x251: {  	v14 =	vadd.f32 v25, v14;
	v24 =	vand.u32 $0x7F, v32;
	v12 =	vadd.f32 v17, v12;
	v18 =	vld.idx.msk [tilespmem:v20+s10+$0x0], $0xffff;
	(pc) =	sbr.rel @p0 .LBB2_27-.Ltmp12, $4  }
0x252: {  	v25 =	vand.u32 $0x7F, v30;
	v27 =	vand.u32 $0x7FFFFFFF, v21;
	v29 =	vsub.f32 v22, v29;
	v20 =	vld.idx.msk [tilespmem:v20+s12+$0x0], $0xffff  }
0x253: {  	v14 =	vadd.f32 v26, v14;
	v21 =	vor.u32 v9, v24;
	v12 =	vadd.f32 v27, v12;
	v17 =	vld.idx.msk [tilespmem:v19+s14+$0x0], $0xffff  }
0x254: {  	v26 =	vand.u32 $0x7F, v28;
	v24 =	vor.u32 v9, v25;
	v27 =	vand.u32 $0x7FFFFFFF, v29;
	v22 =	vld.idx.msk [tilespmem:v23+s10+$0x0], $0xffff  }
0x255: {  	s25 =	sadd.s32 $0x8, s25;
	v25 =	vor.u32 v9, v26;
	v14 =	vadd.f32 v31, v14;
	v12 =	vadd.f32 v27, v12;
	v23 =	vld.idx.msk [tilespmem:v23+s12+$0x0], $0xffff  }
0x256: {  	_ =	sdelay $0x3  }
0x257: {  	v26 =	vld.idx.msk [tilespmem:v19+s10+$0x0], $0xffff  }
0x258: {  	v45 =	vld.idx.msk [tilespmem:v19+s12+$0x0], $0xffff  }
0x259: {  	v31 =	vld.idx.msk [tilespmem:v25+s10+$0x0], $0xffff  }
0x25a: {  	v46 =	vld.idx.msk [tilespmem:v25+s12+$0x0], $0xffff  }
0x25b: {  	v30 =	vadd.s32 s23, v7;
	v47 =	vld.idx.msk [tilespmem:v24+s10+$0x0], $0xffff  }
0x25c: {  	v48 =	vld.idx.msk [tilespmem:v24+s12+$0x0], $0xffff;
	v30 =	vand.u32 $0x7F, v30  }
0x25d: {  	v32 =	vld.idx.msk [tilespmem:v21+s10+$0x0], $0xffff;
	v9 =	vor.u32 v9, v30  }
0x25e: {  	v15 =	vadd.f32 v16, v15;
	v50 =	vld.idx.msk [tilespmem:v21+s12+$0x0], $0xffff  }
0x25f: {  	v29 =	vld.idx.msk [tilespmem:v25+s14+$0x0], $0xffff;
	v18 =	vadd.f32 v20, v18  }
0x260: {  	v28 =	vld.idx.msk [tilespmem:v24+s14+$0x0], $0xffff;
	v10 =	vsub.f32 v15, v10  }
0x261: {  	v27 =	vld.idx.msk [tilespmem:v21+s14+$0x0], $0xffff;
	v11 =	vsub.f32 v18, v11;
	v51 =	vadd.f32 v23, v22  }
0x262: {  	v49 =	vadd.f32 v45, v26;
	v53 =	vadd.f32 v46, v31;
	v52 =	vld.idx.msk [tilespmem:v9+s10+$0x0], $0xffff  }
0x263: {  	v56 =	vadd.f32 v48, v47;
	v19 =	vadd.f32 v50, v32;
	v54 =	vld.idx.msk [tilespmem:v9+s12+$0x0], $0xffff  }
0x264: {  	v16 =	vsub.f32 v49, v17;
	v55 =	vsub.f32 v53, v29  }
0x265: {  	v13 =	vsub.f32 v51, v13;
	v9 =	vld.idx.msk [tilespmem:v9+s14+$0x0], $0xffff;
	v59 =	vsub.f32 v56, v28  }
0x266: {  	v61 =	vsub.f32 v19, v27;
	v57 =	vand.u32 $0x7FFFFFFF, v16;
	v58 =	vand.u32 $0x7FFFFFFF, v55  }
0x267: {  	v12 =	vadd.f32 v58, v12;
	v14 =	vadd.f32 v57, v14  }
0x268: {  	v13 =	vand.u32 $0x7FFFFFFF, v13;
	v60 =	vand.u32 $0x7FFFFFFF, v59;
	v62 =	vadd.f32 v54, v52  }
0x269: {  	v12 =	vadd.f32 v60, v12;
	v13 =	vadd.f32 v13, v14  }
0x26a: {  	v11 =	vand.u32 $0x7FFFFFFF, v11;
	v63 =	vand.u32 $0x7FFFFFFF, v61;
	v9 =	vsub.f32 v62, v9  }
0x26b: {  	v12 =	vadd.f32 v63, v12;
	v11 =	vadd.f32 v11, v13  }
0x26c: {  	v10 =	vand.u32 $0x7FFFFFFF, v10;
	v9 =	vand.u32 $0x7FFFFFFF, v9  }
0x26d: {  	s19 =	sadd.s32 $0x1, s19;
	v10 =	vadd.f32 v10, v11;
	v9 =	vadd.f32 v9, v12  }
0x26e: {  	p0 =	sne.s32 s19, $0x4  }
.Ltmp13:
0x26f: {  	v9 =	vadd.f32 v10, v9;
	(pc) =	sbr.rel @p0 .LBB2_26-.Ltmp13, $3  }
0x270: {  	_ = 	snop  }
0x271: {  	v9 =	vsub.f32 $1.200000000e+01, v9;
	_ =	sdelay $0x1  }
0x272: {  	[tilespmem:s21+$0x12D80] =	vst v9  }
0x273: {  	_ =	swait.ge [sflag:s2], $0x2000  }
0x274: {  	[sflag:s2] =	ssyncset.done $0x0  }
0x275: {  	[sflag:s2] =	ssyncadd.s32 $0xFFFFE000  }
0x276: {  	_ =	swait.ge [sflag:s2], $0x2000  }
0x277: {  	[sflag:s2] =	ssyncset.done $0x0  }
0x278: {  	[sflag:s2] =	ssyncadd.s32 $0xFFFFE000  }
0x279: {  	_ =	swait.ge [sflag:s2], $0x2000  }
0x27a: {  	[sflag:s2] =	ssyncset.done $0x0  }
0x27b: {  	s17 =	simm.s32 $0x0;
	s19 =	simm.s32 $0x0;
	[sflag:s2] =	ssyncadd.s32 $0xFFFFE000  }
.LBB2_30:
0x27c: {  	s21 =	sshll.u32 s19, $0x4  }
0x27d: {  	v9 =	vmov s21  }
0x27e: {  	v10 =	vadd.s32 s17, v8;
	v9 =	vshll.u32 v9, $0x7  }
0x27f: {  	v11 =	vadd.s32 s17, v6;
	v10 =	vand.u32 $0x7F, v10;
	v9 =	vor.u32 v1, v9  }
0x280: {  	v11 =	vand.u32 $0x7F, v11;
	v12 =	vor.u32 v9, v10  }
0x281: {  	v14 =	vor.u32 v9, v11;
	_ =	sdelay $0x1  }
0x282: {  	v10 =	vadd.s32 s17, v4  }
0x283: {  	v10 =	vand.u32 $0x7F, v10  }
0x284: {  	v11 =	vadd.s32 s17, v2;
	v23 =	vor.u32 v9, v10;
	v10 =	vld.idx.msk [tilespmem:v12+s20+$0x0], $0xffff  }
0x285: {  	v13 =	vand.u32 $0x7F, v11;
	v11 =	vld.idx.msk [tilespmem:v14+s20+$0x0], $0xffff  }
0x286: {  	v19 =	vor.u32 v9, v13;
	v15 =	vld.idx.msk [tilespmem:v12+s16+$0x0], $0xffff  }
0x287: {  	v16 =	vld.idx.msk [tilespmem:v12+s18+$0x0], $0xffff  }
0x288: {  	v18 =	vld.idx.msk [tilespmem:v14+s16+$0x0], $0xffff  }
0x289: {  	v17 =	vadd.s32 s17, v5;
	v20 =	vld.idx.msk [tilespmem:v14+s18+$0x0], $0xffff  }
0x28a: {  	v21 =	vand.u32 $0x7F, v17;
	v14 =	vadd.s32 s17, v3;
	v13 =	vld.idx.msk [tilespmem:v23+s20+$0x0], $0xffff  }
0x28b: {  	v22 =	vadd.s32 s17, v0;
	v21 =	vor.u32 v9, v21;
	v14 =	vand.u32 $0x7F, v14;
	v17 =	vld.idx.msk [tilespmem:v19+s20+$0x0], $0xffff  }
0x28c: {  	v25 =	vand.u32 $0x7F, v22;
	v22 =	vld.idx.msk [tilespmem:v23+s16+$0x0], $0xffff;
	v24 =	vor.u32 v9, v14  }
0x28d: {  	s25 =	simm.s32 $0x8;
	s23 =	simm.s32 $0x0;
	v25 =	vor.u32 v9, v25;
	v12 =	vimm.f32 $0.0e+00;
	v23 =	vld.idx.msk [tilespmem:v23+s18+$0x0], $0xffff;
	v14 =	vimm.f32 $0.0e+00  }
.LBB2_31:
0x28e: {  	p0 =	sne.s32 s25, $0x78;
	v26 =	vld.idx.msk [tilespmem:v19+s16+$0x0], $0xffff  }
0x28f: {  	v19 =	vld.idx.msk [tilespmem:v19+s18+$0x0], $0xffff  }
0x290: {  	v27 =	vld.idx.msk [tilespmem:v21+s20+$0x0], $0xffff  }
0x291: {  	v28 =	vld.idx.msk [tilespmem:v24+s20+$0x0], $0xffff  }
0x292: {  	v30 =	vadd.s32 s23, v7;
	s23 =	smov.u32 s25;
	v29 =	vld.idx.msk [tilespmem:v25+s20+$0x0], $0xffff  }
0x293: {  	v30 =	vand.u32 $0x7F, v30;
	v31 =	vld.idx.msk [tilespmem:v25+s16+$0x0], $0xffff  }
0x294: {  	v32 =	vadd.s32 s25, v6;
	v33 =	vadd.s32 s25, v8;
	v30 =	vor.u32 v9, v30;
	v25 =	vld.idx.msk [tilespmem:v25+s18+$0x0], $0xffff  }
0x295: {  	v34 =	vadd.s32 s25, v2;
	v35 =	vadd.s32 s25, v4;
	v33 =	vand.u32 $0x7F, v33;
	v36 =	vld.idx.msk [tilespmem:v24+s16+$0x0], $0xffff  }
0x296: {  	v35 =	vand.u32 $0x7F, v35;
	v32 =	vand.u32 $0x7F, v32;
	v33 =	vor.u32 v9, v33;
	v24 =	vld.idx.msk [tilespmem:v24+s18+$0x0], $0xffff  }
0x297: {  	v15 =	vadd.f32 v16, v15;
	v34 =	vand.u32 $0x7F, v34;
	v18 =	vadd.f32 v20, v18;
	v37 =	vld.idx.msk [tilespmem:v21+s16+$0x0], $0xffff  }
0x298: {  	v20 =	vor.u32 v9, v32;
	v22 =	vadd.f32 v23, v22;
	v16 =	vadd.f32 v19, v26;
	v21 =	vld.idx.msk [tilespmem:v21+s18+$0x0], $0xffff  }
0x299: {  	v15 =	vsub.f32 v15, v10;
	v11 =	vsub.f32 v18, v11;
	v23 =	vor.u32 v9, v35;
	v18 =	vld.idx.msk [tilespmem:v30+s16+$0x0], $0xffff  }
0x29a: {  	v19 =	vor.u32 v9, v34;
	v13 =	vsub.f32 v22, v13;
	v25 =	vadd.f32 v25, v31;
	v22 =	vld.idx.msk [tilespmem:v30+s18+$0x0], $0xffff  }
0x29b: {  	v26 =	vand.u32 $0x7FFFFFFF, v11;
	v16 =	vsub.f32 v16, v17;
	v31 =	vand.u32 $0x7FFFFFFF, v15;
	v10 =	vld.idx.msk [tilespmem:v33+s20+$0x0], $0xffff  }
0x29c: {  	v17 =	vsub.f32 v25, v29;
	v24 =	vadd.f32 v24, v36;
	v25 =	vand.u32 $0x7FFFFFFF, v13;
	v29 =	vld.idx.msk [tilespmem:v30+s20+$0x0], $0xffff  }
0x29d: {  	v32 =	vadd.s32 s25, v5;
	v13 =	vand.u32 $0x7FFFFFFF, v16;
	v30 =	vadd.s32 s25, v3;
	v11 =	vld.idx.msk [tilespmem:v20+s20+$0x0], $0xffff  }
0x29e: {  	v17 =	vand.u32 $0x7FFFFFFF, v17;
	v24 =	vsub.f32 v24, v28;
	v21 =	vadd.f32 v21, v37;
	v15 =	vld.idx.msk [tilespmem:v33+s16+$0x0], $0xffff  }
0x29f: {  	v14 =	vadd.f32 v13, v14;
	v28 =	vadd.s32 s25, v0;
	v12 =	vadd.f32 v17, v12;
	v16 =	vld.idx.msk [tilespmem:v33+s18+$0x0], $0xffff  }
0x2a0: {  	v17 =	vand.u32 $0x7FFFFFFF, v24;
	v21 =	vsub.f32 v21, v27;
	v22 =	vadd.f32 v22, v18;
	v13 =	vld.idx.msk [tilespmem:v23+s20+$0x0], $0xffff  }
.Ltmp14:
0x2a1: {  	v14 =	vadd.f32 v25, v14;
	v24 =	vand.u32 $0x7F, v32;
	v12 =	vadd.f32 v17, v12;
	v18 =	vld.idx.msk [tilespmem:v20+s16+$0x0], $0xffff;
	(pc) =	sbr.rel @p0 .LBB2_31-.Ltmp14, $4  }
0x2a2: {  	v25 =	vand.u32 $0x7F, v30;
	v27 =	vand.u32 $0x7FFFFFFF, v21;
	v29 =	vsub.f32 v22, v29;
	v20 =	vld.idx.msk [tilespmem:v20+s18+$0x0], $0xffff  }
0x2a3: {  	v14 =	vadd.f32 v26, v14;
	v21 =	vor.u32 v9, v24;
	v12 =	vadd.f32 v27, v12;
	v17 =	vld.idx.msk [tilespmem:v19+s20+$0x0], $0xffff  }
0x2a4: {  	v26 =	vand.u32 $0x7F, v28;
	v24 =	vor.u32 v9, v25;
	v27 =	vand.u32 $0x7FFFFFFF, v29;
	v22 =	vld.idx.msk [tilespmem:v23+s16+$0x0], $0xffff  }
0x2a5: {  	s25 =	sadd.s32 $0x8, s25;
	v25 =	vor.u32 v9, v26;
	v14 =	vadd.f32 v31, v14;
	v12 =	vadd.f32 v27, v12;
	v23 =	vld.idx.msk [tilespmem:v23+s18+$0x0], $0xffff  }
0x2a6: {  	_ =	sdelay $0x3  }
0x2a7: {  	v26 =	vld.idx.msk [tilespmem:v19+s16+$0x0], $0xffff  }
0x2a8: {  	v45 =	vld.idx.msk [tilespmem:v19+s18+$0x0], $0xffff  }
0x2a9: {  	v31 =	vld.idx.msk [tilespmem:v25+s16+$0x0], $0xffff  }
0x2aa: {  	v46 =	vld.idx.msk [tilespmem:v25+s18+$0x0], $0xffff  }
0x2ab: {  	v30 =	vadd.s32 s23, v7;
	v47 =	vld.idx.msk [tilespmem:v24+s16+$0x0], $0xffff  }
0x2ac: {  	v48 =	vld.idx.msk [tilespmem:v24+s18+$0x0], $0xffff;
	v30 =	vand.u32 $0x7F, v30  }
0x2ad: {  	v32 =	vld.idx.msk [tilespmem:v21+s16+$0x0], $0xffff;
	v9 =	vor.u32 v9, v30  }
0x2ae: {  	v15 =	vadd.f32 v16, v15;
	v50 =	vld.idx.msk [tilespmem:v21+s18+$0x0], $0xffff  }
0x2af: {  	v29 =	vld.idx.msk [tilespmem:v25+s20+$0x0], $0xffff;
	v18 =	vadd.f32 v20, v18  }
0x2b0: {  	v28 =	vld.idx.msk [tilespmem:v24+s20+$0x0], $0xffff;
	v10 =	vsub.f32 v15, v10  }
0x2b1: {  	v27 =	vld.idx.msk [tilespmem:v21+s20+$0x0], $0xffff;
	v11 =	vsub.f32 v18, v11;
	v51 =	vadd.f32 v23, v22  }
0x2b2: {  	v49 =	vadd.f32 v45, v26;
	v53 =	vadd.f32 v46, v31;
	v52 =	vld.idx.msk [tilespmem:v9+s16+$0x0], $0xffff  }
0x2b3: {  	v56 =	vadd.f32 v48, v47;
	v19 =	vadd.f32 v50, v32;
	v54 =	vld.idx.msk [tilespmem:v9+s18+$0x0], $0xffff  }
0x2b4: {  	v16 =	vsub.f32 v49, v17;
	v55 =	vsub.f32 v53, v29  }
0x2b5: {  	v13 =	vsub.f32 v51, v13;
	v9 =	vld.idx.msk [tilespmem:v9+s20+$0x0], $0xffff;
	v59 =	vsub.f32 v56, v28  }
0x2b6: {  	v61 =	vsub.f32 v19, v27;
	v57 =	vand.u32 $0x7FFFFFFF, v16;
	v58 =	vand.u32 $0x7FFFFFFF, v55  }
0x2b7: {  	v12 =	vadd.f32 v58, v12;
	v14 =	vadd.f32 v57, v14  }
0x2b8: {  	v13 =	vand.u32 $0x7FFFFFFF, v13;
	v60 =	vand.u32 $0x7FFFFFFF, v59;
	v62 =	vadd.f32 v54, v52  }
0x2b9: {  	v12 =	vadd.f32 v60, v12;
	v13 =	vadd.f32 v13, v14  }
0x2ba: {  	v11 =	vand.u32 $0x7FFFFFFF, v11;
	v63 =	vand.u32 $0x7FFFFFFF, v61;
	v9 =	vsub.f32 v62, v9  }
0x2bb: {  	v12 =	vadd.f32 v63, v12;
	v11 =	vadd.f32 v11, v13  }
0x2bc: {  	v10 =	vand.u32 $0x7FFFFFFF, v10;
	v9 =	vand.u32 $0x7FFFFFFF, v9  }
0x2bd: {  	s19 =	sadd.s32 $0x1, s19;
	v10 =	vadd.f32 v10, v11;
	v9 =	vadd.f32 v9, v12  }
0x2be: {  	p0 =	sne.s32 s19, $0x4  }
.Ltmp15:
0x2bf: {  	v9 =	vadd.f32 v10, v9;
	(pc) =	sbr.rel @p0 .LBB2_30-.Ltmp15, $3  }
0x2c0: {  	_ = 	snop  }
0x2c1: {  	v9 =	vsub.f32 $1.200000000e+01, v9;
	_ =	sdelay $0x1  }
0x2c2: {  	[tilespmem:s21+$0x12DC0] =	vst v9  }
0x2c3: {  	s13 =	sadd.s32 $0x1, s13  }
0x2c4: {  	p0 =	sne.s32 s13, s7  }
.Ltmp16:
0x2c5: {  	_ = 	snop;
	(pc) =	sbr.rel @p0 .LBB2_1-.Ltmp16, $4  }
0x2c6: {  	[hbm4b:s6+s4] =	stream.linear.scatter [tilespmem:s11], [sflag:$0x4], $0x200, $0x38;
	[tilespmem:$0x12E00] =	vst v63  }
0x2c7: {  	_ =	swait.ge [sflag:s8], $0x200  }
0x2c8: {  	[sflag:s8] =	ssyncset.done $0x0  }
0x2c9: {  	[sflag:s8] =	ssyncadd.s32 $0xFFFFFE00  }
0x2ca: {  	_ =	sfence.sel $0x180000  }
0x2cb: {  	[bflag:$0x0] =	sbarrier.arrive $0xFFFF  }
0x2cc: {  	_ =	strace $0x90000047  }
0x2cd: {  	s0 =	stileid.u32;
	[bflag:$0x2] =	sbarrier.arrive $0xFFFF  }
0x2ce: {  	p0 =	sne.s32 s0, $0x0;
	s0 =	rddreg [dreg:$0x4]  }
0x2cf: {  	s0 =	sadd.s32 @!p0 $0x100000, s0  }
0x2d0: {  	[sflag:s0] =	ssyncadd.tile.s32 @!p0 $0x1;
	_ =	shalt  }
.Lfunc_end2:
_tile_overlayer_lowered:
.L_overlay_start_2:
0x2d1: {  	(tag) =	ssettag $0x2  }
0x2d2: {  	s0 =	rddreg [dreg:$0x0];
	s2 =	stileid.u32  }
0x2d3: {  	s1 =	rddreg [dreg:$0x1];
	p0 =	sne.s32 s2, $0x0  }
0x2d4: {  	s3 =	rddreg [dreg:$0x2];
	[bflag:$0x3] =	sbarrier.arrive $0xFFFF;
	s2 =	simm.s32 @!p0 $0x1C04  }
0x2d5: {  	[timem:s3], [sflag:s2] =	dma.local @!p0 [hbm:s0], s1  }
0x2d6: {  	s0 =	simm.s32 @!p0 $0x4  }
0x2d7: {  	_ =	swait.ge @!p0 [sflag:s0], s1  }
0x2d8: {  	s1 =	ssub.s32 @!p0 $0x0, s1;
	[sflag:s0] =	ssyncset.done @!p0 $0x0  }
0x2d9: {  	[sflag:s0] =	ssyncadd.s32 @!p0 s1  }
0x2da: {  	[bflag:$0x3] =	sbarrier.arrive $0xFFFF  }
0x2db: {  	_ =	shalt  }

</sc_bundles>
